<compile_context>
chip_gen: v7x
topology: tpu7x:2x2x1
jax: 0.10.2.dev20260603
libtpu: 0.0.44.dev20260713+nightly
codegen_flags: <defaults>
</compile_context>

<pallas_src>
import jax
import jax.numpy as jnp
from jax import lax
from jax.experimental import pallas as pl
from jax.experimental.pallas import tpu as pltpu
from jax.experimental.pallas import tpu_sc as plsc

N = 10000
E = 320000
D = 128
LABELS = 64
BM = 2000

NC = 2
NS = 16
NW = NC * NS
EPW = E // NW

C = 125
NCH = EPW // C
RPT = N // NS
RCH = RPT // C
DW = 128

CB = 80
NCHB = EPW // CB

WRT = 640
WLAST_BASE = WRT * (NS - 1)
WLAST = N - WLAST_BASE


def _make_sc_deg():

    def body(dst_hbm, deg_out, dst_v, ones_v, deg_sh, sem):
        cid = lax.axis_index("c")
        sid = lax.axis_index("s")
        wid = cid * NS + sid
        pltpu.sync_copy(dst_hbm.at[wid], dst_v)

        zv = jnp.zeros((16,), jnp.float32)

        def zrow(r, _):
            for col in range(DW // 16):
                ones_v[r, pl.ds(col * 16, 16)] = zv
            return 0

        lax.fori_loop(0, C, zrow, 0)
        base = sid * RPT
        for i in range(RCH):
            pltpu.sync_copy(ones_v, deg_sh.at[pl.ds(base + i * C, C)])

        ov = jnp.ones((16,), jnp.float32)

        def orow(r, _):
            for col in range(DW // 16):
                ones_v[r, pl.ds(col * 16, 16)] = ov
            return 0

        lax.fori_loop(0, C, orow, 0)
        plsc.subcore_barrier()

        def chunk(j, _):
            pltpu.sync_copy(ones_v, deg_sh.at[dst_v.at[j]], add=True)
            return 0

        lax.fori_loop(0, NCH, chunk, 0)
        plsc.subcore_barrier()

        wbase = sid * WRT

        @pl.when(sid < NS - 1)
        def _():
            pltpu.sync_copy(deg_sh.at[pl.ds(wbase, WRT)],
                            deg_out.at[cid, pl.ds(wbase, WRT)])

        @pl.when(sid == NS - 1)
        def _():
            pltpu.sync_copy(deg_sh.at[pl.ds(WLAST_BASE, WLAST)],
                            deg_out.at[cid, pl.ds(WLAST_BASE, WLAST)])

    mesh = plsc.VectorSubcoreMesh(core_axis_name="c", subcore_axis_name="s",
                                  num_cores=NC, num_subcores=NS)
    return pl.kernel(
        body,
        out_type=jax.ShapeDtypeStruct((NC, N, DW), jnp.float32),
        mesh=mesh,
        scratch_types=[
            pltpu.VMEM((NCH, C), jnp.int32),
            pltpu.VMEM((C, DW), jnp.float32),
            pltpu.VMEM_SHARED((N, DW), jnp.float32),
            pltpu.SemaphoreType.DMA,
        ],
        name="sc_deg")


def _make_sc_agg():
    out_type = [jax.ShapeDtypeStruct((NC, N, D), jnp.float32)]
    scratch = [
        pltpu.VMEM((NCHB, CB), jnp.int32),
        pltpu.VMEM((1, CB), jnp.int32),
        pltpu.VMEM((1, CB), jnp.int32),
        pltpu.VMEM((1, CB), jnp.int32),
        pltpu.VMEM((1, CB), jnp.int32),
        pltpu.VMEM((CB, D), jnp.float32),
        pltpu.VMEM((CB, D), jnp.float32),
        pltpu.VMEM_SHARED((N, D), jnp.float32),
        pltpu.SemaphoreType.DMA,
        pltpu.SemaphoreType.DMA,
    ]

    def body(y_hbm, packed_hbm, *rest):
        (agg_out, packed_v, srcc0, srcc1, dstc0, dstc1,
         stage0, stage1, agg_sh, sems0, sems1) = rest
        cid = lax.axis_index("c")
        sid = lax.axis_index("s")
        wid = cid * NS + sid

        pltpu.sync_copy(packed_hbm.at[wid], packed_v)

        zv = jnp.zeros((16,), jnp.float32)

        def zrow(r, _):
            for col in range(D // 16):
                stage0[r, pl.ds(col * 16, 16)] = zv
            return 0

        lax.fori_loop(0, CB, zrow, 0)

        base = sid * RPT
        for i in range(RPT // CB):
            pltpu.sync_copy(stage0, agg_sh.at[pl.ds(base + i * CB, CB)])
        rem = RPT % CB
        if rem:
            pltpu.sync_copy(stage0.at[pl.ds(0, rem)],
                            agg_sh.at[pl.ds(base + RPT - rem, rem)])

        plsc.subcore_barrier()

        srccs = (srcc0, srcc1)
        dstcs = (dstc0, dstc1)
        stages = (stage0, stage1)
        semss = (sems0, sems1)

        def unpack(c, b):
            for k in range(CB // 16):
                p = packed_v[c, pl.ds(k * 16, 16)]
                srccs[b][0, pl.ds(k * 16, 16)] = p >> 14
                dstcs[b][0, pl.ds(k * 16, 16)] = p & 16383

        def pair(g, _):
            for b in range(2):
                c = 2 * g + b

                @pl.when(g >= 1)
                def _():
                    pltpu.make_async_copy(
                        stages[b], agg_sh.at[dstcs[b].at[0]],
                        semss[b]).wait()

                unpack(c, b)
                pltpu.sync_copy(y_hbm.at[srccs[b].at[0]], stages[b])
                pltpu.async_copy(stages[b], agg_sh.at[dstcs[b].at[0]],
                                 semss[b], add=True)
            return 0

        lax.fori_loop(0, NCHB // 2, pair, 0)
        if NCHB % 2:
            pltpu.make_async_copy(stages[0], agg_sh.at[dstcs[0].at[0]],
                                  semss[0]).wait()
            unpack(NCHB - 1, 0)
            pltpu.sync_copy(y_hbm.at[srccs[0].at[0]], stages[0])
            pltpu.async_copy(stages[0], agg_sh.at[dstcs[0].at[0]],
                             semss[0], add=True)
        for b in range(2):
            pltpu.make_async_copy(stages[b], agg_sh.at[dstcs[b].at[0]],
                                  semss[b]).wait()

        plsc.subcore_barrier()

        wbase = sid * WRT

        @pl.when(sid < NS - 1)
        def _():
            pltpu.sync_copy(agg_sh.at[pl.ds(wbase, WRT)],
                            agg_out.at[cid, pl.ds(wbase, WRT)])

        @pl.when(sid == NS - 1)
        def _():
            pltpu.sync_copy(agg_sh.at[pl.ds(WLAST_BASE, WLAST)],
                            agg_out.at[cid, pl.ds(WLAST_BASE, WLAST)])

    mesh = plsc.VectorSubcoreMesh(core_axis_name="c", subcore_axis_name="s",
                                  num_cores=NC, num_subcores=NS)
    return pl.kernel(body, out_type=tuple(out_type), mesh=mesh,
                     scratch_types=scratch, name="sc_seg_sum")


_sc_deg = _make_sc_deg()
_sc_agg = _make_sc_agg()

_PREC = lax.Precision.HIGHEST


def _pre_body(x_ref, wl_ref, y_ref):
    y_ref[...] = jnp.dot(x_ref[...], wl_ref[...].T,
                         preferred_element_type=jnp.float32, precision=_PREC)


def _elu(z):
    return jnp.where(z > 0, z, jnp.exp(jnp.minimum(z, 0.0)) - 1.0)


def _mid_body(agg_ref, deg_ref, x_ref, wr_ref, bl_ref, wln_ref, h_ref, y2_ref):
    deg = deg_ref[0, :, 0:1] + deg_ref[1, :, 0:1]
    rdeg = 1.0 / jnp.maximum(deg, 1.0)
    mean = (agg_ref[0] + agg_ref[1]) * rdeg
    root = jnp.dot(x_ref[...], wr_ref[...].T,
                   preferred_element_type=jnp.float32, precision=_PREC)
    h = _elu(mean + bl_ref[...] + root)
    h_ref[...] = h
    y2_ref[...] = jnp.dot(h, wln_ref[...].T,
                          preferred_element_type=jnp.float32, precision=_PREC)


def _fin_body(agg_ref, deg_ref, h_ref, wr_ref, bl_ref, wf_ref, bf_ref, o_ref):
    deg = deg_ref[0, :, 0:1] + deg_ref[1, :, 0:1]
    rdeg = 1.0 / jnp.maximum(deg, 1.0)
    mean = (agg_ref[0] + agg_ref[1]) * rdeg
    root = jnp.dot(h_ref[...], wr_ref[...].T,
                   preferred_element_type=jnp.float32, precision=_PREC)
    h2 = _elu(mean + bl_ref[...] + root)
    logits = jnp.dot(h2, wf_ref[...].T,
                     preferred_element_type=jnp.float32, precision=_PREC)
    o_ref[...] = jax.nn.sigmoid(logits + bf_ref[...])


def kernel(x, edge_index, Wl1, bl1, Wr1, Wl2, bl2, Wr2, Wf, bf):
    src_i = edge_index[0].astype(jnp.int32)
    dst_i = edge_index[1].astype(jnp.int32)
    packed = ((src_i << 14) | dst_i).reshape(NW, NCHB, CB)
    dst_d = dst_i.reshape(NW, NCH, C)
    bl1r = bl1.reshape(1, D)
    bl2r = bl2.reshape(1, D)
    bfr = bf.reshape(1, LABELS)

    y1 = pl.pallas_call(
        _pre_body,
        out_shape=jax.ShapeDtypeStruct((N, D), jnp.float32),
    )(x, Wl1)

    deg = _sc_deg(dst_d)[:, :, :8]
    (agg1,) = _sc_agg(y1, packed)

    h, y2 = pl.pallas_call(
        _mid_body,
        grid=(N // BM,),
        in_specs=[
            pl.BlockSpec((NC, BM, D), lambda i: (0, i, 0)),
            pl.BlockSpec((NC, BM, 8), lambda i: (0, i, 0)),
            pl.BlockSpec((BM, D), lambda i: (i, 0)),
            pl.BlockSpec((D, D), lambda i: (0, 0)),
            pl.BlockSpec((1, D), lambda i: (0, 0)),
            pl.BlockSpec((D, D), lambda i: (0, 0)),
        ],
        out_specs=[pl.BlockSpec((BM, D), lambda i: (i, 0)),
                   pl.BlockSpec((BM, D), lambda i: (i, 0))],
        out_shape=[jax.ShapeDtypeStruct((N, D), jnp.float32),
                   jax.ShapeDtypeStruct((N, D), jnp.float32)],
    )(agg1, deg, x, Wr1, bl1r, Wl2)

    (agg2,) = _sc_agg(y2, packed)

    out = pl.pallas_call(
        _fin_body,
        grid=(N // BM,),
        in_specs=[
            pl.BlockSpec((NC, BM, D), lambda i: (0, i, 0)),
            pl.BlockSpec((NC, BM, 8), lambda i: (0, i, 0)),
            pl.BlockSpec((BM, D), lambda i: (i, 0)),
            pl.BlockSpec((D, D), lambda i: (0, 0)),
            pl.BlockSpec((1, D), lambda i: (0, 0)),
            pl.BlockSpec((LABELS, D), lambda i: (0, 0)),
            pl.BlockSpec((1, LABELS), lambda i: (0, 0)),
        ],
        out_specs=pl.BlockSpec((BM, LABELS), lambda i: (i, 0)),
        out_shape=jax.ShapeDtypeStruct((N, LABELS), jnp.float32),
    )(agg2, deg, h, Wr2, bl2r, Wf, bfr)
    return out

# --- scband reference (transcript-rebuilt; emitter-appended) ---
"""Pipeline reference for scband-sage-4836133175914 (READ-ONLY COPY).

The authoritative reference and input builder live on the scoring server;
editing this copy changes nothing except your own understanding.
"""

import jax, jax.numpy as jnp
import numpy as np

N_NODES = 10000
N_EDGES = 320000
D_FEAT = 128
HIDDEN = 128
EMBED = 128
NUM_LABELS = 64


def sage_conv(x, edge_index, Wl, bl, Wr):
    # PyG SAGEConv (aggr='mean', root_weight=True): out = lin_l(mean_j x_j) + lin_r(x_i)
    src = edge_index[0]
    dst = edge_index[1]
    n = x.shape[0]
    msg = x[src]  # gather: [E, d]
    agg = jax.ops.segment_sum(msg, dst, num_segments=n)  # scatter-add
    deg = jax.ops.segment_sum(jnp.ones((src.shape[0],), dtype=x.dtype), dst, num_segments=n)
    mean = agg / jnp.clip(deg, 1.0, None)[:, None]
    return mean @ Wl.T + bl + x @ Wr.T


def setup_inputs(seed: int = 0) -> dict:
    key = jax.random.key(seed)
    ks = jax.random.split(key, 12)
    x = jax.random.normal(ks[0], (N_NODES, D_FEAT), dtype=jnp.float32)
    edge_index = jax.random.randint(ks[1], (2, N_EDGES), 0, N_NODES, dtype=jnp.int64)
    s = 0.05
    Wl1 = jax.random.normal(ks[2], (HIDDEN, D_FEAT), dtype=jnp.float32) * s
    bl1 = jnp.zeros((HIDDEN,), dtype=jnp.float32)
    Wr1 = jax.random.normal(ks[3], (HIDDEN, D_FEAT), dtype=jnp.float32) * s
    Wl2 = jax.random.normal(ks[4], (EMBED, HIDDEN), dtype=jnp.float32) * s
    bl2 = jnp.zeros((EMBED,), dtype=jnp.float32)
    Wr2 = jax.random.normal(ks[5], (EMBED, HIDDEN), dtype=jnp.float32) * s
    Wf = jax.random.normal(ks[6], (NUM_LABELS, EMBED), dtype=jnp.float32) * s
    bf = jnp.zeros((NUM_LABELS,), dtype=jnp.float32)
    return {"x": x, "edge_index": edge_index, "Wl1": Wl1, "bl1": bl1, "Wr1": Wr1,
            "Wl2": Wl2, "bl2": bl2, "Wr2": Wr2, "Wf": Wf, "bf": bf}


def reference(x, edge_index, Wl1, bl1, Wr1, Wl2, bl2, Wr2, Wf, bf):
    # dropout p=0.0 -> identity
    h = jax.nn.elu(sage_conv(x, edge_index, Wl1, bl1, Wr1))
    h = jax.nn.elu(sage_conv(h, edge_index, Wl2, bl2, Wr2))
    logits = h @ Wf.T + bf
    return jax.nn.sigmoid(logits)

if __name__ == "__main__":
    import jax
    _d = setup_inputs()
    print(jax.jit(kernel)(*tuple(_d.values())))

</pallas_src>

<mosaic_0001>
#map = affine_map<(d0, d1) -> (0, 0)>
#map1 = affine_map<(d0, d1) -> (0, 0, 0)>
module attributes {stable_mosaic.version = 14 : i64} {
  func.func @sc_seg_sum(%arg0: i32, %arg1: i32, %arg2: memref<10000x128xf32, #tpu.memory_space<hbm>>, %arg3: memref<32x125x80xi32, #tpu.memory_space<hbm>>, %arg4: memref<2x10000x128xf32, #tpu.memory_space<hbm>>, %arg5: memref<125x80xi32, #tpu.memory_space<vmem>>, %arg6: memref<1x80xi32, #tpu.memory_space<vmem>>, %arg7: memref<1x80xi32, #tpu.memory_space<vmem>>, %arg8: memref<1x80xi32, #tpu.memory_space<vmem>>, %arg9: memref<1x80xi32, #tpu.memory_space<vmem>>, %arg10: memref<80x128xf32, #tpu.memory_space<vmem>>, %arg11: memref<80x128xf32, #tpu.memory_space<vmem>>, %arg12: memref<10000x128xf32, #tpu.memory_space<vmem_shared>>, %arg13: memref<!tpu.dma_semaphore, #tpu.memory_space<semaphore_mem>>, %arg14: memref<!tpu.dma_semaphore, #tpu.memory_space<semaphore_mem>>) attributes {dimension_semantics = [#tpu.dimension_semantics<core_parallel>, #tpu.dimension_semantics<subcore_parallel>], iteration_bounds = array<i64: 2, 16>, scalar_prefetch = 0 : i64, scratch_operands = 10 : i64, tpu.core_type = #tpu.core_type<sc_vector_subcore>, window_params = [{transform_indices = #map}, {transform_indices = #map1}, {transform_indices = #map1}]} {
    %mul3A = arith.constant 16 : i32
    %mul3A_0 = arith.muli %arg0, %mul3A : i32
    %add3A = arith.addi %mul3A_0, %arg1 : i32
    "tpu.region"() ({
      %run_scoped3A_180 = tpu.sem_alloc : memref<!tpu.dma_semaphore, #tpu.memory_space<semaphore_mem>>
      %dma_start3A_181 = arith.constant 0 : i32
      %dma_start3A_182 = arith.constant 0 : i32
      %dma_start3A_183 = tpu.memref_slice %arg3[%add3A, %dma_start3A_181, %dma_start3A_182] : memref<32x125x80xi32, #tpu.memory_space<hbm>> -> memref<1x125x80xi32, #tpu.memory_space<hbm>>
      %dma_start3A_184 = tpu.memref_squeeze %dma_start3A_183 : memref<1x125x80xi32, #tpu.memory_space<hbm>> -> memref<125x80xi32, #tpu.memory_space<hbm>>
      %dma_start3A_185 = arith.constant 0 : i32
      %dma_start3A_186 = arith.constant 0 : i32
      %dma_start3A_187 = tpu.memref_slice %arg3[%add3A, %dma_start3A_185, %dma_start3A_186] : memref<32x125x80xi32, #tpu.memory_space<hbm>> -> memref<1x125x80xi32, #tpu.memory_space<hbm>>
      %dma_start3A_188 = tpu.memref_squeeze %dma_start3A_187 : memref<1x125x80xi32, #tpu.memory_space<hbm>> -> memref<125x80xi32, #tpu.memory_space<hbm>>
      tpu.enqueue_dma source(%dma_start3A_188 : memref<125x80xi32, #tpu.memory_space<hbm>>) target(%arg5 : memref<125x80xi32, #tpu.memory_space<vmem>>) target_semaphore(%run_scoped3A_180 : memref<!tpu.dma_semaphore, #tpu.memory_space<semaphore_mem>>)
      %dma_wait3A_189 = arith.constant 0 : i32
      %dma_wait3A_190 = arith.constant 0 : i32
      %dma_wait3A_191 = tpu.memref_slice %arg3[%add3A, %dma_wait3A_189, %dma_wait3A_190] : memref<32x125x80xi32, #tpu.memory_space<hbm>> -> memref<1x125x80xi32, #tpu.memory_space<hbm>>
      %dma_wait3A_192 = tpu.memref_squeeze %dma_wait3A_191 : memref<1x125x80xi32, #tpu.memory_space<hbm>> -> memref<125x80xi32, #tpu.memory_space<hbm>>
      %dma_wait3A_193 = arith.constant 0 : i32
      %dma_wait3A_194 = arith.constant 0 : i32
      %dma_wait3A_195 = tpu.memref_slice %arg3[%add3A, %dma_wait3A_193, %dma_wait3A_194] : memref<32x125x80xi32, #tpu.memory_space<hbm>> -> memref<1x125x80xi32, #tpu.memory_space<hbm>>
      %dma_wait3A_196 = tpu.memref_squeeze %dma_wait3A_195 : memref<1x125x80xi32, #tpu.memory_space<hbm>> -> memref<125x80xi32, #tpu.memory_space<hbm>>
      tpu.wait_dma2 semaphore(%run_scoped3A_180 : memref<!tpu.dma_semaphore, #tpu.memory_space<semaphore_mem>>) src(%dma_wait3A_196 : memref<125x80xi32, #tpu.memory_space<hbm>>) dst(%arg5 : memref<125x80xi32, #tpu.memory_space<vmem>>)
      tpu.yield
    }) : () -> ()
    %broadcast_in_dim3A = arith.constant 0.000000e+00 : f32
    %broadcast_in_dim3A_1 = vector.broadcast %broadcast_in_dim3A : f32 to vector<16xf32>
    %scan3A = arith.constant 0 : i32
    %scan3A_2 = arith.constant 0 : i32
    %scan3A_3 = arith.constant 80 : i32
    %scan3A_4 = arith.addi %scan3A_2, %scan3A_3 : i32
    %scan3A_5 = arith.constant 1 : i32
    %scan3A_6 = scf.for %scan3A_180 = %scan3A_2 to %scan3A_4 step %scan3A_5 iter_args(%scan3A_181 = %scan3A) -> (i32)  : i32 {
      %swap3A_182 = arith.index_cast %scan3A_180 : i32 to index
      %swap3A_183 = arith.constant 0 : index
      %swap3A_184 = tpu.vector_load %arg10[%swap3A_182, %swap3A_183] {strides = array<i32>} : memref<80x128xf32, #tpu.memory_space<vmem>>, vector<1x16xf32>,
      %swap3A_185 = vector.shape_cast %swap3A_184 : vector<1x16xf32> to vector<16xf32>
      %swap3A_186 = vector.shape_cast %broadcast_in_dim3A_1 : vector<16xf32> to vector<1x16xf32>
      tpu.vector_store %arg10[%swap3A_182, %swap3A_183], %swap3A_186 {strides = array<i32>} : memref<80x128xf32, #tpu.memory_space<vmem>>, vector<1x16xf32>,
      %swap3A_187 = arith.index_cast %scan3A_180 : i32 to index
      %swap3A_188 = arith.constant 16 : index
      %swap3A_189 = tpu.vector_load %arg10[%swap3A_187, %swap3A_188] {strides = array<i32>} : memref<80x128xf32, #tpu.memory_space<vmem>>, vector<1x16xf32>,
      %swap3A_190 = vector.shape_cast %swap3A_189 : vector<1x16xf32> to vector<16xf32>
      %swap3A_191 = vector.shape_cast %broadcast_in_dim3A_1 : vector<16xf32> to vector<1x16xf32>
      tpu.vector_store %arg10[%swap3A_187, %swap3A_188], %swap3A_191 {strides = array<i32>} : memref<80x128xf32, #tpu.memory_space<vmem>>, vector<1x16xf32>,
      %swap3A_192 = arith.index_cast %scan3A_180 : i32 to index
      %swap3A_193 = arith.constant 32 : index
      %swap3A_194 = tpu.vector_load %arg10[%swap3A_192, %swap3A_193] {strides = array<i32>} : memref<80x128xf32, #tpu.memory_space<vmem>>, vector<1x16xf32>,
      %swap3A_195 = vector.shape_cast %swap3A_194 : vector<1x16xf32> to vector<16xf32>
      %swap3A_196 = vector.shape_cast %broadcast_in_dim3A_1 : vector<16xf32> to vector<1x16xf32>
      tpu.vector_store %arg10[%swap3A_192, %swap3A_193], %swap3A_196 {strides = array<i32>} : memref<80x128xf32, #tpu.memory_space<vmem>>, vector<1x16xf32>,
      %swap3A_197 = arith.index_cast %scan3A_180 : i32 to index
      %swap3A_198 = arith.constant 48 : index
      %swap3A_199 = tpu.vector_load %arg10[%swap3A_197, %swap3A_198] {strides = array<i32>} : memref<80x128xf32, #tpu.memory_space<vmem>>, vector<1x16xf32>,
      %swap3A_200 = vector.shape_cast %swap3A_199 : vector<1x16xf32> to vector<16xf32>
      %swap3A_201 = vector.shape_cast %broadcast_in_dim3A_1 : vector<16xf32> to vector<1x16xf32>
      tpu.vector_store %arg10[%swap3A_197, %swap3A_198], %swap3A_201 {strides = array<i32>} : memref<80x128xf32, #tpu.memory_space<vmem>>, vector<1x16xf32>,
      %swap3A_202 = arith.index_cast %scan3A_180 : i32 to index
      %swap3A_203 = arith.constant 64 : index
      %swap3A_204 = tpu.vector_load %arg10[%swap3A_202, %swap3A_203] {strides = array<i32>} : memref<80x128xf32, #tpu.memory_space<vmem>>, vector<1x16xf32>,
      %swap3A_205 = vector.shape_cast %swap3A_204 : vector<1x16xf32> to vector<16xf32>
      %swap3A_206 = vector.shape_cast %broadcast_in_dim3A_1 : vector<16xf32> to vector<1x16xf32>
      tpu.vector_store %arg10[%swap3A_202, %swap3A_203], %swap3A_206 {strides = array<i32>} : memref<80x128xf32, #tpu.memory_space<vmem>>, vector<1x16xf32>,
      %swap3A_207 = arith.index_cast %scan3A_180 : i32 to index
      %swap3A_208 = arith.constant 80 : index
      %swap3A_209 = tpu.vector_load %arg10[%swap3A_207, %swap3A_208] {strides = array<i32>} : memref<80x128xf32, #tpu.memory_space<vmem>>, vector<1x16xf32>,
      %swap3A_210 = vector.shape_cast %swap3A_209 : vector<1x16xf32> to vector<16xf32>
      %swap3A_211 = vector.shape_cast %broadcast_in_dim3A_1 : vector<16xf32> to vector<1x16xf32>
      tpu.vector_store %arg10[%swap3A_207, %swap3A_208], %swap3A_211 {strides = array<i32>} : memref<80x128xf32, #tpu.memory_space<vmem>>, vector<1x16xf32>,
      %swap3A_212 = arith.index_cast %scan3A_180 : i32 to index
      %swap3A_213 = arith.constant 96 : index
      %swap3A_214 = tpu.vector_load %arg10[%swap3A_212, %swap3A_213] {strides = array<i32>} : memref<80x128xf32, #tpu.memory_space<vmem>>, vector<1x16xf32>,
      %swap3A_215 = vector.shape_cast %swap3A_214 : vector<1x16xf32> to vector<16xf32>
      %swap3A_216 = vector.shape_cast %broadcast_in_dim3A_1 : vector<16xf32> to vector<1x16xf32>
      tpu.vector_store %arg10[%swap3A_212, %swap3A_213], %swap3A_216 {strides = array<i32>} : memref<80x128xf32, #tpu.memory_space<vmem>>, vector<1x16xf32>,
      %swap3A_217 = arith.index_cast %scan3A_180 : i32 to index
      %swap3A_218 = arith.constant 112 : index
      %swap3A_219 = tpu.vector_load %arg10[%swap3A_217, %swap3A_218] {strides = array<i32>} : memref<80x128xf32, #tpu.memory_space<vmem>>, vector<1x16xf32>,
      %swap3A_220 = vector.shape_cast %swap3A_219 : vector<1x16xf32> to vector<16xf32>
      %swap3A_221 = vector.shape_cast %broadcast_in_dim3A_1 : vector<16xf32> to vector<1x16xf32>
      tpu.vector_store %arg10[%swap3A_217, %swap3A_218], %swap3A_221 {strides = array<i32>} : memref<80x128xf32, #tpu.memory_space<vmem>>, vector<1x16xf32>,
      %scan3A_222 = arith.constant 0 : i32
      scf.yield %scan3A_222 : i32
    }
    %scan3A_7 = arith.constant 80 : i32
    %mul3A_8 = arith.constant 625 : i32
    %mul3A_9 = arith.muli %arg1, %mul3A_8 : i32
    %add3A_10 = arith.constant 0 : i32
    %add3A_11 = arith.addi %mul3A_9, %add3A_10 : i32
    "tpu.region"() ({
      %run_scoped3A_180 = tpu.sem_alloc : memref<!tpu.dma_semaphore, #tpu.memory_space<semaphore_mem>>
      %dma_start3A_181 = arith.constant 0 : i32
      %dma_start3A_182 = tpu.memref_slice %arg12[%add3A_11, %dma_start3A_181] : memref<10000x128xf32, #tpu.memory_space<vmem_shared>> -> memref<80x128xf32, #tpu.memory_space<vmem_shared>>
      %dma_start3A_183 = arith.constant 0 : i32
      %dma_start3A_184 = tpu.memref_slice %arg12[%add3A_11, %dma_start3A_183] : memref<10000x128xf32, #tpu.memory_space<vmem_shared>> -> memref<80x128xf32, #tpu.memory_space<vmem_shared>>
      tpu.enqueue_dma source(%arg10 : memref<80x128xf32, #tpu.memory_space<vmem>>) target(%dma_start3A_184 : memref<80x128xf32, #tpu.memory_space<vmem_shared>>) target_semaphore(%run_scoped3A_180 : memref<!tpu.dma_semaphore, #tpu.memory_space<semaphore_mem>>)
      %dma_wait3A_185 = arith.constant 0 : i32
      %dma_wait3A_186 = tpu.memref_slice %arg12[%add3A_11, %dma_wait3A_185] : memref<10000x128xf32, #tpu.memory_space<vmem_shared>> -> memref<80x128xf32, #tpu.memory_space<vmem_shared>>
      %dma_wait3A_187 = arith.constant 0 : i32
      %dma_wait3A_188 = tpu.memref_slice %arg12[%add3A_11, %dma_wait3A_187] : memref<10000x128xf32, #tpu.memory_space<vmem_shared>> -> memref<80x128xf32, #tpu.memory_space<vmem_shared>>
      tpu.wait_dma2 semaphore(%run_scoped3A_180 : memref<!tpu.dma_semaphore, #tpu.memory_space<semaphore_mem>>) src(%arg10 : memref<80x128xf32, #tpu.memory_space<vmem>>) dst(%dma_wait3A_188 : memref<80x128xf32, #tpu.memory_space<vmem_shared>>)
      tpu.yield
    }) : () -> ()
    %add3A_12 = arith.constant 80 : i32
    %add3A_13 = arith.addi %mul3A_9, %add3A_12 : i32
    "tpu.region"() ({
      %run_scoped3A_180 = tpu.sem_alloc : memref<!tpu.dma_semaphore, #tpu.memory_space<semaphore_mem>>
      %dma_start3A_181 = arith.constant 0 : i32
      %dma_start3A_182 = tpu.memref_slice %arg12[%add3A_13, %dma_start3A_181] : memref<10000x128xf32, #tpu.memory_space<vmem_shared>> -> memref<80x128xf32, #tpu.memory_space<vmem_shared>>
      %dma_start3A_183 = arith.constant 0 : i32
      %dma_start3A_184 = tpu.memref_slice %arg12[%add3A_13, %dma_start3A_183] : memref<10000x128xf32, #tpu.memory_space<vmem_shared>> -> memref<80x128xf32, #tpu.memory_space<vmem_shared>>
      tpu.enqueue_dma source(%arg10 : memref<80x128xf32, #tpu.memory_space<vmem>>) target(%dma_start3A_184 : memref<80x128xf32, #tpu.memory_space<vmem_shared>>) target_semaphore(%run_scoped3A_180 : memref<!tpu.dma_semaphore, #tpu.memory_space<semaphore_mem>>)
      %dma_wait3A_185 = arith.constant 0 : i32
      %dma_wait3A_186 = tpu.memref_slice %arg12[%add3A_13, %dma_wait3A_185] : memref<10000x128xf32, #tpu.memory_space<vmem_shared>> -> memref<80x128xf32, #tpu.memory_space<vmem_shared>>
      %dma_wait3A_187 = arith.constant 0 : i32
      %dma_wait3A_188 = tpu.memref_slice %arg12[%add3A_13, %dma_wait3A_187] : memref<10000x128xf32, #tpu.memory_space<vmem_shared>> -> memref<80x128xf32, #tpu.memory_space<vmem_shared>>
      tpu.wait_dma2 semaphore(%run_scoped3A_180 : memref<!tpu.dma_semaphore, #tpu.memory_space<semaphore_mem>>) src(%arg10 : memref<80x128xf32, #tpu.memory_space<vmem>>) dst(%dma_wait3A_188 : memref<80x128xf32, #tpu.memory_space<vmem_shared>>)
      tpu.yield
    }) : () -> ()
    %add3A_14 = arith.constant 160 : i32
    %add3A_15 = arith.addi %mul3A_9, %add3A_14 : i32
    "tpu.region"() ({
      %run_scoped3A_180 = tpu.sem_alloc : memref<!tpu.dma_semaphore, #tpu.memory_space<semaphore_mem>>
      %dma_start3A_181 = arith.constant 0 : i32
      %dma_start3A_182 = tpu.memref_slice %arg12[%add3A_15, %dma_start3A_181] : memref<10000x128xf32, #tpu.memory_space<vmem_shared>> -> memref<80x128xf32, #tpu.memory_space<vmem_shared>>
      %dma_start3A_183 = arith.constant 0 : i32
      %dma_start3A_184 = tpu.memref_slice %arg12[%add3A_15, %dma_start3A_183] : memref<10000x128xf32, #tpu.memory_space<vmem_shared>> -> memref<80x128xf32, #tpu.memory_space<vmem_shared>>
      tpu.enqueue_dma source(%arg10 : memref<80x128xf32, #tpu.memory_space<vmem>>) target(%dma_start3A_184 : memref<80x128xf32, #tpu.memory_space<vmem_shared>>) target_semaphore(%run_scoped3A_180 : memref<!tpu.dma_semaphore, #tpu.memory_space<semaphore_mem>>)
      %dma_wait3A_185 = arith.constant 0 : i32
      %dma_wait3A_186 = tpu.memref_slice %arg12[%add3A_15, %dma_wait3A_185] : memref<10000x128xf32, #tpu.memory_space<vmem_shared>> -> memref<80x128xf32, #tpu.memory_space<vmem_shared>>
      %dma_wait3A_187 = arith.constant 0 : i32
      %dma_wait3A_188 = tpu.memref_slice %arg12[%add3A_15, %dma_wait3A_187] : memref<10000x128xf32, #tpu.memory_space<vmem_shared>> -> memref<80x128xf32, #tpu.memory_space<vmem_shared>>
      tpu.wait_dma2 semaphore(%run_scoped3A_180 : memref<!tpu.dma_semaphore, #tpu.memory_space<semaphore_mem>>) src(%arg10 : memref<80x128xf32, #tpu.memory_space<vmem>>) dst(%dma_wait3A_188 : memref<80x128xf32, #tpu.memory_space<vmem_shared>>)
      tpu.yield
    }) : () -> ()
    %add3A_16 = arith.constant 240 : i32
    %add3A_17 = arith.addi %mul3A_9, %add3A_16 : i32
    "tpu.region"() ({
      %run_scoped3A_180 = tpu.sem_alloc : memref<!tpu.dma_semaphore, #tpu.memory_space<semaphore_mem>>
      %dma_start3A_181 = arith.constant 0 : i32
      %dma_start3A_182 = tpu.memref_slice %arg12[%add3A_17, %dma_start3A_181] : memref<10000x128xf32, #tpu.memory_space<vmem_shared>> -> memref<80x128xf32, #tpu.memory_space<vmem_shared>>
      %dma_start3A_183 = arith.constant 0 : i32
      %dma_start3A_184 = tpu.memref_slice %arg12[%add3A_17, %dma_start3A_183] : memref<10000x128xf32, #tpu.memory_space<vmem_shared>> -> memref<80x128xf32, #tpu.memory_space<vmem_shared>>
      tpu.enqueue_dma source(%arg10 : memref<80x128xf32, #tpu.memory_space<vmem>>) target(%dma_start3A_184 : memref<80x128xf32, #tpu.memory_space<vmem_shared>>) target_semaphore(%run_scoped3A_180 : memref<!tpu.dma_semaphore, #tpu.memory_space<semaphore_mem>>)
      %dma_wait3A_185 = arith.constant 0 : i32
      %dma_wait3A_186 = tpu.memref_slice %arg12[%add3A_17, %dma_wait3A_185] : memref<10000x128xf32, #tpu.memory_space<vmem_shared>> -> memref<80x128xf32, #tpu.memory_space<vmem_shared>>
      %dma_wait3A_187 = arith.constant 0 : i32
      %dma_wait3A_188 = tpu.memref_slice %arg12[%add3A_17, %dma_wait3A_187] : memref<10000x128xf32, #tpu.memory_space<vmem_shared>> -> memref<80x128xf32, #tpu.memory_space<vmem_shared>>
      tpu.wait_dma2 semaphore(%run_scoped3A_180 : memref<!tpu.dma_semaphore, #tpu.memory_space<semaphore_mem>>) src(%arg10 : memref<80x128xf32, #tpu.memory_space<vmem>>) dst(%dma_wait3A_188 : memref<80x128xf32, #tpu.memory_space<vmem_shared>>)
      tpu.yield
    }) : () -> ()
    %add3A_18 = arith.constant 320 : i32
    %add3A_19 = arith.addi %mul3A_9, %add3A_18 : i32
    "tpu.region"() ({
      %run_scoped3A_180 = tpu.sem_alloc : memref<!tpu.dma_semaphore, #tpu.memory_space<semaphore_mem>>
      %dma_start3A_181 = arith.constant 0 : i32
      %dma_start3A_182 = tpu.memref_slice %arg12[%add3A_19, %dma_start3A_181] : memref<10000x128xf32, #tpu.memory_space<vmem_shared>> -> memref<80x128xf32, #tpu.memory_space<vmem_shared>>
      %dma_start3A_183 = arith.constant 0 : i32
      %dma_start3A_184 = tpu.memref_slice %arg12[%add3A_19, %dma_start3A_183] : memref<10000x128xf32, #tpu.memory_space<vmem_shared>> -> memref<80x128xf32, #tpu.memory_space<vmem_shared>>
      tpu.enqueue_dma source(%arg10 : memref<80x128xf32, #tpu.memory_space<vmem>>) target(%dma_start3A_184 : memref<80x128xf32, #tpu.memory_space<vmem_shared>>) target_semaphore(%run_scoped3A_180 : memref<!tpu.dma_semaphore, #tpu.memory_space<semaphore_mem>>)
      %dma_wait3A_185 = arith.constant 0 : i32
      %dma_wait3A_186 = tpu.memref_slice %arg12[%add3A_19, %dma_wait3A_185] : memref<10000x128xf32, #tpu.memory_space<vmem_shared>> -> memref<80x128xf32, #tpu.memory_space<vmem_shared>>
      %dma_wait3A_187 = arith.constant 0 : i32
      %dma_wait3A_188 = tpu.memref_slice %arg12[%add3A_19, %dma_wait3A_187] : memref<10000x128xf32, #tpu.memory_space<vmem_shared>> -> memref<80x128xf32, #tpu.memory_space<vmem_shared>>
      tpu.wait_dma2 semaphore(%run_scoped3A_180 : memref<!tpu.dma_semaphore, #tpu.memory_space<semaphore_mem>>) src(%arg10 : memref<80x128xf32, #tpu.memory_space<vmem>>) dst(%dma_wait3A_188 : memref<80x128xf32, #tpu.memory_space<vmem_shared>>)
      tpu.yield
    }) : () -> ()
    %add3A_20 = arith.constant 400 : i32
    %add3A_21 = arith.addi %mul3A_9, %add3A_20 : i32
    "tpu.region"() ({
      %run_scoped3A_180 = tpu.sem_alloc : memref<!tpu.dma_semaphore, #tpu.memory_space<semaphore_mem>>
      %dma_start3A_181 = arith.constant 0 : i32
      %dma_start3A_182 = tpu.memref_slice %arg12[%add3A_21, %dma_start3A_181] : memref<10000x128xf32, #tpu.memory_space<vmem_shared>> -> memref<80x128xf32, #tpu.memory_space<vmem_shared>>
      %dma_start3A_183 = arith.constant 0 : i32
      %dma_start3A_184 = tpu.memref_slice %arg12[%add3A_21, %dma_start3A_183] : memref<10000x128xf32, #tpu.memory_space<vmem_shared>> -> memref<80x128xf32, #tpu.memory_space<vmem_shared>>
      tpu.enqueue_dma source(%arg10 : memref<80x128xf32, #tpu.memory_space<vmem>>) target(%dma_start3A_184 : memref<80x128xf32, #tpu.memory_space<vmem_shared>>) target_semaphore(%run_scoped3A_180 : memref<!tpu.dma_semaphore, #tpu.memory_space<semaphore_mem>>)
      %dma_wait3A_185 = arith.constant 0 : i32
      %dma_wait3A_186 = tpu.memref_slice %arg12[%add3A_21, %dma_wait3A_185] : memref<10000x128xf32, #tpu.memory_space<vmem_shared>> -> memref<80x128xf32, #tpu.memory_space<vmem_shared>>
      %dma_wait3A_187 = arith.constant 0 : i32
      %dma_wait3A_188 = tpu.memref_slice %arg12[%add3A_21, %dma_wait3A_187] : memref<10000x128xf32, #tpu.memory_space<vmem_shared>> -> memref<80x128xf32, #tpu.memory_space<vmem_shared>>
      tpu.wait_dma2 semaphore(%run_scoped3A_180 : memref<!tpu.dma_semaphore, #tpu.memory_space<semaphore_mem>>) src(%arg10 : memref<80x128xf32, #tpu.memory_space<vmem>>) dst(%dma_wait3A_188 : memref<80x128xf32, #tpu.memory_space<vmem_shared>>)
      tpu.yield
    }) : () -> ()
    %add3A_22 = arith.constant 480 : i32
    %add3A_23 = arith.addi %mul3A_9, %add3A_22 : i32
    "tpu.region"() ({
      %run_scoped3A_180 = tpu.sem_alloc : memref<!tpu.dma_semaphore, #tpu.memory_space<semaphore_mem>>
      %dma_start3A_181 = arith.constant 0 : i32
      %dma_start3A_182 = tpu.memref_slice %arg12[%add3A_23, %dma_start3A_181] : memref<10000x128xf32, #tpu.memory_space<vmem_shared>> -> memref<80x128xf32, #tpu.memory_space<vmem_shared>>
      %dma_start3A_183 = arith.constant 0 : i32
      %dma_start3A_184 = tpu.memref_slice %arg12[%add3A_23, %dma_start3A_183] : memref<10000x128xf32, #tpu.memory_space<vmem_shared>> -> memref<80x128xf32, #tpu.memory_space<vmem_shared>>
      tpu.enqueue_dma source(%arg10 : memref<80x128xf32, #tpu.memory_space<vmem>>) target(%dma_start3A_184 : memref<80x128xf32, #tpu.memory_space<vmem_shared>>) target_semaphore(%run_scoped3A_180 : memref<!tpu.dma_semaphore, #tpu.memory_space<semaphore_mem>>)
      %dma_wait3A_185 = arith.constant 0 : i32
      %dma_wait3A_186 = tpu.memref_slice %arg12[%add3A_23, %dma_wait3A_185] : memref<10000x128xf32, #tpu.memory_space<vmem_shared>> -> memref<80x128xf32, #tpu.memory_space<vmem_shared>>
      %dma_wait3A_187 = arith.constant 0 : i32
      %dma_wait3A_188 = tpu.memref_slice %arg12[%add3A_23, %dma_wait3A_187] : memref<10000x128xf32, #tpu.memory_space<vmem_shared>> -> memref<80x128xf32, #tpu.memory_space<vmem_shared>>
      tpu.wait_dma2 semaphore(%run_scoped3A_180 : memref<!tpu.dma_semaphore, #tpu.memory_space<semaphore_mem>>) src(%arg10 : memref<80x128xf32, #tpu.memory_space<vmem>>) dst(%dma_wait3A_188 : memref<80x128xf32, #tpu.memory_space<vmem_shared>>)
      tpu.yield
    }) : () -> ()
    %add3A_24 = arith.constant 625 : i32
    %add3A_25 = arith.addi %mul3A_9, %add3A_24 : i32
    %sub3A = arith.constant 65 : i32
    %sub3A_26 = arith.subi %add3A_25, %sub3A : i32
    "tpu.region"() ({
      %run_scoped3A_180 = tpu.sem_alloc : memref<!tpu.dma_semaphore, #tpu.memory_space<semaphore_mem>>
      %dma_start3A_181 = arith.constant 0 : i32
      %dma_start3A_182 = arith.constant 0 : i32
      %dma_start3A_183 = tpu.memref_slice %arg10[%dma_start3A_181, %dma_start3A_182] : memref<80x128xf32, #tpu.memory_space<vmem>> -> memref<65x128xf32, #tpu.memory_space<vmem>>
      %dma_start3A_184 = arith.constant 0 : i32
      %dma_start3A_185 = tpu.memref_slice %arg12[%sub3A_26, %dma_start3A_184] : memref<10000x128xf32, #tpu.memory_space<vmem_shared>> -> memref<65x128xf32, #tpu.memory_space<vmem_shared>>
      %dma_start3A_186 = arith.constant 0 : i32
      %dma_start3A_187 = tpu.memref_slice %arg12[%sub3A_26, %dma_start3A_186] : memref<10000x128xf32, #tpu.memory_space<vmem_shared>> -> memref<65x128xf32, #tpu.memory_space<vmem_shared>>
      %dma_start3A_188 = arith.constant 0 : i32
      %dma_start3A_189 = arith.constant 0 : i32
      %dma_start3A_190 = tpu.memref_slice %arg10[%dma_start3A_188, %dma_start3A_189] : memref<80x128xf32, #tpu.memory_space<vmem>> -> memref<65x128xf32, #tpu.memory_space<vmem>>
      tpu.enqueue_dma source(%dma_start3A_190 : memref<65x128xf32, #tpu.memory_space<vmem>>) target(%dma_start3A_187 : memref<65x128xf32, #tpu.memory_space<vmem_shared>>) target_semaphore(%run_scoped3A_180 : memref<!tpu.dma_semaphore, #tpu.memory_space<semaphore_mem>>)
      %dma_wait3A_191 = arith.constant 0 : i32
      %dma_wait3A_192 = arith.constant 0 : i32
      %dma_wait3A_193 = tpu.memref_slice %arg10[%dma_wait3A_191, %dma_wait3A_192] : memref<80x128xf32, #tpu.memory_space<vmem>> -> memref<65x128xf32, #tpu.memory_space<vmem>>
      %dma_wait3A_194 = arith.constant 0 : i32
      %dma_wait3A_195 = tpu.memref_slice %arg12[%sub3A_26, %dma_wait3A_194] : memref<10000x128xf32, #tpu.memory_space<vmem_shared>> -> memref<65x128xf32, #tpu.memory_space<vmem_shared>>
      %dma_wait3A_196 = arith.constant 0 : i32
      %dma_wait3A_197 = tpu.memref_slice %arg12[%sub3A_26, %dma_wait3A_196] : memref<10000x128xf32, #tpu.memory_space<vmem_shared>> -> memref<65x128xf32, #tpu.memory_space<vmem_shared>>
      %dma_wait3A_198 = arith.constant 0 : i32
      %dma_wait3A_199 = arith.constant 0 : i32
      %dma_wait3A_200 = tpu.memref_slice %arg10[%dma_wait3A_198, %dma_wait3A_199] : memref<80x128xf32, #tpu.memory_space<vmem>> -> memref<65x128xf32, #tpu.memory_space<vmem>>
      tpu.wait_dma2 semaphore(%run_scoped3A_180 : memref<!tpu.dma_semaphore, #tpu.memory_space<semaphore_mem>>) src(%dma_wait3A_200 : memref<65x128xf32, #tpu.memory_space<vmem>>) dst(%dma_wait3A_197 : memref<65x128xf32, #tpu.memory_space<vmem_shared>>)
      tpu.yield
    }) : () -> ()
    %barrier3A = arith.constant 0 : index
    tpu.barrier barrier_id(%barrier3A)
    %scan3A_27 = arith.constant 0 : i32
    %scan3A_28 = arith.constant 0 : i32
    %scan3A_29 = arith.constant 62 : i32
    %scan3A_30 = arith.addi %scan3A_28, %scan3A_29 : i32
    %scan3A_31 = arith.constant 1 : i32
    %scan3A_32 = scf.for %scan3A_180 = %scan3A_28 to %scan3A_30 step %scan3A_31 iter_args(%scan3A_181 = %scan3A_27) -> (i32)  : i32 {
      %mul3A_182 = arith.constant 2 : i32
      %mul3A_183 = arith.muli %mul3A_182, %scan3A_180 : i32
      %add3A_184 = arith.constant 0 : i32
      %add3A_185 = arith.addi %mul3A_183, %add3A_184 : i32
      %ge3A = arith.constant 1 : i32
      %ge3A_186 = arith.cmpi sge, %scan3A_180, %ge3A : i32
      %convert_element_type3A_187 = arith.extui %ge3A_186 : i1 to i32
      %cond3A_188 = arith.constant 0 : i32
      %cond3A_189 = arith.cmpi ne, %convert_element_type3A_187, %cond3A_188 : i32
      scf.if %cond3A_189 {
        %dma_wait3A_436 = arith.constant 0 : i32
        %dma_wait3A_437 = arith.constant 0 : i32
        %dma_wait3A_438 = tpu.memref_slice %arg8[%dma_wait3A_436, %dma_wait3A_437] : memref<1x80xi32, #tpu.memory_space<vmem>> -> memref<1x80xi32, #tpu.memory_space<vmem>>
        %dma_wait3A_439 = tpu.memref_squeeze %dma_wait3A_438 : memref<1x80xi32, #tpu.memory_space<vmem>> -> memref<80xi32, #tpu.memory_space<vmem>>
        %dma_wait3A_440 = arith.constant 0 : i32
        %dma_wait3A_441 = arith.constant 0 : i32
        %dma_wait3A_442 = tpu.memref_slice %arg12[%dma_wait3A_440, %dma_wait3A_441] : memref<10000x128xf32, #tpu.memory_space<vmem_shared>> -> memref<10000x128xf32, #tpu.memory_space<vmem_shared>>
        tpu.wait_indirect_dma semaphore(%arg13 : memref<!tpu.dma_semaphore, #tpu.memory_space<semaphore_mem>>) src(%arg10 : memref<80x128xf32, #tpu.memory_space<vmem>>) dst(%dma_wait3A_442 : memref<10000x128xf32, #tpu.memory_space<vmem_shared>>)
      } else {
      }
      %get3A_190 = arith.index_cast %add3A_185 : i32 to index
      %get3A_191 = arith.constant 0 : index
      %get3A_192 = tpu.vector_load %arg5[%get3A_190, %get3A_191] {strides = array<i32>} : memref<125x80xi32, #tpu.memory_space<vmem>>, vector<1x16xi32>,
      %get3A_193 = vector.shape_cast %get3A_192 : vector<1x16xi32> to vector<16xi32>
      %shift_right_arithmetic3A_194 = arith.constant 14 : i32
      %shift_right_arithmetic3A_195 = vector.broadcast %shift_right_arithmetic3A_194 : i32 to vector<16xi32>
      %shift_right_arithmetic3A_196 = arith.shrsi %get3A_193, %shift_right_arithmetic3A_195 : vector<16xi32>
      %swap3A_197 = arith.constant 0 : i32
      %swap3A_198 = arith.index_cast %swap3A_197 : i32 to index
      %swap3A_199 = arith.constant 0 : index
      %swap3A_200 = tpu.vector_load %arg6[%swap3A_198, %swap3A_199] {strides = array<i32>} : memref<1x80xi32, #tpu.memory_space<vmem>>, vector<1x16xi32>,
      %swap3A_201 = vector.shape_cast %swap3A_200 : vector<1x16xi32> to vector<16xi32>
      %swap3A_202 = vector.shape_cast %shift_right_arithmetic3A_196 : vector<16xi32> to vector<1x16xi32>
      tpu.vector_store %arg6[%swap3A_198, %swap3A_199], %swap3A_202 {strides = array<i32>} : memref<1x80xi32, #tpu.memory_space<vmem>>, vector<1x16xi32>,
      %and3A_203 = arith.constant 16383 : i32
      %and3A_204 = vector.broadcast %and3A_203 : i32 to vector<16xi32>
      %and3A_205 = arith.andi %get3A_193, %and3A_204 : vector<16xi32>
      %swap3A_206 = arith.constant 0 : i32
      %swap3A_207 = arith.index_cast %swap3A_206 : i32 to index
      %swap3A_208 = arith.constant 0 : index
      %swap3A_209 = tpu.vector_load %arg8[%swap3A_207, %swap3A_208] {strides = array<i32>} : memref<1x80xi32, #tpu.memory_space<vmem>>, vector<1x16xi32>,
      %swap3A_210 = vector.shape_cast %swap3A_209 : vector<1x16xi32> to vector<16xi32>
      %swap3A_211 = vector.shape_cast %and3A_205 : vector<16xi32> to vector<1x16xi32>
      tpu.vector_store %arg8[%swap3A_207, %swap3A_208], %swap3A_211 {strides = array<i32>} : memref<1x80xi32, #tpu.memory_space<vmem>>, vector<1x16xi32>,
      %get3A_212 = arith.index_cast %add3A_185 : i32 to index
      %get3A_213 = arith.constant 16 : index
      %get3A_214 = tpu.vector_load %arg5[%get3A_212, %get3A_213] {strides = array<i32>} : memref<125x80xi32, #tpu.memory_space<vmem>>, vector<1x16xi32>,
      %get3A_215 = vector.shape_cast %get3A_214 : vector<1x16xi32> to vector<16xi32>
      %shift_right_arithmetic3A_216 = arith.constant 14 : i32
      %shift_right_arithmetic3A_217 = vector.broadcast %shift_right_arithmetic3A_216 : i32 to vector<16xi32>
      %shift_right_arithmetic3A_218 = arith.shrsi %get3A_215, %shift_right_arithmetic3A_217 : vector<16xi32>
      %swap3A_219 = arith.constant 0 : i32
      %swap3A_220 = arith.index_cast %swap3A_219 : i32 to index
      %swap3A_221 = arith.constant 16 : index
      %swap3A_222 = tpu.vector_load %arg6[%swap3A_220, %swap3A_221] {strides = array<i32>} : memref<1x80xi32, #tpu.memory_space<vmem>>, vector<1x16xi32>,
      %swap3A_223 = vector.shape_cast %swap3A_222 : vector<1x16xi32> to vector<16xi32>
      %swap3A_224 = vector.shape_cast %shift_right_arithmetic3A_218 : vector<16xi32> to vector<1x16xi32>
      tpu.vector_store %arg6[%swap3A_220, %swap3A_221], %swap3A_224 {strides = array<i32>} : memref<1x80xi32, #tpu.memory_space<vmem>>, vector<1x16xi32>,
      %and3A_225 = arith.constant 16383 : i32
      %and3A_226 = vector.broadcast %and3A_225 : i32 to vector<16xi32>
      %and3A_227 = arith.andi %get3A_215, %and3A_226 : vector<16xi32>
      %swap3A_228 = arith.constant 0 : i32
      %swap3A_229 = arith.index_cast %swap3A_228 : i32 to index
      %swap3A_230 = arith.constant 16 : index
      %swap3A_231 = tpu.vector_load %arg8[%swap3A_229, %swap3A_230] {strides = array<i32>} : memref<1x80xi32, #tpu.memory_space<vmem>>, vector<1x16xi32>,
      %swap3A_232 = vector.shape_cast %swap3A_231 : vector<1x16xi32> to vector<16xi32>
      %swap3A_233 = vector.shape_cast %and3A_227 : vector<16xi32> to vector<1x16xi32>
      tpu.vector_store %arg8[%swap3A_229, %swap3A_230], %swap3A_233 {strides = array<i32>} : memref<1x80xi32, #tpu.memory_space<vmem>>, vector<1x16xi32>,
      %get3A_234 = arith.index_cast %add3A_185 : i32 to index
      %get3A_235 = arith.constant 32 : index
      %get3A_236 = tpu.vector_load %arg5[%get3A_234, %get3A_235] {strides = array<i32>} : memref<125x80xi32, #tpu.memory_space<vmem>>, vector<1x16xi32>,
      %get3A_237 = vector.shape_cast %get3A_236 : vector<1x16xi32> to vector<16xi32>
      %shift_right_arithmetic3A_238 = arith.constant 14 : i32
      %shift_right_arithmetic3A_239 = vector.broadcast %shift_right_arithmetic3A_238 : i32 to vector<16xi32>
      %shift_right_arithmetic3A_240 = arith.shrsi %get3A_237, %shift_right_arithmetic3A_239 : vector<16xi32>
      %swap3A_241 = arith.constant 0 : i32
      %swap3A_242 = arith.index_cast %swap3A_241 : i32 to index
      %swap3A_243 = arith.constant 32 : index
      %swap3A_244 = tpu.vector_load %arg6[%swap3A_242, %swap3A_243] {strides = array<i32>} : memref<1x80xi32, #tpu.memory_space<vmem>>, vector<1x16xi32>,
      %swap3A_245 = vector.shape_cast %swap3A_244 : vector<1x16xi32> to vector<16xi32>
      %swap3A_246 = vector.shape_cast %shift_right_arithmetic3A_240 : vector<16xi32> to vector<1x16xi32>
      tpu.vector_store %arg6[%swap3A_242, %swap3A_243], %swap3A_246 {strides = array<i32>} : memref<1x80xi32, #tpu.memory_space<vmem>>, vector<1x16xi32>,
      %and3A_247 = arith.constant 16383 : i32
      %and3A_248 = vector.broadcast %and3A_247 : i32 to vector<16xi32>
      %and3A_249 = arith.andi %get3A_237, %and3A_248 : vector<16xi32>
      %swap3A_250 = arith.constant 0 : i32
      %swap3A_251 = arith.index_cast %swap3A_250 : i32 to index
      %swap3A_252 = arith.constant 32 : index
      %swap3A_253 = tpu.vector_load %arg8[%swap3A_251, %swap3A_252] {strides = array<i32>} : memref<1x80xi32, #tpu.memory_space<vmem>>, vector<1x16xi32>,
      %swap3A_254 = vector.shape_cast %swap3A_253 : vector<1x16xi32> to vector<16xi32>
      %swap3A_255 = vector.shape_cast %and3A_249 : vector<16xi32> to vector<1x16xi32>
      tpu.vector_store %arg8[%swap3A_251, %swap3A_252], %swap3A_255 {strides = array<i32>} : memref<1x80xi32, #tpu.memory_space<vmem>>, vector<1x16xi32>,
      %get3A_256 = arith.index_cast %add3A_185 : i32 to index
      %get3A_257 = arith.constant 48 : index
      %get3A_258 = tpu.vector_load %arg5[%get3A_256, %get3A_257] {strides = array<i32>} : memref<125x80xi32, #tpu.memory_space<vmem>>, vector<1x16xi32>,
      %get3A_259 = vector.shape_cast %get3A_258 : vector<1x16xi32> to vector<16xi32>
      %shift_right_arithmetic3A_260 = arith.constant 14 : i32
      %shift_right_arithmetic3A_261 = vector.broadcast %shift_right_arithmetic3A_260 : i32 to vector<16xi32>
      %shift_right_arithmetic3A_262 = arith.shrsi %get3A_259, %shift_right_arithmetic3A_261 : vector<16xi32>
      %swap3A_263 = arith.constant 0 : i32
      %swap3A_264 = arith.index_cast %swap3A_263 : i32 to index
      %swap3A_265 = arith.constant 48 : index
      %swap3A_266 = tpu.vector_load %arg6[%swap3A_264, %swap3A_265] {strides = array<i32>} : memref<1x80xi32, #tpu.memory_space<vmem>>, vector<1x16xi32>,
      %swap3A_267 = vector.shape_cast %swap3A_266 : vector<1x16xi32> to vector<16xi32>
      %swap3A_268 = vector.shape_cast %shift_right_arithmetic3A_262 : vector<16xi32> to vector<1x16xi32>
      tpu.vector_store %arg6[%swap3A_264, %swap3A_265], %swap3A_268 {strides = array<i32>} : memref<1x80xi32, #tpu.memory_space<vmem>>, vector<1x16xi32>,
      %and3A_269 = arith.constant 16383 : i32
      %and3A_270 = vector.broadcast %and3A_269 : i32 to vector<16xi32>
      %and3A_271 = arith.andi %get3A_259, %and3A_270 : vector<16xi32>
      %swap3A_272 = arith.constant 0 : i32
      %swap3A_273 = arith.index_cast %swap3A_272 : i32 to index
      %swap3A_274 = arith.constant 48 : index
      %swap3A_275 = tpu.vector_load %arg8[%swap3A_273, %swap3A_274] {strides = array<i32>} : memref<1x80xi32, #tpu.memory_space<vmem>>, vector<1x16xi32>,
      %swap3A_276 = vector.shape_cast %swap3A_275 : vector<1x16xi32> to vector<16xi32>
      %swap3A_277 = vector.shape_cast %and3A_271 : vector<16xi32> to vector<1x16xi32>
      tpu.vector_store %arg8[%swap3A_273, %swap3A_274], %swap3A_277 {strides = array<i32>} : memref<1x80xi32, #tpu.memory_space<vmem>>, vector<1x16xi32>,
      %get3A_278 = arith.index_cast %add3A_185 : i32 to index
      %get3A_279 = arith.constant 64 : index
      %get3A_280 = tpu.vector_load %arg5[%get3A_278, %get3A_279] {strides = array<i32>} : memref<125x80xi32, #tpu.memory_space<vmem>>, vector<1x16xi32>,
      %get3A_281 = vector.shape_cast %get3A_280 : vector<1x16xi32> to vector<16xi32>
      %shift_right_arithmetic3A_282 = arith.constant 14 : i32
      %shift_right_arithmetic3A_283 = vector.broadcast %shift_right_arithmetic3A_282 : i32 to vector<16xi32>
      %shift_right_arithmetic3A_284 = arith.shrsi %get3A_281, %shift_right_arithmetic3A_283 : vector<16xi32>
      %swap3A_285 = arith.constant 0 : i32
      %swap3A_286 = arith.index_cast %swap3A_285 : i32 to index
      %swap3A_287 = arith.constant 64 : index
      %swap3A_288 = tpu.vector_load %arg6[%swap3A_286, %swap3A_287] {strides = array<i32>} : memref<1x80xi32, #tpu.memory_space<vmem>>, vector<1x16xi32>,
      %swap3A_289 = vector.shape_cast %swap3A_288 : vector<1x16xi32> to vector<16xi32>
      %swap3A_290 = vector.shape_cast %shift_right_arithmetic3A_284 : vector<16xi32> to vector<1x16xi32>
      tpu.vector_store %arg6[%swap3A_286, %swap3A_287], %swap3A_290 {strides = array<i32>} : memref<1x80xi32, #tpu.memory_space<vmem>>, vector<1x16xi32>,
      %and3A_291 = arith.constant 16383 : i32
      %and3A_292 = vector.broadcast %and3A_291 : i32 to vector<16xi32>
      %and3A_293 = arith.andi %get3A_281, %and3A_292 : vector<16xi32>
      %swap3A_294 = arith.constant 0 : i32
      %swap3A_295 = arith.index_cast %swap3A_294 : i32 to index
      %swap3A_296 = arith.constant 64 : index
      %swap3A_297 = tpu.vector_load %arg8[%swap3A_295, %swap3A_296] {strides = array<i32>} : memref<1x80xi32, #tpu.memory_space<vmem>>, vector<1x16xi32>,
      %swap3A_298 = vector.shape_cast %swap3A_297 : vector<1x16xi32> to vector<16xi32>
      %swap3A_299 = vector.shape_cast %and3A_293 : vector<16xi32> to vector<1x16xi32>
      tpu.vector_store %arg8[%swap3A_295, %swap3A_296], %swap3A_299 {strides = array<i32>} : memref<1x80xi32, #tpu.memory_space<vmem>>, vector<1x16xi32>,
      %run_scoped3A_300 = arith.constant 0 : i32
      "tpu.region"() ({
        %run_scoped3A_436 = tpu.sem_alloc : memref<!tpu.dma_semaphore, #tpu.memory_space<semaphore_mem>>
        %dma_start3A_437 = arith.constant 0 : i32
        %dma_start3A_438 = tpu.memref_slice %arg6[%run_scoped3A_300, %dma_start3A_437] : memref<1x80xi32, #tpu.memory_space<vmem>> -> memref<1x80xi32, #tpu.memory_space<vmem>>
        %dma_start3A_439 = tpu.memref_squeeze %dma_start3A_438 : memref<1x80xi32, #tpu.memory_space<vmem>> -> memref<80xi32, #tpu.memory_space<vmem>>
        %dma_start3A_440 = arith.constant 0 : i32
        %dma_start3A_441 = arith.constant 0 : i32
        %dma_start3A_442 = tpu.memref_slice %arg2[%dma_start3A_440, %dma_start3A_441] : memref<10000x128xf32, #tpu.memory_space<hbm>> -> memref<10000x128xf32, #tpu.memory_space<hbm>>
        tpu.enqueue_indirect_dma source(%dma_start3A_442 : memref<10000x128xf32, #tpu.memory_space<hbm>>) target(%arg10 : memref<80x128xf32, #tpu.memory_space<vmem>>) offsets(%dma_start3A_439 : memref<80xi32, #tpu.memory_space<vmem>>) semaphore(%run_scoped3A_436 : memref<!tpu.dma_semaphore, #tpu.memory_space<semaphore_mem>>)
        %dma_wait3A_443 = arith.constant 0 : i32
        %dma_wait3A_444 = tpu.memref_slice %arg6[%run_scoped3A_300, %dma_wait3A_443] : memref<1x80xi32, #tpu.memory_space<vmem>> -> memref<1x80xi32, #tpu.memory_space<vmem>>
        %dma_wait3A_445 = tpu.memref_squeeze %dma_wait3A_444 : memref<1x80xi32, #tpu.memory_space<vmem>> -> memref<80xi32, #tpu.memory_space<vmem>>
        %dma_wait3A_446 = arith.constant 0 : i32
        %dma_wait3A_447 = arith.constant 0 : i32
        %dma_wait3A_448 = tpu.memref_slice %arg2[%dma_wait3A_446, %dma_wait3A_447] : memref<10000x128xf32, #tpu.memory_space<hbm>> -> memref<10000x128xf32, #tpu.memory_space<hbm>>
        tpu.wait_indirect_dma semaphore(%run_scoped3A_436 : memref<!tpu.dma_semaphore, #tpu.memory_space<semaphore_mem>>) src(%dma_wait3A_448 : memref<10000x128xf32, #tpu.memory_space<hbm>>) dst(%arg10 : memref<80x128xf32, #tpu.memory_space<vmem>>)
        tpu.yield
      }) : () -> ()
      %dma_start3A_301 = arith.constant 0 : i32
      %dma_start3A_302 = arith.constant 0 : i32
      %dma_start3A_303 = tpu.memref_slice %arg8[%dma_start3A_301, %dma_start3A_302] : memref<1x80xi32, #tpu.memory_space<vmem>> -> memref<1x80xi32, #tpu.memory_space<vmem>>
      %dma_start3A_304 = tpu.memref_squeeze %dma_start3A_303 : memref<1x80xi32, #tpu.memory_space<vmem>> -> memref<80xi32, #tpu.memory_space<vmem>>
      %dma_start3A_305 = arith.constant 0 : i32
      %dma_start3A_306 = arith.constant 0 : i32
      %dma_start3A_307 = tpu.memref_slice %arg12[%dma_start3A_305, %dma_start3A_306] : memref<10000x128xf32, #tpu.memory_space<vmem_shared>> -> memref<10000x128xf32, #tpu.memory_space<vmem_shared>>
      tpu.enqueue_indirect_dma source(%arg10 : memref<80x128xf32, #tpu.memory_space<vmem>>) target(%dma_start3A_307 : memref<10000x128xf32, #tpu.memory_space<vmem_shared>>) offsets(%dma_start3A_304 : memref<80xi32, #tpu.memory_space<vmem>>) semaphore(%arg13 : memref<!tpu.dma_semaphore, #tpu.memory_space<semaphore_mem>>) {add = true}
      %mul3A_308 = arith.constant 2 : i32
      %mul3A_309 = arith.muli %mul3A_308, %scan3A_180 : i32
      %add3A_310 = arith.constant 1 : i32
      %add3A_311 = arith.addi %mul3A_309, %add3A_310 : i32
      %ge3A_312 = arith.constant 1 : i32
      %ge3A_313 = arith.cmpi sge, %scan3A_180, %ge3A_312 : i32
      %convert_element_type3A_314 = arith.extui %ge3A_313 : i1 to i32
      %cond3A_315 = arith.constant 0 : i32
      %cond3A_316 = arith.cmpi ne, %convert_element_type3A_314, %cond3A_315 : i32
      scf.if %cond3A_316 {
        %dma_wait3A_436 = arith.constant 0 : i32
        %dma_wait3A_437 = arith.constant 0 : i32
        %dma_wait3A_438 = tpu.memref_slice %arg9[%dma_wait3A_436, %dma_wait3A_437] : memref<1x80xi32, #tpu.memory_space<vmem>> -> memref<1x80xi32, #tpu.memory_space<vmem>>
        %dma_wait3A_439 = tpu.memref_squeeze %dma_wait3A_438 : memref<1x80xi32, #tpu.memory_space<vmem>> -> memref<80xi32, #tpu.memory_space<vmem>>
        %dma_wait3A_440 = arith.constant 0 : i32
        %dma_wait3A_441 = arith.constant 0 : i32
        %dma_wait3A_442 = tpu.memref_slice %arg12[%dma_wait3A_440, %dma_wait3A_441] : memref<10000x128xf32, #tpu.memory_space<vmem_shared>> -> memref<10000x128xf32, #tpu.memory_space<vmem_shared>>
        tpu.wait_indirect_dma semaphore(%arg14 : memref<!tpu.dma_semaphore, #tpu.memory_space<semaphore_mem>>) src(%arg11 : memref<80x128xf32, #tpu.memory_space<vmem>>) dst(%dma_wait3A_442 : memref<10000x128xf32, #tpu.memory_space<vmem_shared>>)
      } else {
      }
      %get3A_317 = arith.index_cast %add3A_311 : i32 to index
      %get3A_318 = arith.constant 0 : index
      %get3A_319 = tpu.vector_load %arg5[%get3A_317, %get3A_318] {strides = array<i32>} : memref<125x80xi32, #tpu.memory_space<vmem>>, vector<1x16xi32>,
      %get3A_320 = vector.shape_cast %get3A_319 : vector<1x16xi32> to vector<16xi32>
      %shift_right_arithmetic3A_321 = arith.constant 14 : i32
      %shift_right_arithmetic3A_322 = vector.broadcast %shift_right_arithmetic3A_321 : i32 to vector<16xi32>
      %shift_right_arithmetic3A_323 = arith.shrsi %get3A_320, %shift_right_arithmetic3A_322 : vector<16xi32>
      %swap3A_324 = arith.constant 0 : i32
      %swap3A_325 = arith.index_cast %swap3A_324 : i32 to index
      %swap3A_326 = arith.constant 0 : index
      %swap3A_327 = tpu.vector_load %arg7[%swap3A_325, %swap3A_326] {strides = array<i32>} : memref<1x80xi32, #tpu.memory_space<vmem>>, vector<1x16xi32>,
      %swap3A_328 = vector.shape_cast %swap3A_327 : vector<1x16xi32> to vector<16xi32>
      %swap3A_329 = vector.shape_cast %shift_right_arithmetic3A_323 : vector<16xi32> to vector<1x16xi32>
      tpu.vector_store %arg7[%swap3A_325, %swap3A_326], %swap3A_329 {strides = array<i32>} : memref<1x80xi32, #tpu.memory_space<vmem>>, vector<1x16xi32>,
      %and3A_330 = arith.constant 16383 : i32
      %and3A_331 = vector.broadcast %and3A_330 : i32 to vector<16xi32>
      %and3A_332 = arith.andi %get3A_320, %and3A_331 : vector<16xi32>
      %swap3A_333 = arith.constant 0 : i32
      %swap3A_334 = arith.index_cast %swap3A_333 : i32 to index
      %swap3A_335 = arith.constant 0 : index
      %swap3A_336 = tpu.vector_load %arg9[%swap3A_334, %swap3A_335] {strides = array<i32>} : memref<1x80xi32, #tpu.memory_space<vmem>>, vector<1x16xi32>,
      %swap3A_337 = vector.shape_cast %swap3A_336 : vector<1x16xi32> to vector<16xi32>
      %swap3A_338 = vector.shape_cast %and3A_332 : vector<16xi32> to vector<1x16xi32>
      tpu.vector_store %arg9[%swap3A_334, %swap3A_335], %swap3A_338 {strides = array<i32>} : memref<1x80xi32, #tpu.memory_space<vmem>>, vector<1x16xi32>,
      %get3A_339 = arith.index_cast %add3A_311 : i32 to index
      %get3A_340 = arith.constant 16 : index
      %get3A_341 = tpu.vector_load %arg5[%get3A_339, %get3A_340] {strides = array<i32>} : memref<125x80xi32, #tpu.memory_space<vmem>>, vector<1x16xi32>,
      %get3A_342 = vector.shape_cast %get3A_341 : vector<1x16xi32> to vector<16xi32>
      %shift_right_arithmetic3A_343 = arith.constant 14 : i32
      %shift_right_arithmetic3A_344 = vector.broadcast %shift_right_arithmetic3A_343 : i32 to vector<16xi32>
      %shift_right_arithmetic3A_345 = arith.shrsi %get3A_342, %shift_right_arithmetic3A_344 : vector<16xi32>
      %swap3A_346 = arith.constant 0 : i32
      %swap3A_347 = arith.index_cast %swap3A_346 : i32 to index
      %swap3A_348 = arith.constant 16 : index
      %swap3A_349 = tpu.vector_load %arg7[%swap3A_347, %swap3A_348] {strides = array<i32>} : memref<1x80xi32, #tpu.memory_space<vmem>>, vector<1x16xi32>,
      %swap3A_350 = vector.shape_cast %swap3A_349 : vector<1x16xi32> to vector<16xi32>
      %swap3A_351 = vector.shape_cast %shift_right_arithmetic3A_345 : vector<16xi32> to vector<1x16xi32>
      tpu.vector_store %arg7[%swap3A_347, %swap3A_348], %swap3A_351 {strides = array<i32>} : memref<1x80xi32, #tpu.memory_space<vmem>>, vector<1x16xi32>,
      %and3A_352 = arith.constant 16383 : i32
      %and3A_353 = vector.broadcast %and3A_352 : i32 to vector<16xi32>
      %and3A_354 = arith.andi %get3A_342, %and3A_353 : vector<16xi32>
      %swap3A_355 = arith.constant 0 : i32
      %swap3A_356 = arith.index_cast %swap3A_355 : i32 to index
      %swap3A_357 = arith.constant 16 : index
      %swap3A_358 = tpu.vector_load %arg9[%swap3A_356, %swap3A_357] {strides = array<i32>} : memref<1x80xi32, #tpu.memory_space<vmem>>, vector<1x16xi32>,
      %swap3A_359 = vector.shape_cast %swap3A_358 : vector<1x16xi32> to vector<16xi32>
      %swap3A_360 = vector.shape_cast %and3A_354 : vector<16xi32> to vector<1x16xi32>
      tpu.vector_store %arg9[%swap3A_356, %swap3A_357], %swap3A_360 {strides = array<i32>} : memref<1x80xi32, #tpu.memory_space<vmem>>, vector<1x16xi32>,
      %get3A_361 = arith.index_cast %add3A_311 : i32 to index
      %get3A_362 = arith.constant 32 : index
      %get3A_363 = tpu.vector_load %arg5[%get3A_361, %get3A_362] {strides = array<i32>} : memref<125x80xi32, #tpu.memory_space<vmem>>, vector<1x16xi32>,
      %get3A_364 = vector.shape_cast %get3A_363 : vector<1x16xi32> to vector<16xi32>
      %shift_right_arithmetic3A_365 = arith.constant 14 : i32
      %shift_right_arithmetic3A_366 = vector.broadcast %shift_right_arithmetic3A_365 : i32 to vector<16xi32>
      %shift_right_arithmetic3A_367 = arith.shrsi %get3A_364, %shift_right_arithmetic3A_366 : vector<16xi32>
      %swap3A_368 = arith.constant 0 : i32
      %swap3A_369 = arith.index_cast %swap3A_368 : i32 to index
      %swap3A_370 = arith.constant 32 : index
      %swap3A_371 = tpu.vector_load %arg7[%swap3A_369, %swap3A_370] {strides = array<i32>} : memref<1x80xi32, #tpu.memory_space<vmem>>, vector<1x16xi32>,
      %swap3A_372 = vector.shape_cast %swap3A_371 : vector<1x16xi32> to vector<16xi32>
      %swap3A_373 = vector.shape_cast %shift_right_arithmetic3A_367 : vector<16xi32> to vector<1x16xi32>
      tpu.vector_store %arg7[%swap3A_369, %swap3A_370], %swap3A_373 {strides = array<i32>} : memref<1x80xi32, #tpu.memory_space<vmem>>, vector<1x16xi32>,
      %and3A_374 = arith.constant 16383 : i32
      %and3A_375 = vector.broadcast %and3A_374 : i32 to vector<16xi32>
      %and3A_376 = arith.andi %get3A_364, %and3A_375 : vector<16xi32>
      %swap3A_377 = arith.constant 0 : i32
      %swap3A_378 = arith.index_cast %swap3A_377 : i32 to index
      %swap3A_379 = arith.constant 32 : index
      %swap3A_380 = tpu.vector_load %arg9[%swap3A_378, %swap3A_379] {strides = array<i32>} : memref<1x80xi32, #tpu.memory_space<vmem>>, vector<1x16xi32>,
      %swap3A_381 = vector.shape_cast %swap3A_380 : vector<1x16xi32> to vector<16xi32>
      %swap3A_382 = vector.shape_cast %and3A_376 : vector<16xi32> to vector<1x16xi32>
      tpu.vector_store %arg9[%swap3A_378, %swap3A_379], %swap3A_382 {strides = array<i32>} : memref<1x80xi32, #tpu.memory_space<vmem>>, vector<1x16xi32>,
      %get3A_383 = arith.index_cast %add3A_311 : i32 to index
      %get3A_384 = arith.constant 48 : index
      %get3A_385 = tpu.vector_load %arg5[%get3A_383, %get3A_384] {strides = array<i32>} : memref<125x80xi32, #tpu.memory_space<vmem>>, vector<1x16xi32>,
      %get3A_386 = vector.shape_cast %get3A_385 : vector<1x16xi32> to vector<16xi32>
      %shift_right_arithmetic3A_387 = arith.constant 14 : i32
      %shift_right_arithmetic3A_388 = vector.broadcast %shift_right_arithmetic3A_387 : i32 to vector<16xi32>
      %shift_right_arithmetic3A_389 = arith.shrsi %get3A_386, %shift_right_arithmetic3A_388 : vector<16xi32>
      %swap3A_390 = arith.constant 0 : i32
      %swap3A_391 = arith.index_cast %swap3A_390 : i32 to index
      %swap3A_392 = arith.constant 48 : index
      %swap3A_393 = tpu.vector_load %arg7[%swap3A_391, %swap3A_392] {strides = array<i32>} : memref<1x80xi32, #tpu.memory_space<vmem>>, vector<1x16xi32>,
      %swap3A_394 = vector.shape_cast %swap3A_393 : vector<1x16xi32> to vector<16xi32>
      %swap3A_395 = vector.shape_cast %shift_right_arithmetic3A_389 : vector<16xi32> to vector<1x16xi32>
      tpu.vector_store %arg7[%swap3A_391, %swap3A_392], %swap3A_395 {strides = array<i32>} : memref<1x80xi32, #tpu.memory_space<vmem>>, vector<1x16xi32>,
      %and3A_396 = arith.constant 16383 : i32
      %and3A_397 = vector.broadcast %and3A_396 : i32 to vector<16xi32>
      %and3A_398 = arith.andi %get3A_386, %and3A_397 : vector<16xi32>
      %swap3A_399 = arith.constant 0 : i32
      %swap3A_400 = arith.index_cast %swap3A_399 : i32 to index
      %swap3A_401 = arith.constant 48 : index
      %swap3A_402 = tpu.vector_load %arg9[%swap3A_400, %swap3A_401] {strides = array<i32>} : memref<1x80xi32, #tpu.memory_space<vmem>>, vector<1x16xi32>,
      %swap3A_403 = vector.shape_cast %swap3A_402 : vector<1x16xi32> to vector<16xi32>
      %swap3A_404 = vector.shape_cast %and3A_398 : vector<16xi32> to vector<1x16xi32>
      tpu.vector_store %arg9[%swap3A_400, %swap3A_401], %swap3A_404 {strides = array<i32>} : memref<1x80xi32, #tpu.memory_space<vmem>>, vector<1x16xi32>,
      %get3A_405 = arith.index_cast %add3A_311 : i32 to index
      %get3A_406 = arith.constant 64 : index
      %get3A_407 = tpu.vector_load %arg5[%get3A_405, %get3A_406] {strides = array<i32>} : memref<125x80xi32, #tpu.memory_space<vmem>>, vector<1x16xi32>,
      %get3A_408 = vector.shape_cast %get3A_407 : vector<1x16xi32> to vector<16xi32>
      %shift_right_arithmetic3A_409 = arith.constant 14 : i32
      %shift_right_arithmetic3A_410 = vector.broadcast %shift_right_arithmetic3A_409 : i32 to vector<16xi32>
      %shift_right_arithmetic3A_411 = arith.shrsi %get3A_408, %shift_right_arithmetic3A_410 : vector<16xi32>
      %swap3A_412 = arith.constant 0 : i32
      %swap3A_413 = arith.index_cast %swap3A_412 : i32 to index
      %swap3A_414 = arith.constant 64 : index
      %swap3A_415 = tpu.vector_load %arg7[%swap3A_413, %swap3A_414] {strides = array<i32>} : memref<1x80xi32, #tpu.memory_space<vmem>>, vector<1x16xi32>,
      %swap3A_416 = vector.shape_cast %swap3A_415 : vector<1x16xi32> to vector<16xi32>
      %swap3A_417 = vector.shape_cast %shift_right_arithmetic3A_411 : vector<16xi32> to vector<1x16xi32>
      tpu.vector_store %arg7[%swap3A_413, %swap3A_414], %swap3A_417 {strides = array<i32>} : memref<1x80xi32, #tpu.memory_space<vmem>>, vector<1x16xi32>,
      %and3A_418 = arith.constant 16383 : i32
      %and3A_419 = vector.broadcast %and3A_418 : i32 to vector<16xi32>
      %and3A_420 = arith.andi %get3A_408, %and3A_419 : vector<16xi32>
      %swap3A_421 = arith.constant 0 : i32
      %swap3A_422 = arith.index_cast %swap3A_421 : i32 to index
      %swap3A_423 = arith.constant 64 : index
      %swap3A_424 = tpu.vector_load %arg9[%swap3A_422, %swap3A_423] {strides = array<i32>} : memref<1x80xi32, #tpu.memory_space<vmem>>, vector<1x16xi32>,
      %swap3A_425 = vector.shape_cast %swap3A_424 : vector<1x16xi32> to vector<16xi32>
      %swap3A_426 = vector.shape_cast %and3A_420 : vector<16xi32> to vector<1x16xi32>
      tpu.vector_store %arg9[%swap3A_422, %swap3A_423], %swap3A_426 {strides = array<i32>} : memref<1x80xi32, #tpu.memory_space<vmem>>, vector<1x16xi32>,
      %run_scoped3A_427 = arith.constant 0 : i32
      "tpu.region"() ({
        %run_scoped3A_436 = tpu.sem_alloc : memref<!tpu.dma_semaphore, #tpu.memory_space<semaphore_mem>>
        %dma_start3A_437 = arith.constant 0 : i32
        %dma_start3A_438 = tpu.memref_slice %arg7[%run_scoped3A_427, %dma_start3A_437] : memref<1x80xi32, #tpu.memory_space<vmem>> -> memref<1x80xi32, #tpu.memory_space<vmem>>
        %dma_start3A_439 = tpu.memref_squeeze %dma_start3A_438 : memref<1x80xi32, #tpu.memory_space<vmem>> -> memref<80xi32, #tpu.memory_space<vmem>>
        %dma_start3A_440 = arith.constant 0 : i32
        %dma_start3A_441 = arith.constant 0 : i32
        %dma_start3A_442 = tpu.memref_slice %arg2[%dma_start3A_440, %dma_start3A_441] : memref<10000x128xf32, #tpu.memory_space<hbm>> -> memref<10000x128xf32, #tpu.memory_space<hbm>>
        tpu.enqueue_indirect_dma source(%dma_start3A_442 : memref<10000x128xf32, #tpu.memory_space<hbm>>) target(%arg11 : memref<80x128xf32, #tpu.memory_space<vmem>>) offsets(%dma_start3A_439 : memref<80xi32, #tpu.memory_space<vmem>>) semaphore(%run_scoped3A_436 : memref<!tpu.dma_semaphore, #tpu.memory_space<semaphore_mem>>)
        %dma_wait3A_443 = arith.constant 0 : i32
        %dma_wait3A_444 = tpu.memref_slice %arg7[%run_scoped3A_427, %dma_wait3A_443] : memref<1x80xi32, #tpu.memory_space<vmem>> -> memref<1x80xi32, #tpu.memory_space<vmem>>
        %dma_wait3A_445 = tpu.memref_squeeze %dma_wait3A_444 : memref<1x80xi32, #tpu.memory_space<vmem>> -> memref<80xi32, #tpu.memory_space<vmem>>
        %dma_wait3A_446 = arith.constant 0 : i32
        %dma_wait3A_447 = arith.constant 0 : i32
        %dma_wait3A_448 = tpu.memref_slice %arg2[%dma_wait3A_446, %dma_wait3A_447] : memref<10000x128xf32, #tpu.memory_space<hbm>> -> memref<10000x128xf32, #tpu.memory_space<hbm>>
        tpu.wait_indirect_dma semaphore(%run_scoped3A_436 : memref<!tpu.dma_semaphore, #tpu.memory_space<semaphore_mem>>) src(%dma_wait3A_448 : memref<10000x128xf32, #tpu.memory_space<hbm>>) dst(%arg11 : memref<80x128xf32, #tpu.memory_space<vmem>>)
        tpu.yield
      }) : () -> ()
      %dma_start3A_428 = arith.constant 0 : i32
      %dma_start3A_429 = arith.constant 0 : i32
      %dma_start3A_430 = tpu.memref_slice %arg9[%dma_start3A_428, %dma_start3A_429] : memref<1x80xi32, #tpu.memory_space<vmem>> -> memref<1x80xi32, #tpu.memory_space<vmem>>
      %dma_start3A_431 = tpu.memref_squeeze %dma_start3A_430 : memref<1x80xi32, #tpu.memory_space<vmem>> -> memref<80xi32, #tpu.memory_space<vmem>>
      %dma_start3A_432 = arith.constant 0 : i32
      %dma_start3A_433 = arith.constant 0 : i32
      %dma_start3A_434 = tpu.memref_slice %arg12[%dma_start3A_432, %dma_start3A_433] : memref<10000x128xf32, #tpu.memory_space<vmem_shared>> -> memref<10000x128xf32, #tpu.memory_space<vmem_shared>>
      tpu.enqueue_indirect_dma source(%arg11 : memref<80x128xf32, #tpu.memory_space<vmem>>) target(%dma_start3A_434 : memref<10000x128xf32, #tpu.memory_space<vmem_shared>>) offsets(%dma_start3A_431 : memref<80xi32, #tpu.memory_space<vmem>>) semaphore(%arg14 : memref<!tpu.dma_semaphore, #tpu.memory_space<semaphore_mem>>) {add = true}
      %scan3A_435 = arith.constant 0 : i32
      scf.yield %scan3A_435 : i32
    }
    %scan3A_33 = arith.constant 62 : i32
    %dma_wait3A = arith.constant 0 : i32
    %dma_wait3A_34 = arith.constant 0 : i32
    %dma_wait3A_35 = tpu.memref_slice %arg8[%dma_wait3A, %dma_wait3A_34] : memref<1x80xi32, #tpu.memory_space<vmem>> -> memref<1x80xi32, #tpu.memory_space<vmem>>
    %dma_wait3A_36 = tpu.memref_squeeze %dma_wait3A_35 : memref<1x80xi32, #tpu.memory_space<vmem>> -> memref<80xi32, #tpu.memory_space<vmem>>
    %dma_wait3A_37 = arith.constant 0 : i32
    %dma_wait3A_38 = arith.constant 0 : i32
    %dma_wait3A_39 = tpu.memref_slice %arg12[%dma_wait3A_37, %dma_wait3A_38] : memref<10000x128xf32, #tpu.memory_space<vmem_shared>> -> memref<10000x128xf32, #tpu.memory_space<vmem_shared>>
    tpu.wait_indirect_dma semaphore(%arg13 : memref<!tpu.dma_semaphore, #tpu.memory_space<semaphore_mem>>) src(%arg10 : memref<80x128xf32, #tpu.memory_space<vmem>>) dst(%dma_wait3A_39 : memref<10000x128xf32, #tpu.memory_space<vmem_shared>>)
    %get3A = arith.constant 124 : i32
    %get3A_40 = arith.index_cast %get3A : i32 to index
    %get3A_41 = arith.constant 0 : index
    %get3A_42 = tpu.vector_load %arg5[%get3A_40, %get3A_41] {strides = array<i32>} : memref<125x80xi32, #tpu.memory_space<vmem>>, vector<1x16xi32>,
    %get3A_43 = vector.shape_cast %get3A_42 : vector<1x16xi32> to vector<16xi32>
    %shift_right_arithmetic3A = arith.constant 14 : i32
    %shift_right_arithmetic3A_44 = vector.broadcast %shift_right_arithmetic3A : i32 to vector<16xi32>
    %shift_right_arithmetic3A_45 = arith.shrsi %get3A_43, %shift_right_arithmetic3A_44 : vector<16xi32>
    %swap3A = arith.constant 0 : i32
    %swap3A_46 = arith.index_cast %swap3A : i32 to index
    %swap3A_47 = arith.constant 0 : index
    %swap3A_48 = tpu.vector_load %arg6[%swap3A_46, %swap3A_47] {strides = array<i32>} : memref<1x80xi32, #tpu.memory_space<vmem>>, vector<1x16xi32>,
    %swap3A_49 = vector.shape_cast %swap3A_48 : vector<1x16xi32> to vector<16xi32>
    %swap3A_50 = vector.shape_cast %shift_right_arithmetic3A_45 : vector<16xi32> to vector<1x16xi32>
    tpu.vector_store %arg6[%swap3A_46, %swap3A_47], %swap3A_50 {strides = array<i32>} : memref<1x80xi32, #tpu.memory_space<vmem>>, vector<1x16xi32>,
    %and3A = arith.constant 16383 : i32
    %and3A_51 = vector.broadcast %and3A : i32 to vector<16xi32>
    %and3A_52 = arith.andi %get3A_43, %and3A_51 : vector<16xi32>
    %swap3A_53 = arith.constant 0 : i32
    %swap3A_54 = arith.index_cast %swap3A_53 : i32 to index
    %swap3A_55 = arith.constant 0 : index
    %swap3A_56 = tpu.vector_load %arg8[%swap3A_54, %swap3A_55] {strides = array<i32>} : memref<1x80xi32, #tpu.memory_space<vmem>>, vector<1x16xi32>,
    %swap3A_57 = vector.shape_cast %swap3A_56 : vector<1x16xi32> to vector<16xi32>
    %swap3A_58 = vector.shape_cast %and3A_52 : vector<16xi32> to vector<1x16xi32>
    tpu.vector_store %arg8[%swap3A_54, %swap3A_55], %swap3A_58 {strides = array<i32>} : memref<1x80xi32, #tpu.memory_space<vmem>>, vector<1x16xi32>,
    %get3A_59 = arith.constant 124 : i32
    %get3A_60 = arith.index_cast %get3A_59 : i32 to index
    %get3A_61 = arith.constant 16 : index
    %get3A_62 = tpu.vector_load %arg5[%get3A_60, %get3A_61] {strides = array<i32>} : memref<125x80xi32, #tpu.memory_space<vmem>>, vector<1x16xi32>,
    %get3A_63 = vector.shape_cast %get3A_62 : vector<1x16xi32> to vector<16xi32>
    %shift_right_arithmetic3A_64 = arith.constant 14 : i32
    %shift_right_arithmetic3A_65 = vector.broadcast %shift_right_arithmetic3A_64 : i32 to vector<16xi32>
    %shift_right_arithmetic3A_66 = arith.shrsi %get3A_63, %shift_right_arithmetic3A_65 : vector<16xi32>
    %swap3A_67 = arith.constant 0 : i32
    %swap3A_68 = arith.index_cast %swap3A_67 : i32 to index
    %swap3A_69 = arith.constant 16 : index
    %swap3A_70 = tpu.vector_load %arg6[%swap3A_68, %swap3A_69] {strides = array<i32>} : memref<1x80xi32, #tpu.memory_space<vmem>>, vector<1x16xi32>,
    %swap3A_71 = vector.shape_cast %swap3A_70 : vector<1x16xi32> to vector<16xi32>
    %swap3A_72 = vector.shape_cast %shift_right_arithmetic3A_66 : vector<16xi32> to vector<1x16xi32>
    tpu.vector_store %arg6[%swap3A_68, %swap3A_69], %swap3A_72 {strides = array<i32>} : memref<1x80xi32, #tpu.memory_space<vmem>>, vector<1x16xi32>,
    %and3A_73 = arith.constant 16383 : i32
    %and3A_74 = vector.broadcast %and3A_73 : i32 to vector<16xi32>
    %and3A_75 = arith.andi %get3A_63, %and3A_74 : vector<16xi32>
    %swap3A_76 = arith.constant 0 : i32
    %swap3A_77 = arith.index_cast %swap3A_76 : i32 to index
    %swap3A_78 = arith.constant 16 : index
    %swap3A_79 = tpu.vector_load %arg8[%swap3A_77, %swap3A_78] {strides = array<i32>} : memref<1x80xi32, #tpu.memory_space<vmem>>, vector<1x16xi32>,
    %swap3A_80 = vector.shape_cast %swap3A_79 : vector<1x16xi32> to vector<16xi32>
    %swap3A_81 = vector.shape_cast %and3A_75 : vector<16xi32> to vector<1x16xi32>
    tpu.vector_store %arg8[%swap3A_77, %swap3A_78], %swap3A_81 {strides = array<i32>} : memref<1x80xi32, #tpu.memory_space<vmem>>, vector<1x16xi32>,
    %get3A_82 = arith.constant 124 : i32
    %get3A_83 = arith.index_cast %get3A_82 : i32 to index
    %get3A_84 = arith.constant 32 : index
    %get3A_85 = tpu.vector_load %arg5[%get3A_83, %get3A_84] {strides = array<i32>} : memref<125x80xi32, #tpu.memory_space<vmem>>, vector<1x16xi32>,
    %get3A_86 = vector.shape_cast %get3A_85 : vector<1x16xi32> to vector<16xi32>
    %shift_right_arithmetic3A_87 = arith.constant 14 : i32
    %shift_right_arithmetic3A_88 = vector.broadcast %shift_right_arithmetic3A_87 : i32 to vector<16xi32>
    %shift_right_arithmetic3A_89 = arith.shrsi %get3A_86, %shift_right_arithmetic3A_88 : vector<16xi32>
    %swap3A_90 = arith.constant 0 : i32
    %swap3A_91 = arith.index_cast %swap3A_90 : i32 to index
    %swap3A_92 = arith.constant 32 : index
    %swap3A_93 = tpu.vector_load %arg6[%swap3A_91, %swap3A_92] {strides = array<i32>} : memref<1x80xi32, #tpu.memory_space<vmem>>, vector<1x16xi32>,
    %swap3A_94 = vector.shape_cast %swap3A_93 : vector<1x16xi32> to vector<16xi32>
    %swap3A_95 = vector.shape_cast %shift_right_arithmetic3A_89 : vector<16xi32> to vector<1x16xi32>
    tpu.vector_store %arg6[%swap3A_91, %swap3A_92], %swap3A_95 {strides = array<i32>} : memref<1x80xi32, #tpu.memory_space<vmem>>, vector<1x16xi32>,
    %and3A_96 = arith.constant 16383 : i32
    %and3A_97 = vector.broadcast %and3A_96 : i32 to vector<16xi32>
    %and3A_98 = arith.andi %get3A_86, %and3A_97 : vector<16xi32>
    %swap3A_99 = arith.constant 0 : i32
    %swap3A_100 = arith.index_cast %swap3A_99 : i32 to index
    %swap3A_101 = arith.constant 32 : index
    %swap3A_102 = tpu.vector_load %arg8[%swap3A_100, %swap3A_101] {strides = array<i32>} : memref<1x80xi32, #tpu.memory_space<vmem>>, vector<1x16xi32>,
    %swap3A_103 = vector.shape_cast %swap3A_102 : vector<1x16xi32> to vector<16xi32>
    %swap3A_104 = vector.shape_cast %and3A_98 : vector<16xi32> to vector<1x16xi32>
    tpu.vector_store %arg8[%swap3A_100, %swap3A_101], %swap3A_104 {strides = array<i32>} : memref<1x80xi32, #tpu.memory_space<vmem>>, vector<1x16xi32>,
    %get3A_105 = arith.constant 124 : i32
    %get3A_106 = arith.index_cast %get3A_105 : i32 to index
    %get3A_107 = arith.constant 48 : index
    %get3A_108 = tpu.vector_load %arg5[%get3A_106, %get3A_107] {strides = array<i32>} : memref<125x80xi32, #tpu.memory_space<vmem>>, vector<1x16xi32>,
    %get3A_109 = vector.shape_cast %get3A_108 : vector<1x16xi32> to vector<16xi32>
    %shift_right_arithmetic3A_110 = arith.constant 14 : i32
    %shift_right_arithmetic3A_111 = vector.broadcast %shift_right_arithmetic3A_110 : i32 to vector<16xi32>
    %shift_right_arithmetic3A_112 = arith.shrsi %get3A_109, %shift_right_arithmetic3A_111 : vector<16xi32>
    %swap3A_113 = arith.constant 0 : i32
    %swap3A_114 = arith.index_cast %swap3A_113 : i32 to index
    %swap3A_115 = arith.constant 48 : index
    %swap3A_116 = tpu.vector_load %arg6[%swap3A_114, %swap3A_115] {strides = array<i32>} : memref<1x80xi32, #tpu.memory_space<vmem>>, vector<1x16xi32>,
    %swap3A_117 = vector.shape_cast %swap3A_116 : vector<1x16xi32> to vector<16xi32>
    %swap3A_118 = vector.shape_cast %shift_right_arithmetic3A_112 : vector<16xi32> to vector<1x16xi32>
    tpu.vector_store %arg6[%swap3A_114, %swap3A_115], %swap3A_118 {strides = array<i32>} : memref<1x80xi32, #tpu.memory_space<vmem>>, vector<1x16xi32>,
    %and3A_119 = arith.constant 16383 : i32
    %and3A_120 = vector.broadcast %and3A_119 : i32 to vector<16xi32>
    %and3A_121 = arith.andi %get3A_109, %and3A_120 : vector<16xi32>
    %swap3A_122 = arith.constant 0 : i32
    %swap3A_123 = arith.index_cast %swap3A_122 : i32 to index
    %swap3A_124 = arith.constant 48 : index
    %swap3A_125 = tpu.vector_load %arg8[%swap3A_123, %swap3A_124] {strides = array<i32>} : memref<1x80xi32, #tpu.memory_space<vmem>>, vector<1x16xi32>,
    %swap3A_126 = vector.shape_cast %swap3A_125 : vector<1x16xi32> to vector<16xi32>
    %swap3A_127 = vector.shape_cast %and3A_121 : vector<16xi32> to vector<1x16xi32>
    tpu.vector_store %arg8[%swap3A_123, %swap3A_124], %swap3A_127 {strides = array<i32>} : memref<1x80xi32, #tpu.memory_space<vmem>>, vector<1x16xi32>,
    %get3A_128 = arith.constant 124 : i32
    %get3A_129 = arith.index_cast %get3A_128 : i32 to index
    %get3A_130 = arith.constant 64 : index
    %get3A_131 = tpu.vector_load %arg5[%get3A_129, %get3A_130] {strides = array<i32>} : memref<125x80xi32, #tpu.memory_space<vmem>>, vector<1x16xi32>,
    %get3A_132 = vector.shape_cast %get3A_131 : vector<1x16xi32> to vector<16xi32>
    %shift_right_arithmetic3A_133 = arith.constant 14 : i32
    %shift_right_arithmetic3A_134 = vector.broadcast %shift_right_arithmetic3A_133 : i32 to vector<16xi32>
    %shift_right_arithmetic3A_135 = arith.shrsi %get3A_132, %shift_right_arithmetic3A_134 : vector<16xi32>
    %swap3A_136 = arith.constant 0 : i32
    %swap3A_137 = arith.index_cast %swap3A_136 : i32 to index
    %swap3A_138 = arith.constant 64 : index
    %swap3A_139 = tpu.vector_load %arg6[%swap3A_137, %swap3A_138] {strides = array<i32>} : memref<1x80xi32, #tpu.memory_space<vmem>>, vector<1x16xi32>,
    %swap3A_140 = vector.shape_cast %swap3A_139 : vector<1x16xi32> to vector<16xi32>
    %swap3A_141 = vector.shape_cast %shift_right_arithmetic3A_135 : vector<16xi32> to vector<1x16xi32>
    tpu.vector_store %arg6[%swap3A_137, %swap3A_138], %swap3A_141 {strides = array<i32>} : memref<1x80xi32, #tpu.memory_space<vmem>>, vector<1x16xi32>,
    %and3A_142 = arith.constant 16383 : i32
    %and3A_143 = vector.broadcast %and3A_142 : i32 to vector<16xi32>
    %and3A_144 = arith.andi %get3A_132, %and3A_143 : vector<16xi32>
    %swap3A_145 = arith.constant 0 : i32
    %swap3A_146 = arith.index_cast %swap3A_145 : i32 to index
    %swap3A_147 = arith.constant 64 : index
    %swap3A_148 = tpu.vector_load %arg8[%swap3A_146, %swap3A_147] {strides = array<i32>} : memref<1x80xi32, #tpu.memory_space<vmem>>, vector<1x16xi32>,
    %swap3A_149 = vector.shape_cast %swap3A_148 : vector<1x16xi32> to vector<16xi32>
    %swap3A_150 = vector.shape_cast %and3A_144 : vector<16xi32> to vector<1x16xi32>
    tpu.vector_store %arg8[%swap3A_146, %swap3A_147], %swap3A_150 {strides = array<i32>} : memref<1x80xi32, #tpu.memory_space<vmem>>, vector<1x16xi32>,
    %run_scoped3A = arith.constant 0 : i32
    "tpu.region"() ({
      %run_scoped3A_180 = tpu.sem_alloc : memref<!tpu.dma_semaphore, #tpu.memory_space<semaphore_mem>>
      %dma_start3A_181 = arith.constant 0 : i32
      %dma_start3A_182 = tpu.memref_slice %arg6[%run_scoped3A, %dma_start3A_181] : memref<1x80xi32, #tpu.memory_space<vmem>> -> memref<1x80xi32, #tpu.memory_space<vmem>>
      %dma_start3A_183 = tpu.memref_squeeze %dma_start3A_182 : memref<1x80xi32, #tpu.memory_space<vmem>> -> memref<80xi32, #tpu.memory_space<vmem>>
      %dma_start3A_184 = arith.constant 0 : i32
      %dma_start3A_185 = arith.constant 0 : i32
      %dma_start3A_186 = tpu.memref_slice %arg2[%dma_start3A_184, %dma_start3A_185] : memref<10000x128xf32, #tpu.memory_space<hbm>> -> memref<10000x128xf32, #tpu.memory_space<hbm>>
      tpu.enqueue_indirect_dma source(%dma_start3A_186 : memref<10000x128xf32, #tpu.memory_space<hbm>>) target(%arg10 : memref<80x128xf32, #tpu.memory_space<vmem>>) offsets(%dma_start3A_183 : memref<80xi32, #tpu.memory_space<vmem>>) semaphore(%run_scoped3A_180 : memref<!tpu.dma_semaphore, #tpu.memory_space<semaphore_mem>>)
      %dma_wait3A_187 = arith.constant 0 : i32
      %dma_wait3A_188 = tpu.memref_slice %arg6[%run_scoped3A, %dma_wait3A_187] : memref<1x80xi32, #tpu.memory_space<vmem>> -> memref<1x80xi32, #tpu.memory_space<vmem>>
      %dma_wait3A_189 = tpu.memref_squeeze %dma_wait3A_188 : memref<1x80xi32, #tpu.memory_space<vmem>> -> memref<80xi32, #tpu.memory_space<vmem>>
      %dma_wait3A_190 = arith.constant 0 : i32
      %dma_wait3A_191 = arith.constant 0 : i32
      %dma_wait3A_192 = tpu.memref_slice %arg2[%dma_wait3A_190, %dma_wait3A_191] : memref<10000x128xf32, #tpu.memory_space<hbm>> -> memref<10000x128xf32, #tpu.memory_space<hbm>>
      tpu.wait_indirect_dma semaphore(%run_scoped3A_180 : memref<!tpu.dma_semaphore, #tpu.memory_space<semaphore_mem>>) src(%dma_wait3A_192 : memref<10000x128xf32, #tpu.memory_space<hbm>>) dst(%arg10 : memref<80x128xf32, #tpu.memory_space<vmem>>)
      tpu.yield
    }) : () -> ()
    %dma_start3A = arith.constant 0 : i32
    %dma_start3A_151 = arith.constant 0 : i32
    %dma_start3A_152 = tpu.memref_slice %arg8[%dma_start3A, %dma_start3A_151] : memref<1x80xi32, #tpu.memory_space<vmem>> -> memref<1x80xi32, #tpu.memory_space<vmem>>
    %dma_start3A_153 = tpu.memref_squeeze %dma_start3A_152 : memref<1x80xi32, #tpu.memory_space<vmem>> -> memref<80xi32, #tpu.memory_space<vmem>>
    %dma_start3A_154 = arith.constant 0 : i32
    %dma_start3A_155 = arith.constant 0 : i32
    %dma_start3A_156 = tpu.memref_slice %arg12[%dma_start3A_154, %dma_start3A_155] : memref<10000x128xf32, #tpu.memory_space<vmem_shared>> -> memref<10000x128xf32, #tpu.memory_space<vmem_shared>>
    tpu.enqueue_indirect_dma source(%arg10 : memref<80x128xf32, #tpu.memory_space<vmem>>) target(%dma_start3A_156 : memref<10000x128xf32, #tpu.memory_space<vmem_shared>>) offsets(%dma_start3A_153 : memref<80xi32, #tpu.memory_space<vmem>>) semaphore(%arg13 : memref<!tpu.dma_semaphore, #tpu.memory_space<semaphore_mem>>) {add = true}
    %dma_wait3A_157 = arith.constant 0 : i32
    %dma_wait3A_158 = arith.constant 0 : i32
    %dma_wait3A_159 = tpu.memref_slice %arg8[%dma_wait3A_157, %dma_wait3A_158] : memref<1x80xi32, #tpu.memory_space<vmem>> -> memref<1x80xi32, #tpu.memory_space<vmem>>
    %dma_wait3A_160 = tpu.memref_squeeze %dma_wait3A_159 : memref<1x80xi32, #tpu.memory_space<vmem>> -> memref<80xi32, #tpu.memory_space<vmem>>
    %dma_wait3A_161 = arith.constant 0 : i32
    %dma_wait3A_162 = arith.constant 0 : i32
    %dma_wait3A_163 = tpu.memref_slice %arg12[%dma_wait3A_161, %dma_wait3A_162] : memref<10000x128xf32, #tpu.memory_space<vmem_shared>> -> memref<10000x128xf32, #tpu.memory_space<vmem_shared>>
    tpu.wait_indirect_dma semaphore(%arg13 : memref<!tpu.dma_semaphore, #tpu.memory_space<semaphore_mem>>) src(%arg10 : memref<80x128xf32, #tpu.memory_space<vmem>>) dst(%dma_wait3A_163 : memref<10000x128xf32, #tpu.memory_space<vmem_shared>>)
    %dma_wait3A_164 = arith.constant 0 : i32
    %dma_wait3A_165 = arith.constant 0 : i32
    %dma_wait3A_166 = tpu.memref_slice %arg9[%dma_wait3A_164, %dma_wait3A_165] : memref<1x80xi32, #tpu.memory_space<vmem>> -> memref<1x80xi32, #tpu.memory_space<vmem>>
    %dma_wait3A_167 = tpu.memref_squeeze %dma_wait3A_166 : memref<1x80xi32, #tpu.memory_space<vmem>> -> memref<80xi32, #tpu.memory_space<vmem>>
    %dma_wait3A_168 = arith.constant 0 : i32
    %dma_wait3A_169 = arith.constant 0 : i32
    %dma_wait3A_170 = tpu.memref_slice %arg12[%dma_wait3A_168, %dma_wait3A_169] : memref<10000x128xf32, #tpu.memory_space<vmem_shared>> -> memref<10000x128xf32, #tpu.memory_space<vmem_shared>>
    tpu.wait_indirect_dma semaphore(%arg14 : memref<!tpu.dma_semaphore, #tpu.memory_space<semaphore_mem>>) src(%arg11 : memref<80x128xf32, #tpu.memory_space<vmem>>) dst(%dma_wait3A_170 : memref<10000x128xf32, #tpu.memory_space<vmem_shared>>)
    %barrier3A_171 = arith.constant 0 : index
    tpu.barrier barrier_id(%barrier3A_171)
    %mul3A_172 = arith.constant 640 : i32
    %mul3A_173 = arith.muli %arg1, %mul3A_172 : i32
    %lt3A = arith.constant 15 : i32
    %lt3A_174 = arith.cmpi slt, %arg1, %lt3A : i32
    %convert_element_type3A = arith.extui %lt3A_174 : i1 to i32
    %cond3A = arith.constant 0 : i32
    %cond3A_175 = arith.cmpi ne, %convert_element_type3A, %cond3A : i32
    scf.if %cond3A_175 {
      "tpu.region"() ({
        %run_scoped3A_180 = tpu.sem_alloc : memref<!tpu.dma_semaphore, #tpu.memory_space<semaphore_mem>>
        %dma_start3A_181 = arith.constant 0 : i32
        %dma_start3A_182 = tpu.memref_slice %arg4[%arg0, %mul3A_173, %dma_start3A_181] : memref<2x10000x128xf32, #tpu.memory_space<hbm>> -> memref<1x640x128xf32, #tpu.memory_space<hbm>>
        %dma_start3A_183 = tpu.memref_squeeze %dma_start3A_182 : memref<1x640x128xf32, #tpu.memory_space<hbm>> -> memref<640x128xf32, #tpu.memory_space<hbm>>
        %dma_start3A_184 = arith.constant 0 : i32
        %dma_start3A_185 = tpu.memref_slice %arg12[%mul3A_173, %dma_start3A_184] : memref<10000x128xf32, #tpu.memory_space<vmem_shared>> -> memref<640x128xf32, #tpu.memory_space<vmem_shared>>
        tpu.enqueue_dma source(%dma_start3A_185 : memref<640x128xf32, #tpu.memory_space<vmem_shared>>) target(%dma_start3A_183 : memref<640x128xf32, #tpu.memory_space<hbm>>) target_semaphore(%run_scoped3A_180 : memref<!tpu.dma_semaphore, #tpu.memory_space<semaphore_mem>>)
        %dma_wait3A_186 = arith.constant 0 : i32
        %dma_wait3A_187 = tpu.memref_slice %arg4[%arg0, %mul3A_173, %dma_wait3A_186] : memref<2x10000x128xf32, #tpu.memory_space<hbm>> -> memref<1x640x128xf32, #tpu.memory_space<hbm>>
        %dma_wait3A_188 = tpu.memref_squeeze %dma_wait3A_187 : memref<1x640x128xf32, #tpu.memory_space<hbm>> -> memref<640x128xf32, #tpu.memory_space<hbm>>
        %dma_wait3A_189 = arith.constant 0 : i32
        %dma_wait3A_190 = tpu.memref_slice %arg12[%mul3A_173, %dma_wait3A_189] : memref<10000x128xf32, #tpu.memory_space<vmem_shared>> -> memref<640x128xf32, #tpu.memory_space<vmem_shared>>
        tpu.wait_dma2 semaphore(%run_scoped3A_180 : memref<!tpu.dma_semaphore, #tpu.memory_space<semaphore_mem>>) src(%dma_wait3A_190 : memref<640x128xf32, #tpu.memory_space<vmem_shared>>) dst(%dma_wait3A_188 : memref<640x128xf32, #tpu.memory_space<hbm>>)
        tpu.yield
      }) : () -> ()
    } else {
    }
    %eq3A = arith.constant 15 : i32
    %eq3A_176 = arith.cmpi eq, %arg1, %eq3A : i32
    %convert_element_type3A_177 = arith.extui %eq3A_176 : i1 to i32
    %cond3A_178 = arith.constant 0 : i32
    %cond3A_179 = arith.cmpi ne, %convert_element_type3A_177, %cond3A_178 : i32
    scf.if %cond3A_179 {
      "tpu.region"() ({
        %run_scoped3A_180 = tpu.sem_alloc : memref<!tpu.dma_semaphore, #tpu.memory_space<semaphore_mem>>
        %dma_start3A_181 = arith.constant 9600 : i32
        %dma_start3A_182 = arith.constant 0 : i32
        %dma_start3A_183 = tpu.memref_slice %arg4[%arg0, %dma_start3A_181, %dma_start3A_182] : memref<2x10000x128xf32, #tpu.memory_space<hbm>> -> memref<1x400x128xf32, #tpu.memory_space<hbm>>
        %dma_start3A_184 = tpu.memref_squeeze %dma_start3A_183 : memref<1x400x128xf32, #tpu.memory_space<hbm>> -> memref<400x128xf32, #tpu.memory_space<hbm>>
        %dma_start3A_185 = arith.constant 9600 : i32
        %dma_start3A_186 = arith.constant 0 : i32
        %dma_start3A_187 = tpu.memref_slice %arg12[%dma_start3A_185, %dma_start3A_186] : memref<10000x128xf32, #tpu.memory_space<vmem_shared>> -> memref<400x128xf32, #tpu.memory_space<vmem_shared>>
        tpu.enqueue_dma source(%dma_start3A_187 : memref<400x128xf32, #tpu.memory_space<vmem_shared>>) target(%dma_start3A_184 : memref<400x128xf32, #tpu.memory_space<hbm>>) target_semaphore(%run_scoped3A_180 : memref<!tpu.dma_semaphore, #tpu.memory_space<semaphore_mem>>)
        %dma_wait3A_188 = arith.constant 9600 : i32
        %dma_wait3A_189 = arith.constant 0 : i32
        %dma_wait3A_190 = tpu.memref_slice %arg4[%arg0, %dma_wait3A_188, %dma_wait3A_189] : memref<2x10000x128xf32, #tpu.memory_space<hbm>> -> memref<1x400x128xf32, #tpu.memory_space<hbm>>
        %dma_wait3A_191 = tpu.memref_squeeze %dma_wait3A_190 : memref<1x400x128xf32, #tpu.memory_space<hbm>> -> memref<400x128xf32, #tpu.memory_space<hbm>>
        %dma_wait3A_192 = arith.constant 9600 : i32
        %dma_wait3A_193 = arith.constant 0 : i32
        %dma_wait3A_194 = tpu.memref_slice %arg12[%dma_wait3A_192, %dma_wait3A_193] : memref<10000x128xf32, #tpu.memory_space<vmem_shared>> -> memref<400x128xf32, #tpu.memory_space<vmem_shared>>
        tpu.wait_dma2 semaphore(%run_scoped3A_180 : memref<!tpu.dma_semaphore, #tpu.memory_space<semaphore_mem>>) src(%dma_wait3A_194 : memref<400x128xf32, #tpu.memory_space<vmem_shared>>) dst(%dma_wait3A_191 : memref<400x128xf32, #tpu.memory_space<hbm>>)
        tpu.yield
      }) : () -> ()
    } else {
    }
    return
  }
}

#map = affine_map<(d0, d1) -> (0, 0)>
#map1 = affine_map<(d0, d1) -> (0, 0, 0)>
module attributes {stable_mosaic.version = 14 : i64} {
  func.func @sc_seg_sum(%arg0: i32, %arg1: i32, %arg2: memref<10000x128xf32, #tpu.memory_space<hbm>>, %arg3: memref<32x125x80xi32, #tpu.memory_space<hbm>>, %arg4: memref<2x10000x128xf32, #tpu.memory_space<hbm>>, %arg5: memref<125x80xi32, #tpu.memory_space<vmem>>, %arg6: memref<1x80xi32, #tpu.memory_space<vmem>>, %arg7: memref<1x80xi32, #tpu.memory_space<vmem>>, %arg8: memref<1x80xi32, #tpu.memory_space<vmem>>, %arg9: memref<1x80xi32, #tpu.memory_space<vmem>>, %arg10: memref<80x128xf32, #tpu.memory_space<vmem>>, %arg11: memref<80x128xf32, #tpu.memory_space<vmem>>, %arg12: memref<10000x128xf32, #tpu.memory_space<vmem_shared>>, %arg13: memref<!tpu.dma_semaphore, #tpu.memory_space<semaphore_mem>>, %arg14: memref<!tpu.dma_semaphore, #tpu.memory_space<semaphore_mem>>) attributes {dimension_semantics = [#tpu.dimension_semantics<core_parallel>, #tpu.dimension_semantics<subcore_parallel>], iteration_bounds = array<i64: 2, 16>, scalar_prefetch = 0 : i64, scratch_operands = 10 : i64, tpu.core_type = #tpu.core_type<sc_vector_subcore>, window_params = [{transform_indices = #map}, {transform_indices = #map1}, {transform_indices = #map1}]} {
    %mul3A = arith.constant 16 : i32
    %mul3A_0 = arith.muli %arg0, %mul3A : i32
    %add3A = arith.addi %mul3A_0, %arg1 : i32
    "tpu.region"() ({
      %run_scoped3A_180 = tpu.sem_alloc : memref<!tpu.dma_semaphore, #tpu.memory_space<semaphore_mem>>
      %dma_start3A_181 = arith.constant 0 : i32
      %dma_start3A_182 = arith.constant 0 : i32
      %dma_start3A_183 = tpu.memref_slice %arg3[%add3A, %dma_start3A_181, %dma_start3A_182] : memref<32x125x80xi32, #tpu.memory_space<hbm>> -> memref<1x125x80xi32, #tpu.memory_space<hbm>>
      %dma_start3A_184 = tpu.memref_squeeze %dma_start3A_183 : memref<1x125x80xi32, #tpu.memory_space<hbm>> -> memref<125x80xi32, #tpu.memory_space<hbm>>
      %dma_start3A_185 = arith.constant 0 : i32
      %dma_start3A_186 = arith.constant 0 : i32
      %dma_start3A_187 = tpu.memref_slice %arg3[%add3A, %dma_start3A_185, %dma_start3A_186] : memref<32x125x80xi32, #tpu.memory_space<hbm>> -> memref<1x125x80xi32, #tpu.memory_space<hbm>>
      %dma_start3A_188 = tpu.memref_squeeze %dma_start3A_187 : memref<1x125x80xi32, #tpu.memory_space<hbm>> -> memref<125x80xi32, #tpu.memory_space<hbm>>
      tpu.enqueue_dma source(%dma_start3A_188 : memref<125x80xi32, #tpu.memory_space<hbm>>) target(%arg5 : memref<125x80xi32, #tpu.memory_space<vmem>>) target_semaphore(%run_scoped3A_180 : memref<!tpu.dma_semaphore, #tpu.memory_space<semaphore_mem>>)
      %dma_wait3A_189 = arith.constant 0 : i32
      %dma_wait3A_190 = arith.constant 0 : i32
      %dma_wait3A_191 = tpu.memref_slice %arg3[%add3A, %dma_wait3A_189, %dma_wait3A_190] : memref<32x125x80xi32, #tpu.memory_space<hbm>> -> memref<1x125x80xi32, #tpu.memory_space<hbm>>
      %dma_wait3A_192 = tpu.memref_squeeze %dma_wait3A_191 : memref<1x125x80xi32, #tpu.memory_space<hbm>> -> memref<125x80xi32, #tpu.memory_space<hbm>>
      %dma_wait3A_193 = arith.constant 0 : i32
      %dma_wait3A_194 = arith.constant 0 : i32
      %dma_wait3A_195 = tpu.memref_slice %arg3[%add3A, %dma_wait3A_193, %dma_wait3A_194] : memref<32x125x80xi32, #tpu.memory_space<hbm>> -> memref<1x125x80xi32, #tpu.memory_space<hbm>>
      %dma_wait3A_196 = tpu.memref_squeeze %dma_wait3A_195 : memref<1x125x80xi32, #tpu.memory_space<hbm>> -> memref<125x80xi32, #tpu.memory_space<hbm>>
      tpu.wait_dma2 semaphore(%run_scoped3A_180 : memref<!tpu.dma_semaphore, #tpu.memory_space<semaphore_mem>>) src(%dma_wait3A_196 : memref<125x80xi32, #tpu.memory_space<hbm>>) dst(%arg5 : memref<125x80xi32, #tpu.memory_space<vmem>>)
      tpu.yield
    }) : () -> ()
    %broadcast_in_dim3A = arith.constant 0.000000e+00 : f32
    %broadcast_in_dim3A_1 = vector.broadcast %broadcast_in_dim3A : f32 to vector<16xf32>
    %scan3A = arith.constant 0 : i32
    %scan3A_2 = arith.constant 0 : i32
    %scan3A_3 = arith.constant 80 : i32
    %scan3A_4 = arith.addi %scan3A_2, %scan3A_3 : i32
    %scan3A_5 = arith.constant 1 : i32
    %scan3A_6 = scf.for %scan3A_180 = %scan3A_2 to %scan3A_4 step %scan3A_5 iter_args(%scan3A_181 = %scan3A) -> (i32)  : i32 {
      %swap3A_182 = arith.index_cast %scan3A_180 : i32 to index
      %swap3A_183 = arith.constant 0 : index
      %swap3A_184 = tpu.vector_load %arg10[%swap3A_182, %swap3A_183] {strides = array<i32>} : memref<80x128xf32, #tpu.memory_space<vmem>>, vector<1x16xf32>,
      %swap3A_185 = vector.shape_cast %swap3A_184 : vector<1x16xf32> to vector<16xf32>
      %swap3A_186 = vector.shape_cast %broadcast_in_dim3A_1 : vector<16xf32> to vector<1x16xf32>
      tpu.vector_store %arg10[%swap3A_182, %swap3A_183], %swap3A_186 {strides = array<i32>} : memref<80x128xf32, #tpu.memory_space<vmem>>, vector<1x16xf32>,
      %swap3A_187 = arith.index_cast %scan3A_180 : i32 to index
      %swap3A_188 = arith.constant 16 : index
      %swap3A_189 = tpu.vector_load %arg10[%swap3A_187, %swap3A_188] {strides = array<i32>} : memref<80x128xf32, #tpu.memory_space<vmem>>, vector<1x16xf32>,
      %swap3A_190 = vector.shape_cast %swap3A_189 : vector<1x16xf32> to vector<16xf32>
      %swap3A_191 = vector.shape_cast %broadcast_in_dim3A_1 : vector<16xf32> to vector<1x16xf32>
      tpu.vector_store %arg10[%swap3A_187, %swap3A_188], %swap3A_191 {strides = array<i32>} : memref<80x128xf32, #tpu.memory_space<vmem>>, vector<1x16xf32>,
      %swap3A_192 = arith.index_cast %scan3A_180 : i32 to index
      %swap3A_193 = arith.constant 32 : index
      %swap3A_194 = tpu.vector_load %arg10[%swap3A_192, %swap3A_193] {strides = array<i32>} : memref<80x128xf32, #tpu.memory_space<vmem>>, vector<1x16xf32>,
      %swap3A_195 = vector.shape_cast %swap3A_194 : vector<1x16xf32> to vector<16xf32>
      %swap3A_196 = vector.shape_cast %broadcast_in_dim3A_1 : vector<16xf32> to vector<1x16xf32>
      tpu.vector_store %arg10[%swap3A_192, %swap3A_193], %swap3A_196 {strides = array<i32>} : memref<80x128xf32, #tpu.memory_space<vmem>>, vector<1x16xf32>,
      %swap3A_197 = arith.index_cast %scan3A_180 : i32 to index
      %swap3A_198 = arith.constant 48 : index
      %swap3A_199 = tpu.vector_load %arg10[%swap3A_197, %swap3A_198] {strides = array<i32>} : memref<80x128xf32, #tpu.memory_space<vmem>>, vector<1x16xf32>,
      %swap3A_200 = vector.shape_cast %swap3A_199 : vector<1x16xf32> to vector<16xf32>
      %swap3A_201 = vector.shape_cast %broadcast_in_dim3A_1 : vector<16xf32> to vector<1x16xf32>
      tpu.vector_store %arg10[%swap3A_197, %swap3A_198], %swap3A_201 {strides = array<i32>} : memref<80x128xf32, #tpu.memory_space<vmem>>, vector<1x16xf32>,
      %swap3A_202 = arith.index_cast %scan3A_180 : i32 to index
      %swap3A_203 = arith.constant 64 : index
      %swap3A_204 = tpu.vector_load %arg10[%swap3A_202, %swap3A_203] {strides = array<i32>} : memref<80x128xf32, #tpu.memory_space<vmem>>, vector<1x16xf32>,
      %swap3A_205 = vector.shape_cast %swap3A_204 : vector<1x16xf32> to vector<16xf32>
      %swap3A_206 = vector.shape_cast %broadcast_in_dim3A_1 : vector<16xf32> to vector<1x16xf32>
      tpu.vector_store %arg10[%swap3A_202, %swap3A_203], %swap3A_206 {strides = array<i32>} : memref<80x128xf32, #tpu.memory_space<vmem>>, vector<1x16xf32>,
      %swap3A_207 = arith.index_cast %scan3A_180 : i32 to index
      %swap3A_208 = arith.constant 80 : index
      %swap3A_209 = tpu.vector_load %arg10[%swap3A_207, %swap3A_208] {strides = array<i32>} : memref<80x128xf32, #tpu.memory_space<vmem>>, vector<1x16xf32>,
      %swap3A_210 = vector.shape_cast %swap3A_209 : vector<1x16xf32> to vector<16xf32>
      %swap3A_211 = vector.shape_cast %broadcast_in_dim3A_1 : vector<16xf32> to vector<1x16xf32>
      tpu.vector_store %arg10[%swap3A_207, %swap3A_208], %swap3A_211 {strides = array<i32>} : memref<80x128xf32, #tpu.memory_space<vmem>>, vector<1x16xf32>,
      %swap3A_212 = arith.index_cast %scan3A_180 : i32 to index
      %swap3A_213 = arith.constant 96 : index
      %swap3A_214 = tpu.vector_load %arg10[%swap3A_212, %swap3A_213] {strides = array<i32>} : memref<80x128xf32, #tpu.memory_space<vmem>>, vector<1x16xf32>,
      %swap3A_215 = vector.shape_cast %swap3A_214 : vector<1x16xf32> to vector<16xf32>
      %swap3A_216 = vector.shape_cast %broadcast_in_dim3A_1 : vector<16xf32> to vector<1x16xf32>
      tpu.vector_store %arg10[%swap3A_212, %swap3A_213], %swap3A_216 {strides = array<i32>} : memref<80x128xf32, #tpu.memory_space<vmem>>, vector<1x16xf32>,
      %swap3A_217 = arith.index_cast %scan3A_180 : i32 to index
      %swap3A_218 = arith.constant 112 : index
      %swap3A_219 = tpu.vector_load %arg10[%swap3A_217, %swap3A_218] {strides = array<i32>} : memref<80x128xf32, #tpu.memory_space<vmem>>, vector<1x16xf32>,
      %swap3A_220 = vector.shape_cast %swap3A_219 : vector<1x16xf32> to vector<16xf32>
      %swap3A_221 = vector.shape_cast %broadcast_in_dim3A_1 : vector<16xf32> to vector<1x16xf32>
      tpu.vector_store %arg10[%swap3A_217, %swap3A_218], %swap3A_221 {strides = array<i32>} : memref<80x128xf32, #tpu.memory_space<vmem>>, vector<1x16xf32>,
      %scan3A_222 = arith.constant 0 : i32
      scf.yield %scan3A_222 : i32
    }
    %scan3A_7 = arith.constant 80 : i32
    %mul3A_8 = arith.constant 625 : i32
    %mul3A_9 = arith.muli %arg1, %mul3A_8 : i32
    %add3A_10 = arith.constant 0 : i32
    %add3A_11 = arith.addi %mul3A_9, %add3A_10 : i32
    "tpu.region"() ({
      %run_scoped3A_180 = tpu.sem_alloc : memref<!tpu.dma_semaphore, #tpu.memory_space<semaphore_mem>>
      %dma_start3A_181 = arith.constant 0 : i32
      %dma_start3A_182 = tpu.memref_slice %arg12[%add3A_11, %dma_start3A_181] : memref<10000x128xf32, #tpu.memory_space<vmem_shared>> -> memref<80x128xf32, #tpu.memory_space<vmem_shared>>
      %dma_start3A_183 = arith.constant 0 : i32
      %dma_start3A_184 = tpu.memref_slice %arg12[%add3A_11, %dma_start3A_183] : memref<10000x128xf32, #tpu.memory_space<vmem_shared>> -> memref<80x128xf32, #tpu.memory_space<vmem_shared>>
      tpu.enqueue_dma source(%arg10 : memref<80x128xf32, #tpu.memory_space<vmem>>) target(%dma_start3A_184 : memref<80x128xf32, #tpu.memory_space<vmem_shared>>) target_semaphore(%run_scoped3A_180 : memref<!tpu.dma_semaphore, #tpu.memory_space<semaphore_mem>>)
      %dma_wait3A_185 = arith.constant 0 : i32
      %dma_wait3A_186 = tpu.memref_slice %arg12[%add3A_11, %dma_wait3A_185] : memref<10000x128xf32, #tpu.memory_space<vmem_shared>> -> memref<80x128xf32, #tpu.memory_space<vmem_shared>>
      %dma_wait3A_187 = arith.constant 0 : i32
      %dma_wait3A_188 = tpu.memref_slice %arg12[%add3A_11, %dma_wait3A_187] : memref<10000x128xf32, #tpu.memory_space<vmem_shared>> -> memref<80x128xf32, #tpu.memory_space<vmem_shared>>
      tpu.wait_dma2 semaphore(%run_scoped3A_180 : memref<!tpu.dma_semaphore, #tpu.memory_space<semaphore_mem>>) src(%arg10 : memref<80x128xf32, #tpu.memory_space<vmem>>) dst(%dma_wait3A_188 : memref<80x128xf32, #tpu.memory_space<vmem_shared>>)
      tpu.yield
    }) : () -> ()
    %add3A_12 = arith.constant 80 : i32
    %add3A_13 = arith.addi %mul3A_9, %add3A_12 : i32
    "tpu.region"() ({
      %run_scoped3A_180 = tpu.sem_alloc : memref<!tpu.dma_semaphore, #tpu.memory_space<semaphore_mem>>
      %dma_start3A_181 = arith.constant 0 : i32
      %dma_start3A_182 = tpu.memref_slice %arg12[%add3A_13, %dma_start3A_181] : memref<10000x128xf32, #tpu.memory_space<vmem_shared>> -> memref<80x128xf32, #tpu.memory_space<vmem_shared>>
      %dma_start3A_183 = arith.constant 0 : i32
      %dma_start3A_184 = tpu.memref_slice %arg12[%add3A_13, %dma_start3A_183] : memref<10000x128xf32, #tpu.memory_space<vmem_shared>> -> memref<80x128xf32, #tpu.memory_space<vmem_shared>>
      tpu.enqueue_dma source(%arg10 : memref<80x128xf32, #tpu.memory_space<vmem>>) target(%dma_start3A_184 : memref<80x128xf32, #tpu.memory_space<vmem_shared>>) target_semaphore(%run_scoped3A_180 : memref<!tpu.dma_semaphore, #tpu.memory_space<semaphore_mem>>)
      %dma_wait3A_185 = arith.constant 0 : i32
      %dma_wait3A_186 = tpu.memref_slice %arg12[%add3A_13, %dma_wait3A_185] : memref<10000x128xf32, #tpu.memory_space<vmem_shared>> -> memref<80x128xf32, #tpu.memory_space<vmem_shared>>
      %dma_wait3A_187 = arith.constant 0 : i32
      %dma_wait3A_188 = tpu.memref_slice %arg12[%add3A_13, %dma_wait3A_187] : memref<10000x128xf32, #tpu.memory_space<vmem_shared>> -> memref<80x128xf32, #tpu.memory_space<vmem_shared>>
      tpu.wait_dma2 semaphore(%run_scoped3A_180 : memref<!tpu.dma_semaphore, #tpu.memory_space<semaphore_mem>>) src(%arg10 : memref<80x128xf32, #tpu.memory_space<vmem>>) dst(%dma_wait3A_188 : memref<80x128xf32, #tpu.memory_space<vmem_shared>>)
      tpu.yield
    }) : () -> ()
    %add3A_14 = arith.constant 160 : i32
    %add3A_15 = arith.addi %mul3A_9, %add3A_14 : i32
    "tpu.region"() ({
      %run_scoped3A_180 = tpu.sem_alloc : memref<!tpu.dma_semaphore, #tpu.memory_space<semaphore_mem>>
      %dma_start3A_181 = arith.constant 0 : i32
      %dma_start3A_182 = tpu.memref_slice %arg12[%add3A_15, %dma_start3A_181] : memref<10000x128xf32, #tpu.memory_space<vmem_shared>> -> memref<80x128xf32, #tpu.memory_space<vmem_shared>>
      %dma_start3A_183 = arith.constant 0 : i32
      %dma_start3A_184 = tpu.memref_slice %arg12[%add3A_15, %dma_start3A_183] : memref<10000x128xf32, #tpu.memory_space<vmem_shared>> -> memref<80x128xf32, #tpu.memory_space<vmem_shared>>
      tpu.enqueue_dma source(%arg10 : memref<80x128xf32, #tpu.memory_space<vmem>>) target(%dma_start3A_184 : memref<80x128xf32, #tpu.memory_space<vmem_shared>>) target_semaphore(%run_scoped3A_180 : memref<!tpu.dma_semaphore, #tpu.memory_space<semaphore_mem>>)
      %dma_wait3A_185 = arith.constant 0 : i32
      %dma_wait3A_186 = tpu.memref_slice %arg12[%add3A_15, %dma_wait3A_185] : memref<10000x128xf32, #tpu.memory_space<vmem_shared>> -> memref<80x128xf32, #tpu.memory_space<vmem_shared>>
      %dma_wait3A_187 = arith.constant 0 : i32
      %dma_wait3A_188 = tpu.memref_slice %arg12[%add3A_15, %dma_wait3A_187] : memref<10000x128xf32, #tpu.memory_space<vmem_shared>> -> memref<80x128xf32, #tpu.memory_space<vmem_shared>>
      tpu.wait_dma2 semaphore(%run_scoped3A_180 : memref<!tpu.dma_semaphore, #tpu.memory_space<semaphore_mem>>) src(%arg10 : memref<80x128xf32, #tpu.memory_space<vmem>>) dst(%dma_wait3A_188 : memref<80x128xf32, #tpu.memory_space<vmem_shared>>)
      tpu.yield
    }) : () -> ()
    %add3A_16 = arith.constant 240 : i32
    %add3A_17 = arith.addi %mul3A_9, %add3A_16 : i32
    "tpu.region"() ({
      %run_scoped3A_180 = tpu.sem_alloc : memref<!tpu.dma_semaphore, #tpu.memory_space<semaphore_mem>>
      %dma_start3A_181 = arith.constant 0 : i32
      %dma_start3A_182 = tpu.memref_slice %arg12[%add3A_17, %dma_start3A_181] : memref<10000x128xf32, #tpu.memory_space<vmem_shared>> -> memref<80x128xf32, #tpu.memory_space<vmem_shared>>
      %dma_start3A_183 = arith.constant 0 : i32
      %dma_start3A_184 = tpu.memref_slice %arg12[%add3A_17, %dma_start3A_183] : memref<10000x128xf32, #tpu.memory_space<vmem_shared>> -> memref<80x128xf32, #tpu.memory_space<vmem_shared>>
      tpu.enqueue_dma source(%arg10 : memref<80x128xf32, #tpu.memory_space<vmem>>) target(%dma_start3A_184 : memref<80x128xf32, #tpu.memory_space<vmem_shared>>) target_semaphore(%run_scoped3A_180 : memref<!tpu.dma_semaphore, #tpu.memory_space<semaphore_mem>>)
      %dma_wait3A_185 = arith.constant 0 : i32
      %dma_wait3A_186 = tpu.memref_slice %arg12[%add3A_17, %dma_wait3A_185] : memref<10000x128xf32, #tpu.memory_space<vmem_shared>> -> memref<80x128xf32, #tpu.memory_space<vmem_shared>>
      %dma_wait3A_187 = arith.constant 0 : i32
      %dma_wait3A_188 = tpu.memref_slice %arg12[%add3A_17, %dma_wait3A_187] : memref<10000x128xf32, #tpu.memory_space<vmem_shared>> -> memref<80x128xf32, #tpu.memory_space<vmem_shared>>
      tpu.wait_dma2 semaphore(%run_scoped3A_180 : memref<!tpu.dma_semaphore, #tpu.memory_space<semaphore_mem>>) src(%arg10 : memref<80x128xf32, #tpu.memory_space<vmem>>) dst(%dma_wait3A_188 : memref<80x128xf32, #tpu.memory_space<vmem_shared>>)
      tpu.yield
    }) : () -> ()
    %add3A_18 = arith.constant 320 : i32
    %add3A_19 = arith.addi %mul3A_9, %add3A_18 : i32
    "tpu.region"() ({
      %run_scoped3A_180 = tpu.sem_alloc : memref<!tpu.dma_semaphore, #tpu.memory_space<semaphore_mem>>
      %dma_start3A_181 = arith.constant 0 : i32
      %dma_start3A_182 = tpu.memref_slice %arg12[%add3A_19, %dma_start3A_181] : memref<10000x128xf32, #tpu.memory_space<vmem_shared>> -> memref<80x128xf32, #tpu.memory_space<vmem_shared>>
      %dma_start3A_183 = arith.constant 0 : i32
      %dma_start3A_184 = tpu.memref_slice %arg12[%add3A_19, %dma_start3A_183] : memref<10000x128xf32, #tpu.memory_space<vmem_shared>> -> memref<80x128xf32, #tpu.memory_space<vmem_shared>>
      tpu.enqueue_dma source(%arg10 : memref<80x128xf32, #tpu.memory_space<vmem>>) target(%dma_start3A_184 : memref<80x128xf32, #tpu.memory_space<vmem_shared>>) target_semaphore(%run_scoped3A_180 : memref<!tpu.dma_semaphore, #tpu.memory_space<semaphore_mem>>)
      %dma_wait3A_185 = arith.constant 0 : i32
      %dma_wait3A_186 = tpu.memref_slice %arg12[%add3A_19, %dma_wait3A_185] : memref<10000x128xf32, #tpu.memory_space<vmem_shared>> -> memref<80x128xf32, #tpu.memory_space<vmem_shared>>
      %dma_wait3A_187 = arith.constant 0 : i32
      %dma_wait3A_188 = tpu.memref_slice %arg12[%add3A_19, %dma_wait3A_187] : memref<10000x128xf32, #tpu.memory_space<vmem_shared>> -> memref<80x128xf32, #tpu.memory_space<vmem_shared>>
      tpu.wait_dma2 semaphore(%run_scoped3A_180 : memref<!tpu.dma_semaphore, #tpu.memory_space<semaphore_mem>>) src(%arg10 : memref<80x128xf32, #tpu.memory_space<vmem>>) dst(%dma_wait3A_188 : memref<80x128xf32, #tpu.memory_space<vmem_shared>>)
      tpu.yield
    }) : () -> ()
    %add3A_20 = arith.constant 400 : i32
    %add3A_21 = arith.addi %mul3A_9, %add3A_20 : i32
    "tpu.region"() ({
      %run_scoped3A_180 = tpu.sem_alloc : memref<!tpu.dma_semaphore, #tpu.memory_space<semaphore_mem>>
      %dma_start3A_181 = arith.constant 0 : i32
      %dma_start3A_182 = tpu.memref_slice %arg12[%add3A_21, %dma_start3A_181] : memref<10000x128xf32, #tpu.memory_space<vmem_shared>> -> memref<80x128xf32, #tpu.memory_space<vmem_shared>>
      %dma_start3A_183 = arith.constant 0 : i32
      %dma_start3A_184 = tpu.memref_slice %arg12[%add3A_21, %dma_start3A_183] : memref<10000x128xf32, #tpu.memory_space<vmem_shared>> -> memref<80x128xf32, #tpu.memory_space<vmem_shared>>
      tpu.enqueue_dma source(%arg10 : memref<80x128xf32, #tpu.memory_space<vmem>>) target(%dma_start3A_184 : memref<80x128xf32, #tpu.memory_space<vmem_shared>>) target_semaphore(%run_scoped3A_180 : memref<!tpu.dma_semaphore, #tpu.memory_space<semaphore_mem>>)
      %dma_wait3A_185 = arith.constant 0 : i32
      %dma_wait3A_186 = tpu.memref_slice %arg12[%add3A_21, %dma_wait3A_185] : memref<10000x128xf32, #tpu.memory_space<vmem_shared>> -> memref<80x128xf32, #tpu.memory_space<vmem_shared>>
      %dma_wait3A_187 = arith.constant 0 : i32
      %dma_wait3A_188 = tpu.memref_slice %arg12[%add3A_21, %dma_wait3A_187] : memref<10000x128xf32, #tpu.memory_space<vmem_shared>> -> memref<80x128xf32, #tpu.memory_space<vmem_shared>>
      tpu.wait_dma2 semaphore(%run_scoped3A_180 : memref<!tpu.dma_semaphore, #tpu.memory_space<semaphore_mem>>) src(%arg10 : memref<80x128xf32, #tpu.memory_space<vmem>>) dst(%dma_wait3A_188 : memref<80x128xf32, #tpu.memory_space<vmem_shared>>)
      tpu.yield
    }) : () -> ()
    %add3A_22 = arith.constant 480 : i32
    %add3A_23 = arith.addi %mul3A_9, %add3A_22 : i32
    "tpu.region"() ({
      %run_scoped3A_180 = tpu.sem_alloc : memref<!tpu.dma_semaphore, #tpu.memory_space<semaphore_mem>>
      %dma_start3A_181 = arith.constant 0 : i32
      %dma_start3A_182 = tpu.memref_slice %arg12[%add3A_23, %dma_start3A_181] : memref<10000x128xf32, #tpu.memory_space<vmem_shared>> -> memref<80x128xf32, #tpu.memory_space<vmem_shared>>
      %dma_start3A_183 = arith.constant 0 : i32
      %dma_start3A_184 = tpu.memref_slice %arg12[%add3A_23, %dma_start3A_183] : memref<10000x128xf32, #tpu.memory_space<vmem_shared>> -> memref<80x128xf32, #tpu.memory_space<vmem_shared>>
      tpu.enqueue_dma source(%arg10 : memref<80x128xf32, #tpu.memory_space<vmem>>) target(%dma_start3A_184 : memref<80x128xf32, #tpu.memory_space<vmem_shared>>) target_semaphore(%run_scoped3A_180 : memref<!tpu.dma_semaphore, #tpu.memory_space<semaphore_mem>>)
      %dma_wait3A_185 = arith.constant 0 : i32
      %dma_wait3A_186 = tpu.memref_slice %arg12[%add3A_23, %dma_wait3A_185] : memref<10000x128xf32, #tpu.memory_space<vmem_shared>> -> memref<80x128xf32, #tpu.memory_space<vmem_shared>>
      %dma_wait3A_187 = arith.constant 0 : i32
      %dma_wait3A_188 = tpu.memref_slice %arg12[%add3A_23, %dma_wait3A_187] : memref<10000x128xf32, #tpu.memory_space<vmem_shared>> -> memref<80x128xf32, #tpu.memory_space<vmem_shared>>
      tpu.wait_dma2 semaphore(%run_scoped3A_180 : memref<!tpu.dma_semaphore, #tpu.memory_space<semaphore_mem>>) src(%arg10 : memref<80x128xf32, #tpu.memory_space<vmem>>) dst(%dma_wait3A_188 : memref<80x128xf32, #tpu.memory_space<vmem_shared>>)
      tpu.yield
    }) : () -> ()
    %add3A_24 = arith.constant 625 : i32
    %add3A_25 = arith.addi %mul3A_9, %add3A_24 : i32
    %sub3A = arith.constant 65 : i32
    %sub3A_26 = arith.subi %add3A_25, %sub3A : i32
    "tpu.region"() ({
      %run_scoped3A_180 = tpu.sem_alloc : memref<!tpu.dma_semaphore, #tpu.memory_space<semaphore_mem>>
      %dma_start3A_181 = arith.constant 0 : i32
      %dma_start3A_182 = arith.constant 0 : i32
      %dma_start3A_183 = tpu.memref_slice %arg10[%dma_start3A_181, %dma_start3A_182] : memref<80x128xf32, #tpu.memory_space<vmem>> -> memref<65x128xf32, #tpu.memory_space<vmem>>
      %dma_start3A_184 = arith.constant 0 : i32
      %dma_start3A_185 = tpu.memref_slice %arg12[%sub3A_26, %dma_start3A_184] : memref<10000x128xf32, #tpu.memory_space<vmem_shared>> -> memref<65x128xf32, #tpu.memory_space<vmem_shared>>
      %dma_start3A_186 = arith.constant 0 : i32
      %dma_start3A_187 = tpu.memref_slice %arg12[%sub3A_26, %dma_start3A_186] : memref<10000x128xf32, #tpu.memory_space<vmem_shared>> -> memref<65x128xf32, #tpu.memory_space<vmem_shared>>
      %dma_start3A_188 = arith.constant 0 : i32
      %dma_start3A_189 = arith.constant 0 : i32
      %dma_start3A_190 = tpu.memref_slice %arg10[%dma_start3A_188, %dma_start3A_189] : memref<80x128xf32, #tpu.memory_space<vmem>> -> memref<65x128xf32, #tpu.memory_space<vmem>>
      tpu.enqueue_dma source(%dma_start3A_190 : memref<65x128xf32, #tpu.memory_space<vmem>>) target(%dma_start3A_187 : memref<65x128xf32, #tpu.memory_space<vmem_shared>>) target_semaphore(%run_scoped3A_180 : memref<!tpu.dma_semaphore, #tpu.memory_space<semaphore_mem>>)
      %dma_wait3A_191 = arith.constant 0 : i32
      %dma_wait3A_192 = arith.constant 0 : i32
      %dma_wait3A_193 = tpu.memref_slice %arg10[%dma_wait3A_191, %dma_wait3A_192] : memref<80x128xf32, #tpu.memory_space<vmem>> -> memref<65x128xf32, #tpu.memory_space<vmem>>
      %dma_wait3A_194 = arith.constant 0 : i32
      %dma_wait3A_195 = tpu.memref_slice %arg12[%sub3A_26, %dma_wait3A_194] : memref<10000x128xf32, #tpu.memory_space<vmem_shared>> -> memref<65x128xf32, #tpu.memory_space<vmem_shared>>
      %dma_wait3A_196 = arith.constant 0 : i32
      %dma_wait3A_197 = tpu.memref_slice %arg12[%sub3A_26, %dma_wait3A_196] : memref<10000x128xf32, #tpu.memory_space<vmem_shared>> -> memref<65x128xf32, #tpu.memory_space<vmem_shared>>
      %dma_wait3A_198 = arith.constant 0 : i32
      %dma_wait3A_199 = arith.constant 0 : i32
      %dma_wait3A_200 = tpu.memref_slice %arg10[%dma_wait3A_198, %dma_wait3A_199] : memref<80x128xf32, #tpu.memory_space<vmem>> -> memref<65x128xf32, #tpu.memory_space<vmem>>
      tpu.wait_dma2 semaphore(%run_scoped3A_180 : memref<!tpu.dma_semaphore, #tpu.memory_space<semaphore_mem>>) src(%dma_wait3A_200 : memref<65x128xf32, #tpu.memory_space<vmem>>) dst(%dma_wait3A_197 : memref<65x128xf32, #tpu.memory_space<vmem_shared>>)
      tpu.yield
    }) : () -> ()
    %barrier3A = arith.constant 0 : index
    tpu.barrier barrier_id(%barrier3A)
    %scan3A_27 = arith.constant 0 : i32
    %scan3A_28 = arith.constant 0 : i32
    %scan3A_29 = arith.constant 62 : i32
    %scan3A_30 = arith.addi %scan3A_28, %scan3A_29 : i32
    %scan3A_31 = arith.constant 1 : i32
    %scan3A_32 = scf.for %scan3A_180 = %scan3A_28 to %scan3A_30 step %scan3A_31 iter_args(%scan3A_181 = %scan3A_27) -> (i32)  : i32 {
      %mul3A_182 = arith.constant 2 : i32
      %mul3A_183 = arith.muli %mul3A_182, %scan3A_180 : i32
      %add3A_184 = arith.constant 0 : i32
      %add3A_185 = arith.addi %mul3A_183, %add3A_184 : i32
      %ge3A = arith.constant 1 : i32
      %ge3A_186 = arith.cmpi sge, %scan3A_180, %ge3A : i32
      %convert_element_type3A_187 = arith.extui %ge3A_186 : i1 to i32
      %cond3A_188 = arith.constant 0 : i32
      %cond3A_189 = arith.cmpi ne, %convert_element_type3A_187, %cond3A_188 : i32
      scf.if %cond3A_189 {
        %dma_wait3A_436 = arith.constant 0 : i32
        %dma_wait3A_437 = arith.constant 0 : i32
        %dma_wait3A_438 = tpu.memref_slice %arg8[%dma_wait3A_436, %dma_wait3A_437] : memref<1x80xi32, #tpu.memory_space<vmem>> -> memref<1x80xi32, #tpu.memory_space<vmem>>
        %dma_wait3A_439 = tpu.memref_squeeze %dma_wait3A_438 : memref<1x80xi32, #tpu.memory_space<vmem>> -> memref<80xi32, #tpu.memory_space<vmem>>
        %dma_wait3A_440 = arith.constant 0 : i32
        %dma_wait3A_441 = arith.constant 0 : i32
        %dma_wait3A_442 = tpu.memref_slice %arg12[%dma_wait3A_440, %dma_wait3A_441] : memref<10000x128xf32, #tpu.memory_space<vmem_shared>> -> memref<10000x128xf32, #tpu.memory_space<vmem_shared>>
        tpu.wait_indirect_dma semaphore(%arg13 : memref<!tpu.dma_semaphore, #tpu.memory_space<semaphore_mem>>) src(%arg10 : memref<80x128xf32, #tpu.memory_space<vmem>>) dst(%dma_wait3A_442 : memref<10000x128xf32, #tpu.memory_space<vmem_shared>>)
      } else {
      }
      %get3A_190 = arith.index_cast %add3A_185 : i32 to index
      %get3A_191 = arith.constant 0 : index
      %get3A_192 = tpu.vector_load %arg5[%get3A_190, %get3A_191] {strides = array<i32>} : memref<125x80xi32, #tpu.memory_space<vmem>>, vector<1x16xi32>,
      %get3A_193 = vector.shape_cast %get3A_192 : vector<1x16xi32> to vector<16xi32>
      %shift_right_arithmetic3A_194 = arith.constant 14 : i32
      %shift_right_arithmetic3A_195 = vector.broadcast %shift_right_arithmetic3A_194 : i32 to vector<16xi32>
      %shift_right_arithmetic3A_196 = arith.shrsi %get3A_193, %shift_right_arithmetic3A_195 : vector<16xi32>
      %swap3A_197 = arith.constant 0 : i32
      %swap3A_198 = arith.index_cast %swap3A_197 : i32 to index
      %swap3A_199 = arith.constant 0 : index
      %swap3A_200 = tpu.vector_load %arg6[%swap3A_198, %swap3A_199] {strides = array<i32>} : memref<1x80xi32, #tpu.memory_space<vmem>>, vector<1x16xi32>,
      %swap3A_201 = vector.shape_cast %swap3A_200 : vector<1x16xi32> to vector<16xi32>
      %swap3A_202 = vector.shape_cast %shift_right_arithmetic3A_196 : vector<16xi32> to vector<1x16xi32>
      tpu.vector_store %arg6[%swap3A_198, %swap3A_199], %swap3A_202 {strides = array<i32>} : memref<1x80xi32, #tpu.memory_space<vmem>>, vector<1x16xi32>,
      %and3A_203 = arith.constant 16383 : i32
      %and3A_204 = vector.broadcast %and3A_203 : i32 to vector<16xi32>
      %and3A_205 = arith.andi %get3A_193, %and3A_204 : vector<16xi32>
      %swap3A_206 = arith.constant 0 : i32
      %swap3A_207 = arith.index_cast %swap3A_206 : i32 to index
      %swap3A_208 = arith.constant 0 : index
      %swap3A_209 = tpu.vector_load %arg8[%swap3A_207, %swap3A_208] {strides = array<i32>} : memref<1x80xi32, #tpu.memory_space<vmem>>, vector<1x16xi32>,
      %swap3A_210 = vector.shape_cast %swap3A_209 : vector<1x16xi32> to vector<16xi32>
      %swap3A_211 = vector.shape_cast %and3A_205 : vector<16xi32> to vector<1x16xi32>
      tpu.vector_store %arg8[%swap3A_207, %swap3A_208], %swap3A_211 {strides = array<i32>} : memref<1x80xi32, #tpu.memory_space<vmem>>, vector<1x16xi32>,
      %get3A_212 = arith.index_cast %add3A_185 : i32 to index
      %get3A_213 = arith.constant 16 : index
      %get3A_214 = tpu.vector_load %arg5[%get3A_212, %get3A_213] {strides = array<i32>} : memref<125x80xi32, #tpu.memory_space<vmem>>, vector<1x16xi32>,
      %get3A_215 = vector.shape_cast %get3A_214 : vector<1x16xi32> to vector<16xi32>
      %shift_right_arithmetic3A_216 = arith.constant 14 : i32
      %shift_right_arithmetic3A_217 = vector.broadcast %shift_right_arithmetic3A_216 : i32 to vector<16xi32>
      %shift_right_arithmetic3A_218 = arith.shrsi %get3A_215, %shift_right_arithmetic3A_217 : vector<16xi32>
      %swap3A_219 = arith.constant 0 : i32
      %swap3A_220 = arith.index_cast %swap3A_219 : i32 to index
      %swap3A_221 = arith.constant 16 : index
      %swap3A_222 = tpu.vector_load %arg6[%swap3A_220, %swap3A_221] {strides = array<i32>} : memref<1x80xi32, #tpu.memory_space<vmem>>, vector<1x16xi32>,
      %swap3A_223 = vector.shape_cast %swap3A_222 : vector<1x16xi32> to vector<16xi32>
      %swap3A_224 = vector.shape_cast %shift_right_arithmetic3A_218 : vector<16xi32> to vector<1x16xi32>
      tpu.vector_store %arg6[%swap3A_220, %swap3A_221], %swap3A_224 {strides = array<i32>} : memref<1x80xi32, #tpu.memory_space<vmem>>, vector<1x16xi32>,
      %and3A_225 = arith.constant 16383 : i32
      %and3A_226 = vector.broadcast %and3A_225 : i32 to vector<16xi32>
      %and3A_227 = arith.andi %get3A_215, %and3A_226 : vector<16xi32>
      %swap3A_228 = arith.constant 0 : i32
      %swap3A_229 = arith.index_cast %swap3A_228 : i32 to index
      %swap3A_230 = arith.constant 16 : index
      %swap3A_231 = tpu.vector_load %arg8[%swap3A_229, %swap3A_230] {strides = array<i32>} : memref<1x80xi32, #tpu.memory_space<vmem>>, vector<1x16xi32>,
      %swap3A_232 = vector.shape_cast %swap3A_231 : vector<1x16xi32> to vector<16xi32>
      %swap3A_233 = vector.shape_cast %and3A_227 : vector<16xi32> to vector<1x16xi32>
      tpu.vector_store %arg8[%swap3A_229, %swap3A_230], %swap3A_233 {strides = array<i32>} : memref<1x80xi32, #tpu.memory_space<vmem>>, vector<1x16xi32>,
      %get3A_234 = arith.index_cast %add3A_185 : i32 to index
      %get3A_235 = arith.constant 32 : index
      %get3A_236 = tpu.vector_load %arg5[%get3A_234, %get3A_235] {strides = array<i32>} : memref<125x80xi32, #tpu.memory_space<vmem>>, vector<1x16xi32>,
      %get3A_237 = vector.shape_cast %get3A_236 : vector<1x16xi32> to vector<16xi32>
      %shift_right_arithmetic3A_238 = arith.constant 14 : i32
      %shift_right_arithmetic3A_239 = vector.broadcast %shift_right_arithmetic3A_238 : i32 to vector<16xi32>
      %shift_right_arithmetic3A_240 = arith.shrsi %get3A_237, %shift_right_arithmetic3A_239 : vector<16xi32>
      %swap3A_241 = arith.constant 0 : i32
      %swap3A_242 = arith.index_cast %swap3A_241 : i32 to index
      %swap3A_243 = arith.constant 32 : index
      %swap3A_244 = tpu.vector_load %arg6[%swap3A_242, %swap3A_243] {strides = array<i32>} : memref<1x80xi32, #tpu.memory_space<vmem>>, vector<1x16xi32>,
      %swap3A_245 = vector.shape_cast %swap3A_244 : vector<1x16xi32> to vector<16xi32>
      %swap3A_246 = vector.shape_cast %shift_right_arithmetic3A_240 : vector<16xi32> to vector<1x16xi32>
      tpu.vector_store %arg6[%swap3A_242, %swap3A_243], %swap3A_246 {strides = array<i32>} : memref<1x80xi32, #tpu.memory_space<vmem>>, vector<1x16xi32>,
      %and3A_247 = arith.constant 16383 : i32
      %and3A_248 = vector.broadcast %and3A_247 : i32 to vector<16xi32>
      %and3A_249 = arith.andi %get3A_237, %and3A_248 : vector<16xi32>
      %swap3A_250 = arith.constant 0 : i32
      %swap3A_251 = arith.index_cast %swap3A_250 : i32 to index
      %swap3A_252 = arith.constant 32 : index
      %swap3A_253 = tpu.vector_load %arg8[%swap3A_251, %swap3A_252] {strides = array<i32>} : memref<1x80xi32, #tpu.memory_space<vmem>>, vector<1x16xi32>,
      %swap3A_254 = vector.shape_cast %swap3A_253 : vector<1x16xi32> to vector<16xi32>
      %swap3A_255 = vector.shape_cast %and3A_249 : vector<16xi32> to vector<1x16xi32>
      tpu.vector_store %arg8[%swap3A_251, %swap3A_252], %swap3A_255 {strides = array<i32>} : memref<1x80xi32, #tpu.memory_space<vmem>>, vector<1x16xi32>,
      %get3A_256 = arith.index_cast %add3A_185 : i32 to index
      %get3A_257 = arith.constant 48 : index
      %get3A_258 = tpu.vector_load %arg5[%get3A_256, %get3A_257] {strides = array<i32>} : memref<125x80xi32, #tpu.memory_space<vmem>>, vector<1x16xi32>,
      %get3A_259 = vector.shape_cast %get3A_258 : vector<1x16xi32> to vector<16xi32>
      %shift_right_arithmetic3A_260 = arith.constant 14 : i32
      %shift_right_arithmetic3A_261 = vector.broadcast %shift_right_arithmetic3A_260 : i32 to vector<16xi32>
      %shift_right_arithmetic3A_262 = arith.shrsi %get3A_259, %shift_right_arithmetic3A_261 : vector<16xi32>
      %swap3A_263 = arith.constant 0 : i32
      %swap3A_264 = arith.index_cast %swap3A_263 : i32 to index
      %swap3A_265 = arith.constant 48 : index
      %swap3A_266 = tpu.vector_load %arg6[%swap3A_264, %swap3A_265] {strides = array<i32>} : memref<1x80xi32, #tpu.memory_space<vmem>>, vector<1x16xi32>,
      %swap3A_267 = vector.shape_cast %swap3A_266 : vector<1x16xi32> to vector<16xi32>
      %swap3A_268 = vector.shape_cast %shift_right_arithmetic3A_262 : vector<16xi32> to vector<1x16xi32>
      tpu.vector_store %arg6[%swap3A_264, %swap3A_265], %swap3A_268 {strides = array<i32>} : memref<1x80xi32, #tpu.memory_space<vmem>>, vector<1x16xi32>,
      %and3A_269 = arith.constant 16383 : i32
      %and3A_270 = vector.broadcast %and3A_269 : i32 to vector<16xi32>
      %and3A_271 = arith.andi %get3A_259, %and3A_270 : vector<16xi32>
      %swap3A_272 = arith.constant 0 : i32
      %swap3A_273 = arith.index_cast %swap3A_272 : i32 to index
      %swap3A_274 = arith.constant 48 : index
      %swap3A_275 = tpu.vector_load %arg8[%swap3A_273, %swap3A_274] {strides = array<i32>} : memref<1x80xi32, #tpu.memory_space<vmem>>, vector<1x16xi32>,
      %swap3A_276 = vector.shape_cast %swap3A_275 : vector<1x16xi32> to vector<16xi32>
      %swap3A_277 = vector.shape_cast %and3A_271 : vector<16xi32> to vector<1x16xi32>
      tpu.vector_store %arg8[%swap3A_273, %swap3A_274], %swap3A_277 {strides = array<i32>} : memref<1x80xi32, #tpu.memory_space<vmem>>, vector<1x16xi32>,
      %get3A_278 = arith.index_cast %add3A_185 : i32 to index
      %get3A_279 = arith.constant 64 : index
      %get3A_280 = tpu.vector_load %arg5[%get3A_278, %get3A_279] {strides = array<i32>} : memref<125x80xi32, #tpu.memory_space<vmem>>, vector<1x16xi32>,
      %get3A_281 = vector.shape_cast %get3A_280 : vector<1x16xi32> to vector<16xi32>
      %shift_right_arithmetic3A_282 = arith.constant 14 : i32
      %shift_right_arithmetic3A_283 = vector.broadcast %shift_right_arithmetic3A_282 : i32 to vector<16xi32>
      %shift_right_arithmetic3A_284 = arith.shrsi %get3A_281, %shift_right_arithmetic3A_283 : vector<16xi32>
      %swap3A_285 = arith.constant 0 : i32
      %swap3A_286 = arith.index_cast %swap3A_285 : i32 to index
      %swap3A_287 = arith.constant 64 : index
      %swap3A_288 = tpu.vector_load %arg6[%swap3A_286, %swap3A_287] {strides = array<i32>} : memref<1x80xi32, #tpu.memory_space<vmem>>, vector<1x16xi32>,
      %swap3A_289 = vector.shape_cast %swap3A_288 : vector<1x16xi32> to vector<16xi32>
      %swap3A_290 = vector.shape_cast %shift_right_arithmetic3A_284 : vector<16xi32> to vector<1x16xi32>
      tpu.vector_store %arg6[%swap3A_286, %swap3A_287], %swap3A_290 {strides = array<i32>} : memref<1x80xi32, #tpu.memory_space<vmem>>, vector<1x16xi32>,
      %and3A_291 = arith.constant 16383 : i32
      %and3A_292 = vector.broadcast %and3A_291 : i32 to vector<16xi32>
      %and3A_293 = arith.andi %get3A_281, %and3A_292 : vector<16xi32>
      %swap3A_294 = arith.constant 0 : i32
      %swap3A_295 = arith.index_cast %swap3A_294 : i32 to index
      %swap3A_296 = arith.constant 64 : index
      %swap3A_297 = tpu.vector_load %arg8[%swap3A_295, %swap3A_296] {strides = array<i32>} : memref<1x80xi32, #tpu.memory_space<vmem>>, vector<1x16xi32>,
      %swap3A_298 = vector.shape_cast %swap3A_297 : vector<1x16xi32> to vector<16xi32>
      %swap3A_299 = vector.shape_cast %and3A_293 : vector<16xi32> to vector<1x16xi32>
      tpu.vector_store %arg8[%swap3A_295, %swap3A_296], %swap3A_299 {strides = array<i32>} : memref<1x80xi32, #tpu.memory_space<vmem>>, vector<1x16xi32>,
      %run_scoped3A_300 = arith.constant 0 : i32
      "tpu.region"() ({
        %run_scoped3A_436 = tpu.sem_alloc : memref<!tpu.dma_semaphore, #tpu.memory_space<semaphore_mem>>
        %dma_start3A_437 = arith.constant 0 : i32
        %dma_start3A_438 = tpu.memref_slice %arg6[%run_scoped3A_300, %dma_start3A_437] : memref<1x80xi32, #tpu.memory_space<vmem>> -> memref<1x80xi32, #tpu.memory_space<vmem>>
        %dma_start3A_439 = tpu.memref_squeeze %dma_start3A_438 : memref<1x80xi32, #tpu.memory_space<vmem>> -> memref<80xi32, #tpu.memory_space<vmem>>
        %dma_start3A_440 = arith.constant 0 : i32
        %dma_start3A_441 = arith.constant 0 : i32
        %dma_start3A_442 = tpu.memref_slice %arg2[%dma_start3A_440, %dma_start3A_441] : memref<10000x128xf32, #tpu.memory_space<hbm>> -> memref<10000x128xf32, #tpu.memory_space<hbm>>
        tpu.enqueue_indirect_dma source(%dma_start3A_442 : memref<10000x128xf32, #tpu.memory_space<hbm>>) target(%arg10 : memref<80x128xf32, #tpu.memory_space<vmem>>) offsets(%dma_start3A_439 : memref<80xi32, #tpu.memory_space<vmem>>) semaphore(%run_scoped3A_436 : memref<!tpu.dma_semaphore, #tpu.memory_space<semaphore_mem>>)
        %dma_wait3A_443 = arith.constant 0 : i32
        %dma_wait3A_444 = tpu.memref_slice %arg6[%run_scoped3A_300, %dma_wait3A_443] : memref<1x80xi32, #tpu.memory_space<vmem>> -> memref<1x80xi32, #tpu.memory_space<vmem>>
        %dma_wait3A_445 = tpu.memref_squeeze %dma_wait3A_444 : memref<1x80xi32, #tpu.memory_space<vmem>> -> memref<80xi32, #tpu.memory_space<vmem>>
        %dma_wait3A_446 = arith.constant 0 : i32
        %dma_wait3A_447 = arith.constant 0 : i32
        %dma_wait3A_448 = tpu.memref_slice %arg2[%dma_wait3A_446, %dma_wait3A_447] : memref<10000x128xf32, #tpu.memory_space<hbm>> -> memref<10000x128xf32, #tpu.memory_space<hbm>>
        tpu.wait_indirect_dma semaphore(%run_scoped3A_436 : memref<!tpu.dma_semaphore, #tpu.memory_space<semaphore_mem>>) src(%dma_wait3A_448 : memref<10000x128xf32, #tpu.memory_space<hbm>>) dst(%arg10 : memref<80x128xf32, #tpu.memory_space<vmem>>)
        tpu.yield
      }) : () -> ()
      %dma_start3A_301 = arith.constant 0 : i32
      %dma_start3A_302 = arith.constant 0 : i32
      %dma_start3A_303 = tpu.memref_slice %arg8[%dma_start3A_301, %dma_start3A_302] : memref<1x80xi32, #tpu.memory_space<vmem>> -> memref<1x80xi32, #tpu.memory_space<vmem>>
      %dma_start3A_304 = tpu.memref_squeeze %dma_start3A_303 : memref<1x80xi32, #tpu.memory_space<vmem>> -> memref<80xi32, #tpu.memory_space<vmem>>
      %dma_start3A_305 = arith.constant 0 : i32
      %dma_start3A_306 = arith.constant 0 : i32
      %dma_start3A_307 = tpu.memref_slice %arg12[%dma_start3A_305, %dma_start3A_306] : memref<10000x128xf32, #tpu.memory_space<vmem_shared>> -> memref<10000x128xf32, #tpu.memory_space<vmem_shared>>
      tpu.enqueue_indirect_dma source(%arg10 : memref<80x128xf32, #tpu.memory_space<vmem>>) target(%dma_start3A_307 : memref<10000x128xf32, #tpu.memory_space<vmem_shared>>) offsets(%dma_start3A_304 : memref<80xi32, #tpu.memory_space<vmem>>) semaphore(%arg13 : memref<!tpu.dma_semaphore, #tpu.memory_space<semaphore_mem>>) {add = true}
      %mul3A_308 = arith.constant 2 : i32
      %mul3A_309 = arith.muli %mul3A_308, %scan3A_180 : i32
      %add3A_310 = arith.constant 1 : i32
      %add3A_311 = arith.addi %mul3A_309, %add3A_310 : i32
      %ge3A_312 = arith.constant 1 : i32
      %ge3A_313 = arith.cmpi sge, %scan3A_180, %ge3A_312 : i32
      %convert_element_type3A_314 = arith.extui %ge3A_313 : i1 to i32
      %cond3A_315 = arith.constant 0 : i32
      %cond3A_316 = arith.cmpi ne, %convert_element_type3A_314, %cond3A_315 : i32
      scf.if %cond3A_316 {
        %dma_wait3A_436 = arith.constant 0 : i32
        %dma_wait3A_437 = arith.constant 0 : i32
        %dma_wait3A_438 = tpu.memref_slice %arg9[%dma_wait3A_436, %dma_wait3A_437] : memref<1x80xi32, #tpu.memory_space<vmem>> -> memref<1x80xi32, #tpu.memory_space<vmem>>
        %dma_wait3A_439 = tpu.memref_squeeze %dma_wait3A_438 : memref<1x80xi32, #tpu.memory_space<vmem>> -> memref<80xi32, #tpu.memory_space<vmem>>
        %dma_wait3A_440 = arith.constant 0 : i32
        %dma_wait3A_441 = arith.constant 0 : i32
        %dma_wait3A_442 = tpu.memref_slice %arg12[%dma_wait3A_440, %dma_wait3A_441] : memref<10000x128xf32, #tpu.memory_space<vmem_shared>> -> memref<10000x128xf32, #tpu.memory_space<vmem_shared>>
        tpu.wait_indirect_dma semaphore(%arg14 : memref<!tpu.dma_semaphore, #tpu.memory_space<semaphore_mem>>) src(%arg11 : memref<80x128xf32, #tpu.memory_space<vmem>>) dst(%dma_wait3A_442 : memref<10000x128xf32, #tpu.memory_space<vmem_shared>>)
      } else {
      }
      %get3A_317 = arith.index_cast %add3A_311 : i32 to index
      %get3A_318 = arith.constant 0 : index
      %get3A_319 = tpu.vector_load %arg5[%get3A_317, %get3A_318] {strides = array<i32>} : memref<125x80xi32, #tpu.memory_space<vmem>>, vector<1x16xi32>,
      %get3A_320 = vector.shape_cast %get3A_319 : vector<1x16xi32> to vector<16xi32>
      %shift_right_arithmetic3A_321 = arith.constant 14 : i32
      %shift_right_arithmetic3A_322 = vector.broadcast %shift_right_arithmetic3A_321 : i32 to vector<16xi32>
      %shift_right_arithmetic3A_323 = arith.shrsi %get3A_320, %shift_right_arithmetic3A_322 : vector<16xi32>
      %swap3A_324 = arith.constant 0 : i32
      %swap3A_325 = arith.index_cast %swap3A_324 : i32 to index
      %swap3A_326 = arith.constant 0 : index
      %swap3A_327 = tpu.vector_load %arg7[%swap3A_325, %swap3A_326] {strides = array<i32>} : memref<1x80xi32, #tpu.memory_space<vmem>>, vector<1x16xi32>,
      %swap3A_328 = vector.shape_cast %swap3A_327 : vector<1x16xi32> to vector<16xi32>
      %swap3A_329 = vector.shape_cast %shift_right_arithmetic3A_323 : vector<16xi32> to vector<1x16xi32>
      tpu.vector_store %arg7[%swap3A_325, %swap3A_326], %swap3A_329 {strides = array<i32>} : memref<1x80xi32, #tpu.memory_space<vmem>>, vector<1x16xi32>,
      %and3A_330 = arith.constant 16383 : i32
      %and3A_331 = vector.broadcast %and3A_330 : i32 to vector<16xi32>
      %and3A_332 = arith.andi %get3A_320, %and3A_331 : vector<16xi32>
      %swap3A_333 = arith.constant 0 : i32
      %swap3A_334 = arith.index_cast %swap3A_333 : i32 to index
      %swap3A_335 = arith.constant 0 : index
      %swap3A_336 = tpu.vector_load %arg9[%swap3A_334, %swap3A_335] {strides = array<i32>} : memref<1x80xi32, #tpu.memory_space<vmem>>, vector<1x16xi32>,
      %swap3A_337 = vector.shape_cast %swap3A_336 : vector<1x16xi32> to vector<16xi32>
      %swap3A_338 = vector.shape_cast %and3A_332 : vector<16xi32> to vector<1x16xi32>
      tpu.vector_store %arg9[%swap3A_334, %swap3A_335], %swap3A_338 {strides = array<i32>} : memref<1x80xi32, #tpu.memory_space<vmem>>, vector<1x16xi32>,
      %get3A_339 = arith.index_cast %add3A_311 : i32 to index
      %get3A_340 = arith.constant 16 : index
      %get3A_341 = tpu.vector_load %arg5[%get3A_339, %get3A_340] {strides = array<i32>} : memref<125x80xi32, #tpu.memory_space<vmem>>, vector<1x16xi32>,
      %get3A_342 = vector.shape_cast %get3A_341 : vector<1x16xi32> to vector<16xi32>
      %shift_right_arithmetic3A_343 = arith.constant 14 : i32
      %shift_right_arithmetic3A_344 = vector.broadcast %shift_right_arithmetic3A_343 : i32 to vector<16xi32>
      %shift_right_arithmetic3A_345 = arith.shrsi %get3A_342, %shift_right_arithmetic3A_344 : vector<16xi32>
      %swap3A_346 = arith.constant 0 : i32
      %swap3A_347 = arith.index_cast %swap3A_346 : i32 to index
      %swap3A_348 = arith.constant 16 : index
      %swap3A_349 = tpu.vector_load %arg7[%swap3A_347, %swap3A_348] {strides = array<i32>} : memref<1x80xi32, #tpu.memory_space<vmem>>, vector<1x16xi32>,
      %swap3A_350 = vector.shape_cast %swap3A_349 : vector<1x16xi32> to vector<16xi32>
      %swap3A_351 = vector.shape_cast %shift_right_arithmetic3A_345 : vector<16xi32> to vector<1x16xi32>
      tpu.vector_store %arg7[%swap3A_347, %swap3A_348], %swap3A_351 {strides = array<i32>} : memref<1x80xi32, #tpu.memory_space<vmem>>, vector<1x16xi32>,
      %and3A_352 = arith.constant 16383 : i32
      %and3A_353 = vector.broadcast %and3A_352 : i32 to vector<16xi32>
      %and3A_354 = arith.andi %get3A_342, %and3A_353 : vector<16xi32>
      %swap3A_355 = arith.constant 0 : i32
      %swap3A_356 = arith.index_cast %swap3A_355 : i32 to index
      %swap3A_357 = arith.constant 16 : index
      %swap3A_358 = tpu.vector_load %arg9[%swap3A_356, %swap3A_357] {strides = array<i32>} : memref<1x80xi32, #tpu.memory_space<vmem>>, vector<1x16xi32>,
      %swap3A_359 = vector.shape_cast %swap3A_358 : vector<1x16xi32> to vector<16xi32>
      %swap3A_360 = vector.shape_cast %and3A_354 : vector<16xi32> to vector<1x16xi32>
      tpu.vector_store %arg9[%swap3A_356, %swap3A_357], %swap3A_360 {strides = array<i32>} : memref<1x80xi32, #tpu.memory_space<vmem>>, vector<1x16xi32>,
      %get3A_361 = arith.index_cast %add3A_311 : i32 to index
      %get3A_362 = arith.constant 32 : index
      %get3A_363 = tpu.vector_load %arg5[%get3A_361, %get3A_362] {strides = array<i32>} : memref<125x80xi32, #tpu.memory_space<vmem>>, vector<1x16xi32>,
      %get3A_364 = vector.shape_cast %get3A_363 : vector<1x16xi32> to vector<16xi32>
      %shift_right_arithmetic3A_365 = arith.constant 14 : i32
      %shift_right_arithmetic3A_366 = vector.broadcast %shift_right_arithmetic3A_365 : i32 to vector<16xi32>
      %shift_right_arithmetic3A_367 = arith.shrsi %get3A_364, %shift_right_arithmetic3A_366 : vector<16xi32>
      %swap3A_368 = arith.constant 0 : i32
      %swap3A_369 = arith.index_cast %swap3A_368 : i32 to index
      %swap3A_370 = arith.constant 32 : index
      %swap3A_371 = tpu.vector_load %arg7[%swap3A_369, %swap3A_370] {strides = array<i32>} : memref<1x80xi32, #tpu.memory_space<vmem>>, vector<1x16xi32>,
      %swap3A_372 = vector.shape_cast %swap3A_371 : vector<1x16xi32> to vector<16xi32>
      %swap3A_373 = vector.shape_cast %shift_right_arithmetic3A_367 : vector<16xi32> to vector<1x16xi32>
      tpu.vector_store %arg7[%swap3A_369, %swap3A_370], %swap3A_373 {strides = array<i32>} : memref<1x80xi32, #tpu.memory_space<vmem>>, vector<1x16xi32>,
      %and3A_374 = arith.constant 16383 : i32
      %and3A_375 = vector.broadcast %and3A_374 : i32 to vector<16xi32>
      %and3A_376 = arith.andi %get3A_364, %and3A_375 : vector<16xi32>
      %swap3A_377 = arith.constant 0 : i32
      %swap3A_378 = arith.index_cast %swap3A_377 : i32 to index
      %swap3A_379 = arith.constant 32 : index
      %swap3A_380 = tpu.vector_load %arg9[%swap3A_378, %swap3A_379] {strides = array<i32>} : memref<1x80xi32, #tpu.memory_space<vmem>>, vector<1x16xi32>,
      %swap3A_381 = vector.shape_cast %swap3A_380 : vector<1x16xi32> to vector<16xi32>
      %swap3A_382 = vector.shape_cast %and3A_376 : vector<16xi32> to vector<1x16xi32>
      tpu.vector_store %arg9[%swap3A_378, %swap3A_379], %swap3A_382 {strides = array<i32>} : memref<1x80xi32, #tpu.memory_space<vmem>>, vector<1x16xi32>,
      %get3A_383 = arith.index_cast %add3A_311 : i32 to index
      %get3A_384 = arith.constant 48 : index
      %get3A_385 = tpu.vector_load %arg5[%get3A_383, %get3A_384] {strides = array<i32>} : memref<125x80xi32, #tpu.memory_space<vmem>>, vector<1x16xi32>,
      %get3A_386 = vector.shape_cast %get3A_385 : vector<1x16xi32> to vector<16xi32>
      %shift_right_arithmetic3A_387 = arith.constant 14 : i32
      %shift_right_arithmetic3A_388 = vector.broadcast %shift_right_arithmetic3A_387 : i32 to vector<16xi32>
      %shift_right_arithmetic3A_389 = arith.shrsi %get3A_386, %shift_right_arithmetic3A_388 : vector<16xi32>
      %swap3A_390 = arith.constant 0 : i32
      %swap3A_391 = arith.index_cast %swap3A_390 : i32 to index
      %swap3A_392 = arith.constant 48 : index
      %swap3A_393 = tpu.vector_load %arg7[%swap3A_391, %swap3A_392] {strides = array<i32>} : memref<1x80xi32, #tpu.memory_space<vmem>>, vector<1x16xi32>,
      %swap3A_394 = vector.shape_cast %swap3A_393 : vector<1x16xi32> to vector<16xi32>
      %swap3A_395 = vector.shape_cast %shift_right_arithmetic3A_389 : vector<16xi32> to vector<1x16xi32>
      tpu.vector_store %arg7[%swap3A_391, %swap3A_392], %swap3A_395 {strides = array<i32>} : memref<1x80xi32, #tpu.memory_space<vmem>>, vector<1x16xi32>,
      %and3A_396 = arith.constant 16383 : i32
      %and3A_397 = vector.broadcast %and3A_396 : i32 to vector<16xi32>
      %and3A_398 = arith.andi %get3A_386, %and3A_397 : vector<16xi32>
      %swap3A_399 = arith.constant 0 : i32
      %swap3A_400 = arith.index_cast %swap3A_399 : i32 to index
      %swap3A_401 = arith.constant 48 : index
      %swap3A_402 = tpu.vector_load %arg9[%swap3A_400, %swap3A_401] {strides = array<i32>} : memref<1x80xi32, #tpu.memory_space<vmem>>, vector<1x16xi32>,
      %swap3A_403 = vector.shape_cast %swap3A_402 : vector<1x16xi32> to vector<16xi32>
      %swap3A_404 = vector.shape_cast %and3A_398 : vector<16xi32> to vector<1x16xi32>
      tpu.vector_store %arg9[%swap3A_400, %swap3A_401], %swap3A_404 {strides = array<i32>} : memref<1x80xi32, #tpu.memory_space<vmem>>, vector<1x16xi32>,
      %get3A_405 = arith.index_cast %add3A_311 : i32 to index
      %get3A_406 = arith.constant 64 : index
      %get3A_407 = tpu.vector_load %arg5[%get3A_405, %get3A_406] {strides = array<i32>} : memref<125x80xi32, #tpu.memory_space<vmem>>, vector<1x16xi32>,
      %get3A_408 = vector.shape_cast %get3A_407 : vector<1x16xi32> to vector<16xi32>
      %shift_right_arithmetic3A_409 = arith.constant 14 : i32
      %shift_right_arithmetic3A_410 = vector.broadcast %shift_right_arithmetic3A_409 : i32 to vector<16xi32>
      %shift_right_arithmetic3A_411 = arith.shrsi %get3A_408, %shift_right_arithmetic3A_410 : vector<16xi32>
      %swap3A_412 = arith.constant 0 : i32
      %swap3A_413 = arith.index_cast %swap3A_412 : i32 to index
      %swap3A_414 = arith.constant 64 : index
      %swap3A_415 = tpu.vector_load %arg7[%swap3A_413, %swap3A_414] {strides = array<i32>} : memref<1x80xi32, #tpu.memory_space<vmem>>, vector<1x16xi32>,
      %swap3A_416 = vector.shape_cast %swap3A_415 : vector<1x16xi32> to vector<16xi32>
      %swap3A_417 = vector.shape_cast %shift_right_arithmetic3A_411 : vector<16xi32> to vector<1x16xi32>
      tpu.vector_store %arg7[%swap3A_413, %swap3A_414], %swap3A_417 {strides = array<i32>} : memref<1x80xi32, #tpu.memory_space<vmem>>, vector<1x16xi32>,
      %and3A_418 = arith.constant 16383 : i32
      %and3A_419 = vector.broadcast %and3A_418 : i32 to vector<16xi32>
      %and3A_420 = arith.andi %get3A_408, %and3A_419 : vector<16xi32>
      %swap3A_421 = arith.constant 0 : i32
      %swap3A_422 = arith.index_cast %swap3A_421 : i32 to index
      %swap3A_423 = arith.constant 64 : index
      %swap3A_424 = tpu.vector_load %arg9[%swap3A_422, %swap3A_423] {strides = array<i32>} : memref<1x80xi32, #tpu.memory_space<vmem>>, vector<1x16xi32>,
      %swap3A_425 = vector.shape_cast %swap3A_424 : vector<1x16xi32> to vector<16xi32>
      %swap3A_426 = vector.shape_cast %and3A_420 : vector<16xi32> to vector<1x16xi32>
      tpu.vector_store %arg9[%swap3A_422, %swap3A_423], %swap3A_426 {strides = array<i32>} : memref<1x80xi32, #tpu.memory_space<vmem>>, vector<1x16xi32>,
      %run_scoped3A_427 = arith.constant 0 : i32
      "tpu.region"() ({
        %run_scoped3A_436 = tpu.sem_alloc : memref<!tpu.dma_semaphore, #tpu.memory_space<semaphore_mem>>
        %dma_start3A_437 = arith.constant 0 : i32
        %dma_start3A_438 = tpu.memref_slice %arg7[%run_scoped3A_427, %dma_start3A_437] : memref<1x80xi32, #tpu.memory_space<vmem>> -> memref<1x80xi32, #tpu.memory_space<vmem>>
        %dma_start3A_439 = tpu.memref_squeeze %dma_start3A_438 : memref<1x80xi32, #tpu.memory_space<vmem>> -> memref<80xi32, #tpu.memory_space<vmem>>
        %dma_start3A_440 = arith.constant 0 : i32
        %dma_start3A_441 = arith.constant 0 : i32
        %dma_start3A_442 = tpu.memref_slice %arg2[%dma_start3A_440, %dma_start3A_441] : memref<10000x128xf32, #tpu.memory_space<hbm>> -> memref<10000x128xf32, #tpu.memory_space<hbm>>
        tpu.enqueue_indirect_dma source(%dma_start3A_442 : memref<10000x128xf32, #tpu.memory_space<hbm>>) target(%arg11 : memref<80x128xf32, #tpu.memory_space<vmem>>) offsets(%dma_start3A_439 : memref<80xi32, #tpu.memory_space<vmem>>) semaphore(%run_scoped3A_436 : memref<!tpu.dma_semaphore, #tpu.memory_space<semaphore_mem>>)
        %dma_wait3A_443 = arith.constant 0 : i32
        %dma_wait3A_444 = tpu.memref_slice %arg7[%run_scoped3A_427, %dma_wait3A_443] : memref<1x80xi32, #tpu.memory_space<vmem>> -> memref<1x80xi32, #tpu.memory_space<vmem>>
        %dma_wait3A_445 = tpu.memref_squeeze %dma_wait3A_444 : memref<1x80xi32, #tpu.memory_space<vmem>> -> memref<80xi32, #tpu.memory_space<vmem>>
        %dma_wait3A_446 = arith.constant 0 : i32
        %dma_wait3A_447 = arith.constant 0 : i32
        %dma_wait3A_448 = tpu.memref_slice %arg2[%dma_wait3A_446, %dma_wait3A_447] : memref<10000x128xf32, #tpu.memory_space<hbm>> -> memref<10000x128xf32, #tpu.memory_space<hbm>>
        tpu.wait_indirect_dma semaphore(%run_scoped3A_436 : memref<!tpu.dma_semaphore, #tpu.memory_space<semaphore_mem>>) src(%dma_wait3A_448 : memref<10000x128xf32, #tpu.memory_space<hbm>>) dst(%arg11 : memref<80x128xf32, #tpu.memory_space<vmem>>)
        tpu.yield
      }) : () -> ()
      %dma_start3A_428 = arith.constant 0 : i32
      %dma_start3A_429 = arith.constant 0 : i32
      %dma_start3A_430 = tpu.memref_slice %arg9[%dma_start3A_428, %dma_start3A_429] : memref<1x80xi32, #tpu.memory_space<vmem>> -> memref<1x80xi32, #tpu.memory_space<vmem>>
      %dma_start3A_431 = tpu.memref_squeeze %dma_start3A_430 : memref<1x80xi32, #tpu.memory_space<vmem>> -> memref<80xi32, #tpu.memory_space<vmem>>
      %dma_start3A_432 = arith.constant 0 : i32
      %dma_start3A_433 = arith.constant 0 : i32
      %dma_start3A_434 = tpu.memref_slice %arg12[%dma_start3A_432, %dma_start3A_433] : memref<10000x128xf32, #tpu.memory_space<vmem_shared>> -> memref<10000x128xf32, #tpu.memory_space<vmem_shared>>
      tpu.enqueue_indirect_dma source(%arg11 : memref<80x128xf32, #tpu.memory_space<vmem>>) target(%dma_start3A_434 : memref<10000x128xf32, #tpu.memory_space<vmem_shared>>) offsets(%dma_start3A_431 : memref<80xi32, #tpu.memory_space<vmem>>) semaphore(%arg14 : memref<!tpu.dma_semaphore, #tpu.memory_space<semaphore_mem>>) {add = true}
      %scan3A_435 = arith.constant 0 : i32
      scf.yield %scan3A_435 : i32
    }
    %scan3A_33 = arith.constant 62 : i32
    %dma_wait3A = arith.constant 0 : i32
    %dma_wait3A_34 = arith.constant 0 : i32
    %dma_wait3A_35 = tpu.memref_slice %arg8[%dma_wait3A, %dma_wait3A_34] : memref<1x80xi32, #tpu.memory_space<vmem>> -> memref<1x80xi32, #tpu.memory_space<vmem>>
    %dma_wait3A_36 = tpu.memref_squeeze %dma_wait3A_35 : memref<1x80xi32, #tpu.memory_space<vmem>> -> memref<80xi32, #tpu.memory_space<vmem>>
    %dma_wait3A_37 = arith.constant 0 : i32
    %dma_wait3A_38 = arith.constant 0 : i32
    %dma_wait3A_39 = tpu.memref_slice %arg12[%dma_wait3A_37, %dma_wait3A_38] : memref<10000x128xf32, #tpu.memory_space<vmem_shared>> -> memref<10000x128xf32, #tpu.memory_space<vmem_shared>>
    tpu.wait_indirect_dma semaphore(%arg13 : memref<!tpu.dma_semaphore, #tpu.memory_space<semaphore_mem>>) src(%arg10 : memref<80x128xf32, #tpu.memory_space<vmem>>) dst(%dma_wait3A_39 : memref<10000x128xf32, #tpu.memory_space<vmem_shared>>)
    %get3A = arith.constant 124 : i32
    %get3A_40 = arith.index_cast %get3A : i32 to index
    %get3A_41 = arith.constant 0 : index
    %get3A_42 = tpu.vector_load %arg5[%get3A_40, %get3A_41] {strides = array<i32>} : memref<125x80xi32, #tpu.memory_space<vmem>>, vector<1x16xi32>,
    %get3A_43 = vector.shape_cast %get3A_42 : vector<1x16xi32> to vector<16xi32>
    %shift_right_arithmetic3A = arith.constant 14 : i32
    %shift_right_arithmetic3A_44 = vector.broadcast %shift_right_arithmetic3A : i32 to vector<16xi32>
    %shift_right_arithmetic3A_45 = arith.shrsi %get3A_43, %shift_right_arithmetic3A_44 : vector<16xi32>
    %swap3A = arith.constant 0 : i32
    %swap3A_46 = arith.index_cast %swap3A : i32 to index
    %swap3A_47 = arith.constant 0 : index
    %swap3A_48 = tpu.vector_load %arg6[%swap3A_46, %swap3A_47] {strides = array<i32>} : memref<1x80xi32, #tpu.memory_space<vmem>>, vector<1x16xi32>,
    %swap3A_49 = vector.shape_cast %swap3A_48 : vector<1x16xi32> to vector<16xi32>
    %swap3A_50 = vector.shape_cast %shift_right_arithmetic3A_45 : vector<16xi32> to vector<1x16xi32>
    tpu.vector_store %arg6[%swap3A_46, %swap3A_47], %swap3A_50 {strides = array<i32>} : memref<1x80xi32, #tpu.memory_space<vmem>>, vector<1x16xi32>,
    %and3A = arith.constant 16383 : i32
    %and3A_51 = vector.broadcast %and3A : i32 to vector<16xi32>
    %and3A_52 = arith.andi %get3A_43, %and3A_51 : vector<16xi32>
    %swap3A_53 = arith.constant 0 : i32
    %swap3A_54 = arith.index_cast %swap3A_53 : i32 to index
    %swap3A_55 = arith.constant 0 : index
    %swap3A_56 = tpu.vector_load %arg8[%swap3A_54, %swap3A_55] {strides = array<i32>} : memref<1x80xi32, #tpu.memory_space<vmem>>, vector<1x16xi32>,
    %swap3A_57 = vector.shape_cast %swap3A_56 : vector<1x16xi32> to vector<16xi32>
    %swap3A_58 = vector.shape_cast %and3A_52 : vector<16xi32> to vector<1x16xi32>
    tpu.vector_store %arg8[%swap3A_54, %swap3A_55], %swap3A_58 {strides = array<i32>} : memref<1x80xi32, #tpu.memory_space<vmem>>, vector<1x16xi32>,
    %get3A_59 = arith.constant 124 : i32
    %get3A_60 = arith.index_cast %get3A_59 : i32 to index
    %get3A_61 = arith.constant 16 : index
    %get3A_62 = tpu.vector_load %arg5[%get3A_60, %get3A_61] {strides = array<i32>} : memref<125x80xi32, #tpu.memory_space<vmem>>, vector<1x16xi32>,
    %get3A_63 = vector.shape_cast %get3A_62 : vector<1x16xi32> to vector<16xi32>
    %shift_right_arithmetic3A_64 = arith.constant 14 : i32
    %shift_right_arithmetic3A_65 = vector.broadcast %shift_right_arithmetic3A_64 : i32 to vector<16xi32>
    %shift_right_arithmetic3A_66 = arith.shrsi %get3A_63, %shift_right_arithmetic3A_65 : vector<16xi32>
    %swap3A_67 = arith.constant 0 : i32
    %swap3A_68 = arith.index_cast %swap3A_67 : i32 to index
    %swap3A_69 = arith.constant 16 : index
    %swap3A_70 = tpu.vector_load %arg6[%swap3A_68, %swap3A_69] {strides = array<i32>} : memref<1x80xi32, #tpu.memory_space<vmem>>, vector<1x16xi32>,
    %swap3A_71 = vector.shape_cast %swap3A_70 : vector<1x16xi32> to vector<16xi32>
    %swap3A_72 = vector.shape_cast %shift_right_arithmetic3A_66 : vector<16xi32> to vector<1x16xi32>
    tpu.vector_store %arg6[%swap3A_68, %swap3A_69], %swap3A_72 {strides = array<i32>} : memref<1x80xi32, #tpu.memory_space<vmem>>, vector<1x16xi32>,
    %and3A_73 = arith.constant 16383 : i32
    %and3A_74 = vector.broadcast %and3A_73 : i32 to vector<16xi32>
    %and3A_75 = arith.andi %get3A_63, %and3A_74 : vector<16xi32>
    %swap3A_76 = arith.constant 0 : i32
    %swap3A_77 = arith.index_cast %swap3A_76 : i32 to index
    %swap3A_78 = arith.constant 16 : index
    %swap3A_79 = tpu.vector_load %arg8[%swap3A_77, %swap3A_78] {strides = array<i32>} : memref<1x80xi32, #tpu.memory_space<vmem>>, vector<1x16xi32>,
    %swap3A_80 = vector.shape_cast %swap3A_79 : vector<1x16xi32> to vector<16xi32>
    %swap3A_81 = vector.shape_cast %and3A_75 : vector<16xi32> to vector<1x16xi32>
    tpu.vector_store %arg8[%swap3A_77, %swap3A_78], %swap3A_81 {strides = array<i32>} : memref<1x80xi32, #tpu.memory_space<vmem>>, vector<1x16xi32>,
    %get3A_82 = arith.constant 124 : i32
    %get3A_83 = arith.index_cast %get3A_82 : i32 to index
    %get3A_84 = arith.constant 32 : index
    %get3A_85 = tpu.vector_load %arg5[%get3A_83, %get3A_84] {strides = array<i32>} : memref<125x80xi32, #tpu.memory_space<vmem>>, vector<1x16xi32>,
    %get3A_86 = vector.shape_cast %get3A_85 : vector<1x16xi32> to vector<16xi32>
    %shift_right_arithmetic3A_87 = arith.constant 14 : i32
    %shift_right_arithmetic3A_88 = vector.broadcast %shift_right_arithmetic3A_87 : i32 to vector<16xi32>
    %shift_right_arithmetic3A_89 = arith.shrsi %get3A_86, %shift_right_arithmetic3A_88 : vector<16xi32>
    %swap3A_90 = arith.constant 0 : i32
    %swap3A_91 = arith.index_cast %swap3A_90 : i32 to index
    %swap3A_92 = arith.constant 32 : index
    %swap3A_93 = tpu.vector_load %arg6[%swap3A_91, %swap3A_92] {strides = array<i32>} : memref<1x80xi32, #tpu.memory_space<vmem>>, vector<1x16xi32>,
    %swap3A_94 = vector.shape_cast %swap3A_93 : vector<1x16xi32> to vector<16xi32>
    %swap3A_95 = vector.shape_cast %shift_right_arithmetic3A_89 : vector<16xi32> to vector<1x16xi32>
    tpu.vector_store %arg6[%swap3A_91, %swap3A_92], %swap3A_95 {strides = array<i32>} : memref<1x80xi32, #tpu.memory_space<vmem>>, vector<1x16xi32>,
    %and3A_96 = arith.constant 16383 : i32
    %and3A_97 = vector.broadcast %and3A_96 : i32 to vector<16xi32>
    %and3A_98 = arith.andi %get3A_86, %and3A_97 : vector<16xi32>
    %swap3A_99 = arith.constant 0 : i32
    %swap3A_100 = arith.index_cast %swap3A_99 : i32 to index
    %swap3A_101 = arith.constant 32 : index
    %swap3A_102 = tpu.vector_load %arg8[%swap3A_100, %swap3A_101] {strides = array<i32>} : memref<1x80xi32, #tpu.memory_space<vmem>>, vector<1x16xi32>,
    %swap3A_103 = vector.shape_cast %swap3A_102 : vector<1x16xi32> to vector<16xi32>
    %swap3A_104 = vector.shape_cast %and3A_98 : vector<16xi32> to vector<1x16xi32>
    tpu.vector_store %arg8[%swap3A_100, %swap3A_101], %swap3A_104 {strides = array<i32>} : memref<1x80xi32, #tpu.memory_space<vmem>>, vector<1x16xi32>,
    %get3A_105 = arith.constant 124 : i32
    %get3A_106 = arith.index_cast %get3A_105 : i32 to index
    %get3A_107 = arith.constant 48 : index
    %get3A_108 = tpu.vector_load %arg5[%get3A_106, %get3A_107] {strides = array<i32>} : memref<125x80xi32, #tpu.memory_space<vmem>>, vector<1x16xi32>,
    %get3A_109 = vector.shape_cast %get3A_108 : vector<1x16xi32> to vector<16xi32>
    %shift_right_arithmetic3A_110 = arith.constant 14 : i32
    %shift_right_arithmetic3A_111 = vector.broadcast %shift_right_arithmetic3A_110 : i32 to vector<16xi32>
    %shift_right_arithmetic3A_112 = arith.shrsi %get3A_109, %shift_right_arithmetic3A_111 : vector<16xi32>
    %swap3A_113 = arith.constant 0 : i32
    %swap3A_114 = arith.index_cast %swap3A_113 : i32 to index
    %swap3A_115 = arith.constant 48 : index
    %swap3A_116 = tpu.vector_load %arg6[%swap3A_114, %swap3A_115] {strides = array<i32>} : memref<1x80xi32, #tpu.memory_space<vmem>>, vector<1x16xi32>,
    %swap3A_117 = vector.shape_cast %swap3A_116 : vector<1x16xi32> to vector<16xi32>
    %swap3A_118 = vector.shape_cast %shift_right_arithmetic3A_112 : vector<16xi32> to vector<1x16xi32>
    tpu.vector_store %arg6[%swap3A_114, %swap3A_115], %swap3A_118 {strides = array<i32>} : memref<1x80xi32, #tpu.memory_space<vmem>>, vector<1x16xi32>,
    %and3A_119 = arith.constant 16383 : i32
    %and3A_120 = vector.broadcast %and3A_119 : i32 to vector<16xi32>
    %and3A_121 = arith.andi %get3A_109, %and3A_120 : vector<16xi32>
    %swap3A_122 = arith.constant 0 : i32
    %swap3A_123 = arith.index_cast %swap3A_122 : i32 to index
    %swap3A_124 = arith.constant 48 : index
    %swap3A_125 = tpu.vector_load %arg8[%swap3A_123, %swap3A_124] {strides = array<i32>} : memref<1x80xi32, #tpu.memory_space<vmem>>, vector<1x16xi32>,
    %swap3A_126 = vector.shape_cast %swap3A_125 : vector<1x16xi32> to vector<16xi32>
    %swap3A_127 = vector.shape_cast %and3A_121 : vector<16xi32> to vector<1x16xi32>
    tpu.vector_store %arg8[%swap3A_123, %swap3A_124], %swap3A_127 {strides = array<i32>} : memref<1x80xi32, #tpu.memory_space<vmem>>, vector<1x16xi32>,
    %get3A_128 = arith.constant 124 : i32
    %get3A_129 = arith.index_cast %get3A_128 : i32 to index
    %get3A_130 = arith.constant 64 : index
    %get3A_131 = tpu.vector_load %arg5[%get3A_129, %get3A_130] {strides = array<i32>} : memref<125x80xi32, #tpu.memory_space<vmem>>, vector<1x16xi32>,
    %get3A_132 = vector.shape_cast %get3A_131 : vector<1x16xi32> to vector<16xi32>
    %shift_right_arithmetic3A_133 = arith.constant 14 : i32
    %shift_right_arithmetic3A_134 = vector.broadcast %shift_right_arithmetic3A_133 : i32 to vector<16xi32>
    %shift_right_arithmetic3A_135 = arith.shrsi %get3A_132, %shift_right_arithmetic3A_134 : vector<16xi32>
    %swap3A_136 = arith.constant 0 : i32
    %swap3A_137 = arith.index_cast %swap3A_136 : i32 to index
    %swap3A_138 = arith.constant 64 : index
    %swap3A_139 = tpu.vector_load %arg6[%swap3A_137, %swap3A_138] {strides = array<i32>} : memref<1x80xi32, #tpu.memory_space<vmem>>, vector<1x16xi32>,
    %swap3A_140 = vector.shape_cast %swap3A_139 : vector<1x16xi32> to vector<16xi32>
    %swap3A_141 = vector.shape_cast %shift_right_arithmetic3A_135 : vector<16xi32> to vector<1x16xi32>
    tpu.vector_store %arg6[%swap3A_137, %swap3A_138], %swap3A_141 {strides = array<i32>} : memref<1x80xi32, #tpu.memory_space<vmem>>, vector<1x16xi32>,
    %and3A_142 = arith.constant 16383 : i32
    %and3A_143 = vector.broadcast %and3A_142 : i32 to vector<16xi32>
    %and3A_144 = arith.andi %get3A_132, %and3A_143 : vector<16xi32>
    %swap3A_145 = arith.constant 0 : i32
    %swap3A_146 = arith.index_cast %swap3A_145 : i32 to index
    %swap3A_147 = arith.constant 64 : index
    %swap3A_148 = tpu.vector_load %arg8[%swap3A_146, %swap3A_147] {strides = array<i32>} : memref<1x80xi32, #tpu.memory_space<vmem>>, vector<1x16xi32>,
    %swap3A_149 = vector.shape_cast %swap3A_148 : vector<1x16xi32> to vector<16xi32>
    %swap3A_150 = vector.shape_cast %and3A_144 : vector<16xi32> to vector<1x16xi32>
    tpu.vector_store %arg8[%swap3A_146, %swap3A_147], %swap3A_150 {strides = array<i32>} : memref<1x80xi32, #tpu.memory_space<vmem>>, vector<1x16xi32>,
    %run_scoped3A = arith.constant 0 : i32
    "tpu.region"() ({
      %run_scoped3A_180 = tpu.sem_alloc : memref<!tpu.dma_semaphore, #tpu.memory_space<semaphore_mem>>
      %dma_start3A_181 = arith.constant 0 : i32
      %dma_start3A_182 = tpu.memref_slice %arg6[%run_scoped3A, %dma_start3A_181] : memref<1x80xi32, #tpu.memory_space<vmem>> -> memref<1x80xi32, #tpu.memory_space<vmem>>
      %dma_start3A_183 = tpu.memref_squeeze %dma_start3A_182 : memref<1x80xi32, #tpu.memory_space<vmem>> -> memref<80xi32, #tpu.memory_space<vmem>>
      %dma_start3A_184 = arith.constant 0 : i32
      %dma_start3A_185 = arith.constant 0 : i32
      %dma_start3A_186 = tpu.memref_slice %arg2[%dma_start3A_184, %dma_start3A_185] : memref<10000x128xf32, #tpu.memory_space<hbm>> -> memref<10000x128xf32, #tpu.memory_space<hbm>>
      tpu.enqueue_indirect_dma source(%dma_start3A_186 : memref<10000x128xf32, #tpu.memory_space<hbm>>) target(%arg10 : memref<80x128xf32, #tpu.memory_space<vmem>>) offsets(%dma_start3A_183 : memref<80xi32, #tpu.memory_space<vmem>>) semaphore(%run_scoped3A_180 : memref<!tpu.dma_semaphore, #tpu.memory_space<semaphore_mem>>)
      %dma_wait3A_187 = arith.constant 0 : i32
      %dma_wait3A_188 = tpu.memref_slice %arg6[%run_scoped3A, %dma_wait3A_187] : memref<1x80xi32, #tpu.memory_space<vmem>> -> memref<1x80xi32, #tpu.memory_space<vmem>>
      %dma_wait3A_189 = tpu.memref_squeeze %dma_wait3A_188 : memref<1x80xi32, #tpu.memory_space<vmem>> -> memref<80xi32, #tpu.memory_space<vmem>>
      %dma_wait3A_190 = arith.constant 0 : i32
      %dma_wait3A_191 = arith.constant 0 : i32
      %dma_wait3A_192 = tpu.memref_slice %arg2[%dma_wait3A_190, %dma_wait3A_191] : memref<10000x128xf32, #tpu.memory_space<hbm>> -> memref<10000x128xf32, #tpu.memory_space<hbm>>
      tpu.wait_indirect_dma semaphore(%run_scoped3A_180 : memref<!tpu.dma_semaphore, #tpu.memory_space<semaphore_mem>>) src(%dma_wait3A_192 : memref<10000x128xf32, #tpu.memory_space<hbm>>) dst(%arg10 : memref<80x128xf32, #tpu.memory_space<vmem>>)
      tpu.yield
    }) : () -> ()
    %dma_start3A = arith.constant 0 : i32
    %dma_start3A_151 = arith.constant 0 : i32
    %dma_start3A_152 = tpu.memref_slice %arg8[%dma_start3A, %dma_start3A_151] : memref<1x80xi32, #tpu.memory_space<vmem>> -> memref<1x80xi32, #tpu.memory_space<vmem>>
    %dma_start3A_153 = tpu.memref_squeeze %dma_start3A_152 : memref<1x80xi32, #tpu.memory_space<vmem>> -> memref<80xi32, #tpu.memory_space<vmem>>
    %dma_start3A_154 = arith.constant 0 : i32
    %dma_start3A_155 = arith.constant 0 : i32
    %dma_start3A_156 = tpu.memref_slice %arg12[%dma_start3A_154, %dma_start3A_155] : memref<10000x128xf32, #tpu.memory_space<vmem_shared>> -> memref<10000x128xf32, #tpu.memory_space<vmem_shared>>
    tpu.enqueue_indirect_dma source(%arg10 : memref<80x128xf32, #tpu.memory_space<vmem>>) target(%dma_start3A_156 : memref<10000x128xf32, #tpu.memory_space<vmem_shared>>) offsets(%dma_start3A_153 : memref<80xi32, #tpu.memory_space<vmem>>) semaphore(%arg13 : memref<!tpu.dma_semaphore, #tpu.memory_space<semaphore_mem>>) {add = true}
    %dma_wait3A_157 = arith.constant 0 : i32
    %dma_wait3A_158 = arith.constant 0 : i32
    %dma_wait3A_159 = tpu.memref_slice %arg8[%dma_wait3A_157, %dma_wait3A_158] : memref<1x80xi32, #tpu.memory_space<vmem>> -> memref<1x80xi32, #tpu.memory_space<vmem>>
    %dma_wait3A_160 = tpu.memref_squeeze %dma_wait3A_159 : memref<1x80xi32, #tpu.memory_space<vmem>> -> memref<80xi32, #tpu.memory_space<vmem>>
    %dma_wait3A_161 = arith.constant 0 : i32
    %dma_wait3A_162 = arith.constant 0 : i32
    %dma_wait3A_163 = tpu.memref_slice %arg12[%dma_wait3A_161, %dma_wait3A_162] : memref<10000x128xf32, #tpu.memory_space<vmem_shared>> -> memref<10000x128xf32, #tpu.memory_space<vmem_shared>>
    tpu.wait_indirect_dma semaphore(%arg13 : memref<!tpu.dma_semaphore, #tpu.memory_space<semaphore_mem>>) src(%arg10 : memref<80x128xf32, #tpu.memory_space<vmem>>) dst(%dma_wait3A_163 : memref<10000x128xf32, #tpu.memory_space<vmem_shared>>)
    %dma_wait3A_164 = arith.constant 0 : i32
    %dma_wait3A_165 = arith.constant 0 : i32
    %dma_wait3A_166 = tpu.memref_slice %arg9[%dma_wait3A_164, %dma_wait3A_165] : memref<1x80xi32, #tpu.memory_space<vmem>> -> memref<1x80xi32, #tpu.memory_space<vmem>>
    %dma_wait3A_167 = tpu.memref_squeeze %dma_wait3A_166 : memref<1x80xi32, #tpu.memory_space<vmem>> -> memref<80xi32, #tpu.memory_space<vmem>>
    %dma_wait3A_168 = arith.constant 0 : i32
    %dma_wait3A_169 = arith.constant 0 : i32
    %dma_wait3A_170 = tpu.memref_slice %arg12[%dma_wait3A_168, %dma_wait3A_169] : memref<10000x128xf32, #tpu.memory_space<vmem_shared>> -> memref<10000x128xf32, #tpu.memory_space<vmem_shared>>
    tpu.wait_indirect_dma semaphore(%arg14 : memref<!tpu.dma_semaphore, #tpu.memory_space<semaphore_mem>>) src(%arg11 : memref<80x128xf32, #tpu.memory_space<vmem>>) dst(%dma_wait3A_170 : memref<10000x128xf32, #tpu.memory_space<vmem_shared>>)
    %barrier3A_171 = arith.constant 0 : index
    tpu.barrier barrier_id(%barrier3A_171)
    %mul3A_172 = arith.constant 640 : i32
    %mul3A_173 = arith.muli %arg1, %mul3A_172 : i32
    %lt3A = arith.constant 15 : i32
    %lt3A_174 = arith.cmpi slt, %arg1, %lt3A : i32
    %convert_element_type3A = arith.extui %lt3A_174 : i1 to i32
    %cond3A = arith.constant 0 : i32
    %cond3A_175 = arith.cmpi ne, %convert_element_type3A, %cond3A : i32
    scf.if %cond3A_175 {
      "tpu.region"() ({
        %run_scoped3A_180 = tpu.sem_alloc : memref<!tpu.dma_semaphore, #tpu.memory_space<semaphore_mem>>
        %dma_start3A_181 = arith.constant 0 : i32
        %dma_start3A_182 = tpu.memref_slice %arg4[%arg0, %mul3A_173, %dma_start3A_181] : memref<2x10000x128xf32, #tpu.memory_space<hbm>> -> memref<1x640x128xf32, #tpu.memory_space<hbm>>
        %dma_start3A_183 = tpu.memref_squeeze %dma_start3A_182 : memref<1x640x128xf32, #tpu.memory_space<hbm>> -> memref<640x128xf32, #tpu.memory_space<hbm>>
        %dma_start3A_184 = arith.constant 0 : i32
        %dma_start3A_185 = tpu.memref_slice %arg12[%mul3A_173, %dma_start3A_184] : memref<10000x128xf32, #tpu.memory_space<vmem_shared>> -> memref<640x128xf32, #tpu.memory_space<vmem_shared>>
        tpu.enqueue_dma source(%dma_start3A_185 : memref<640x128xf32, #tpu.memory_space<vmem_shared>>) target(%dma_start3A_183 : memref<640x128xf32, #tpu.memory_space<hbm>>) target_semaphore(%run_scoped3A_180 : memref<!tpu.dma_semaphore, #tpu.memory_space<semaphore_mem>>)
        %dma_wait3A_186 = arith.constant 0 : i32
        %dma_wait3A_187 = tpu.memref_slice %arg4[%arg0, %mul3A_173, %dma_wait3A_186] : memref<2x10000x128xf32, #tpu.memory_space<hbm>> -> memref<1x640x128xf32, #tpu.memory_space<hbm>>
        %dma_wait3A_188 = tpu.memref_squeeze %dma_wait3A_187 : memref<1x640x128xf32, #tpu.memory_space<hbm>> -> memref<640x128xf32, #tpu.memory_space<hbm>>
        %dma_wait3A_189 = arith.constant 0 : i32
        %dma_wait3A_190 = tpu.memref_slice %arg12[%mul3A_173, %dma_wait3A_189] : memref<10000x128xf32, #tpu.memory_space<vmem_shared>> -> memref<640x128xf32, #tpu.memory_space<vmem_shared>>
        tpu.wait_dma2 semaphore(%run_scoped3A_180 : memref<!tpu.dma_semaphore, #tpu.memory_space<semaphore_mem>>) src(%dma_wait3A_190 : memref<640x128xf32, #tpu.memory_space<vmem_shared>>) dst(%dma_wait3A_188 : memref<640x128xf32, #tpu.memory_space<hbm>>)
        tpu.yield
      }) : () -> ()
    } else {
    }
    %eq3A = arith.constant 15 : i32
    %eq3A_176 = arith.cmpi eq, %arg1, %eq3A : i32
    %convert_element_type3A_177 = arith.extui %eq3A_176 : i1 to i32
    %cond3A_178 = arith.constant 0 : i32
    %cond3A_179 = arith.cmpi ne, %convert_element_type3A_177, %cond3A_178 : i32
    scf.if %cond3A_179 {
      "tpu.region"() ({
        %run_scoped3A_180 = tpu.sem_alloc : memref<!tpu.dma_semaphore, #tpu.memory_space<semaphore_mem>>
        %dma_start3A_181 = arith.constant 9600 : i32
        %dma_start3A_182 = arith.constant 0 : i32
        %dma_start3A_183 = tpu.memref_slice %arg4[%arg0, %dma_start3A_181, %dma_start3A_182] : memref<2x10000x128xf32, #tpu.memory_space<hbm>> -> memref<1x400x128xf32, #tpu.memory_space<hbm>>
        %dma_start3A_184 = tpu.memref_squeeze %dma_start3A_183 : memref<1x400x128xf32, #tpu.memory_space<hbm>> -> memref<400x128xf32, #tpu.memory_space<hbm>>
        %dma_start3A_185 = arith.constant 9600 : i32
        %dma_start3A_186 = arith.constant 0 : i32
        %dma_start3A_187 = tpu.memref_slice %arg12[%dma_start3A_185, %dma_start3A_186] : memref<10000x128xf32, #tpu.memory_space<vmem_shared>> -> memref<400x128xf32, #tpu.memory_space<vmem_shared>>
        tpu.enqueue_dma source(%dma_start3A_187 : memref<400x128xf32, #tpu.memory_space<vmem_shared>>) target(%dma_start3A_184 : memref<400x128xf32, #tpu.memory_space<hbm>>) target_semaphore(%run_scoped3A_180 : memref<!tpu.dma_semaphore, #tpu.memory_space<semaphore_mem>>)
        %dma_wait3A_188 = arith.constant 9600 : i32
        %dma_wait3A_189 = arith.constant 0 : i32
        %dma_wait3A_190 = tpu.memref_slice %arg4[%arg0, %dma_wait3A_188, %dma_wait3A_189] : memref<2x10000x128xf32, #tpu.memory_space<hbm>> -> memref<1x400x128xf32, #tpu.memory_space<hbm>>
        %dma_wait3A_191 = tpu.memref_squeeze %dma_wait3A_190 : memref<1x400x128xf32, #tpu.memory_space<hbm>> -> memref<400x128xf32, #tpu.memory_space<hbm>>
        %dma_wait3A_192 = arith.constant 9600 : i32
        %dma_wait3A_193 = arith.constant 0 : i32
        %dma_wait3A_194 = tpu.memref_slice %arg12[%dma_wait3A_192, %dma_wait3A_193] : memref<10000x128xf32, #tpu.memory_space<vmem_shared>> -> memref<400x128xf32, #tpu.memory_space<vmem_shared>>
        tpu.wait_dma2 semaphore(%run_scoped3A_180 : memref<!tpu.dma_semaphore, #tpu.memory_space<semaphore_mem>>) src(%dma_wait3A_194 : memref<400x128xf32, #tpu.memory_space<vmem_shared>>) dst(%dma_wait3A_191 : memref<400x128xf32, #tpu.memory_space<hbm>>)
        tpu.yield
      }) : () -> ()
    } else {
    }
    return
  }
}

#map = affine_map<(d0, d1) -> (0, 0, 0)>
module attributes {stable_mosaic.version = 14 : i64} {
  func.func @sc_deg(%arg0: i32, %arg1: i32, %arg2: memref<32x80x125xi32, #tpu.memory_space<hbm>>, %arg3: memref<2x10000x128xf32, #tpu.memory_space<hbm>>, %arg4: memref<80x125xi32, #tpu.memory_space<vmem>>, %arg5: memref<125x128xf32, #tpu.memory_space<vmem>>, %arg6: memref<10000x128xf32, #tpu.memory_space<vmem_shared>>, %arg7: memref<!tpu.dma_semaphore, #tpu.memory_space<semaphore_mem>>) attributes {dimension_semantics = [#tpu.dimension_semantics<core_parallel>, #tpu.dimension_semantics<subcore_parallel>], iteration_bounds = array<i64: 2, 16>, scalar_prefetch = 0 : i64, scratch_operands = 4 : i64, tpu.core_type = #tpu.core_type<sc_vector_subcore>, window_params = [{transform_indices = #map}, {transform_indices = #map}]} {
    %mul3A = arith.constant 16 : i32
    %mul3A_0 = arith.muli %arg0, %mul3A : i32
    %add3A = arith.addi %mul3A_0, %arg1 : i32
    "tpu.region"() ({
      %run_scoped3A = tpu.sem_alloc : memref<!tpu.dma_semaphore, #tpu.memory_space<semaphore_mem>>
      %dma_start3A = arith.constant 0 : i32
      %dma_start3A_45 = arith.constant 0 : i32
      %dma_start3A_46 = tpu.memref_slice %arg2[%add3A, %dma_start3A, %dma_start3A_45] : memref<32x80x125xi32, #tpu.memory_space<hbm>> -> memref<1x80x125xi32, #tpu.memory_space<hbm>>
      %dma_start3A_47 = tpu.memref_squeeze %dma_start3A_46 : memref<1x80x125xi32, #tpu.memory_space<hbm>> -> memref<80x125xi32, #tpu.memory_space<hbm>>
      %dma_start3A_48 = arith.constant 0 : i32
      %dma_start3A_49 = arith.constant 0 : i32
      %dma_start3A_50 = tpu.memref_slice %arg2[%add3A, %dma_start3A_48, %dma_start3A_49] : memref<32x80x125xi32, #tpu.memory_space<hbm>> -> memref<1x80x125xi32, #tpu.memory_space<hbm>>
      %dma_start3A_51 = tpu.memref_squeeze %dma_start3A_50 : memref<1x80x125xi32, #tpu.memory_space<hbm>> -> memref<80x125xi32, #tpu.memory_space<hbm>>
      tpu.enqueue_dma source(%dma_start3A_51 : memref<80x125xi32, #tpu.memory_space<hbm>>) target(%arg4 : memref<80x125xi32, #tpu.memory_space<vmem>>) target_semaphore(%run_scoped3A : memref<!tpu.dma_semaphore, #tpu.memory_space<semaphore_mem>>)
      %dma_wait3A = arith.constant 0 : i32
      %dma_wait3A_52 = arith.constant 0 : i32
      %dma_wait3A_53 = tpu.memref_slice %arg2[%add3A, %dma_wait3A, %dma_wait3A_52] : memref<32x80x125xi32, #tpu.memory_space<hbm>> -> memref<1x80x125xi32, #tpu.memory_space<hbm>>
      %dma_wait3A_54 = tpu.memref_squeeze %dma_wait3A_53 : memref<1x80x125xi32, #tpu.memory_space<hbm>> -> memref<80x125xi32, #tpu.memory_space<hbm>>
      %dma_wait3A_55 = arith.constant 0 : i32
      %dma_wait3A_56 = arith.constant 0 : i32
      %dma_wait3A_57 = tpu.memref_slice %arg2[%add3A, %dma_wait3A_55, %dma_wait3A_56] : memref<32x80x125xi32, #tpu.memory_space<hbm>> -> memref<1x80x125xi32, #tpu.memory_space<hbm>>
      %dma_wait3A_58 = tpu.memref_squeeze %dma_wait3A_57 : memref<1x80x125xi32, #tpu.memory_space<hbm>> -> memref<80x125xi32, #tpu.memory_space<hbm>>
      tpu.wait_dma2 semaphore(%run_scoped3A : memref<!tpu.dma_semaphore, #tpu.memory_space<semaphore_mem>>) src(%dma_wait3A_58 : memref<80x125xi32, #tpu.memory_space<hbm>>) dst(%arg4 : memref<80x125xi32, #tpu.memory_space<vmem>>)
      tpu.yield
    }) : () -> ()
    %broadcast_in_dim3A = arith.constant 0.000000e+00 : f32
    %broadcast_in_dim3A_1 = vector.broadcast %broadcast_in_dim3A : f32 to vector<16xf32>
    %scan3A = arith.constant 0 : i32
    %scan3A_2 = arith.constant 0 : i32
    %scan3A_3 = arith.constant 125 : i32
    %scan3A_4 = arith.addi %scan3A_2, %scan3A_3 : i32
    %scan3A_5 = arith.constant 1 : i32
    %scan3A_6 = scf.for %scan3A_45 = %scan3A_2 to %scan3A_4 step %scan3A_5 iter_args(%scan3A_46 = %scan3A) -> (i32)  : i32 {
      %swap3A = arith.index_cast %scan3A_45 : i32 to index
      %swap3A_47 = arith.constant 0 : index
      %swap3A_48 = tpu.vector_load %arg5[%swap3A, %swap3A_47] {strides = array<i32>} : memref<125x128xf32, #tpu.memory_space<vmem>>, vector<1x16xf32>,
      %swap3A_49 = vector.shape_cast %swap3A_48 : vector<1x16xf32> to vector<16xf32>
      %swap3A_50 = vector.shape_cast %broadcast_in_dim3A_1 : vector<16xf32> to vector<1x16xf32>
      tpu.vector_store %arg5[%swap3A, %swap3A_47], %swap3A_50 {strides = array<i32>} : memref<125x128xf32, #tpu.memory_space<vmem>>, vector<1x16xf32>,
      %swap3A_51 = arith.index_cast %scan3A_45 : i32 to index
      %swap3A_52 = arith.constant 16 : index
      %swap3A_53 = tpu.vector_load %arg5[%swap3A_51, %swap3A_52] {strides = array<i32>} : memref<125x128xf32, #tpu.memory_space<vmem>>, vector<1x16xf32>,
      %swap3A_54 = vector.shape_cast %swap3A_53 : vector<1x16xf32> to vector<16xf32>
      %swap3A_55 = vector.shape_cast %broadcast_in_dim3A_1 : vector<16xf32> to vector<1x16xf32>
      tpu.vector_store %arg5[%swap3A_51, %swap3A_52], %swap3A_55 {strides = array<i32>} : memref<125x128xf32, #tpu.memory_space<vmem>>, vector<1x16xf32>,
      %swap3A_56 = arith.index_cast %scan3A_45 : i32 to index
      %swap3A_57 = arith.constant 32 : index
      %swap3A_58 = tpu.vector_load %arg5[%swap3A_56, %swap3A_57] {strides = array<i32>} : memref<125x128xf32, #tpu.memory_space<vmem>>, vector<1x16xf32>,
      %swap3A_59 = vector.shape_cast %swap3A_58 : vector<1x16xf32> to vector<16xf32>
      %swap3A_60 = vector.shape_cast %broadcast_in_dim3A_1 : vector<16xf32> to vector<1x16xf32>
      tpu.vector_store %arg5[%swap3A_56, %swap3A_57], %swap3A_60 {strides = array<i32>} : memref<125x128xf32, #tpu.memory_space<vmem>>, vector<1x16xf32>,
      %swap3A_61 = arith.index_cast %scan3A_45 : i32 to index
      %swap3A_62 = arith.constant 48 : index
      %swap3A_63 = tpu.vector_load %arg5[%swap3A_61, %swap3A_62] {strides = array<i32>} : memref<125x128xf32, #tpu.memory_space<vmem>>, vector<1x16xf32>,
      %swap3A_64 = vector.shape_cast %swap3A_63 : vector<1x16xf32> to vector<16xf32>
      %swap3A_65 = vector.shape_cast %broadcast_in_dim3A_1 : vector<16xf32> to vector<1x16xf32>
      tpu.vector_store %arg5[%swap3A_61, %swap3A_62], %swap3A_65 {strides = array<i32>} : memref<125x128xf32, #tpu.memory_space<vmem>>, vector<1x16xf32>,
      %swap3A_66 = arith.index_cast %scan3A_45 : i32 to index
      %swap3A_67 = arith.constant 64 : index
      %swap3A_68 = tpu.vector_load %arg5[%swap3A_66, %swap3A_67] {strides = array<i32>} : memref<125x128xf32, #tpu.memory_space<vmem>>, vector<1x16xf32>,
      %swap3A_69 = vector.shape_cast %swap3A_68 : vector<1x16xf32> to vector<16xf32>
      %swap3A_70 = vector.shape_cast %broadcast_in_dim3A_1 : vector<16xf32> to vector<1x16xf32>
      tpu.vector_store %arg5[%swap3A_66, %swap3A_67], %swap3A_70 {strides = array<i32>} : memref<125x128xf32, #tpu.memory_space<vmem>>, vector<1x16xf32>,
      %swap3A_71 = arith.index_cast %scan3A_45 : i32 to index
      %swap3A_72 = arith.constant 80 : index
      %swap3A_73 = tpu.vector_load %arg5[%swap3A_71, %swap3A_72] {strides = array<i32>} : memref<125x128xf32, #tpu.memory_space<vmem>>, vector<1x16xf32>,
      %swap3A_74 = vector.shape_cast %swap3A_73 : vector<1x16xf32> to vector<16xf32>
      %swap3A_75 = vector.shape_cast %broadcast_in_dim3A_1 : vector<16xf32> to vector<1x16xf32>
      tpu.vector_store %arg5[%swap3A_71, %swap3A_72], %swap3A_75 {strides = array<i32>} : memref<125x128xf32, #tpu.memory_space<vmem>>, vector<1x16xf32>,
      %swap3A_76 = arith.index_cast %scan3A_45 : i32 to index
      %swap3A_77 = arith.constant 96 : index
      %swap3A_78 = tpu.vector_load %arg5[%swap3A_76, %swap3A_77] {strides = array<i32>} : memref<125x128xf32, #tpu.memory_space<vmem>>, vector<1x16xf32>,
      %swap3A_79 = vector.shape_cast %swap3A_78 : vector<1x16xf32> to vector<16xf32>
      %swap3A_80 = vector.shape_cast %broadcast_in_dim3A_1 : vector<16xf32> to vector<1x16xf32>
      tpu.vector_store %arg5[%swap3A_76, %swap3A_77], %swap3A_80 {strides = array<i32>} : memref<125x128xf32, #tpu.memory_space<vmem>>, vector<1x16xf32>,
      %swap3A_81 = arith.index_cast %scan3A_45 : i32 to index
      %swap3A_82 = arith.constant 112 : index
      %swap3A_83 = tpu.vector_load %arg5[%swap3A_81, %swap3A_82] {strides = array<i32>} : memref<125x128xf32, #tpu.memory_space<vmem>>, vector<1x16xf32>,
      %swap3A_84 = vector.shape_cast %swap3A_83 : vector<1x16xf32> to vector<16xf32>
      %swap3A_85 = vector.shape_cast %broadcast_in_dim3A_1 : vector<16xf32> to vector<1x16xf32>
      tpu.vector_store %arg5[%swap3A_81, %swap3A_82], %swap3A_85 {strides = array<i32>} : memref<125x128xf32, #tpu.memory_space<vmem>>, vector<1x16xf32>,
      %scan3A_86 = arith.constant 0 : i32
      scf.yield %scan3A_86 : i32
    }
    %scan3A_7 = arith.constant 125 : i32
    %mul3A_8 = arith.constant 625 : i32
    %mul3A_9 = arith.muli %arg1, %mul3A_8 : i32
    %add3A_10 = arith.constant 0 : i32
    %add3A_11 = arith.addi %mul3A_9, %add3A_10 : i32
    "tpu.region"() ({
      %run_scoped3A = tpu.sem_alloc : memref<!tpu.dma_semaphore, #tpu.memory_space<semaphore_mem>>
      %dma_start3A = arith.constant 0 : i32
      %dma_start3A_45 = tpu.memref_slice %arg6[%add3A_11, %dma_start3A] : memref<10000x128xf32, #tpu.memory_space<vmem_shared>> -> memref<125x128xf32, #tpu.memory_space<vmem_shared>>
      %dma_start3A_46 = arith.constant 0 : i32
      %dma_start3A_47 = tpu.memref_slice %arg6[%add3A_11, %dma_start3A_46] : memref<10000x128xf32, #tpu.memory_space<vmem_shared>> -> memref<125x128xf32, #tpu.memory_space<vmem_shared>>
      tpu.enqueue_dma source(%arg5 : memref<125x128xf32, #tpu.memory_space<vmem>>) target(%dma_start3A_47 : memref<125x128xf32, #tpu.memory_space<vmem_shared>>) target_semaphore(%run_scoped3A : memref<!tpu.dma_semaphore, #tpu.memory_space<semaphore_mem>>)
      %dma_wait3A = arith.constant 0 : i32
      %dma_wait3A_48 = tpu.memref_slice %arg6[%add3A_11, %dma_wait3A] : memref<10000x128xf32, #tpu.memory_space<vmem_shared>> -> memref<125x128xf32, #tpu.memory_space<vmem_shared>>
      %dma_wait3A_49 = arith.constant 0 : i32
      %dma_wait3A_50 = tpu.memref_slice %arg6[%add3A_11, %dma_wait3A_49] : memref<10000x128xf32, #tpu.memory_space<vmem_shared>> -> memref<125x128xf32, #tpu.memory_space<vmem_shared>>
      tpu.wait_dma2 semaphore(%run_scoped3A : memref<!tpu.dma_semaphore, #tpu.memory_space<semaphore_mem>>) src(%arg5 : memref<125x128xf32, #tpu.memory_space<vmem>>) dst(%dma_wait3A_50 : memref<125x128xf32, #tpu.memory_space<vmem_shared>>)
      tpu.yield
    }) : () -> ()
    %add3A_12 = arith.constant 125 : i32
    %add3A_13 = arith.addi %mul3A_9, %add3A_12 : i32
    "tpu.region"() ({
      %run_scoped3A = tpu.sem_alloc : memref<!tpu.dma_semaphore, #tpu.memory_space<semaphore_mem>>
      %dma_start3A = arith.constant 0 : i32
      %dma_start3A_45 = tpu.memref_slice %arg6[%add3A_13, %dma_start3A] : memref<10000x128xf32, #tpu.memory_space<vmem_shared>> -> memref<125x128xf32, #tpu.memory_space<vmem_shared>>
      %dma_start3A_46 = arith.constant 0 : i32
      %dma_start3A_47 = tpu.memref_slice %arg6[%add3A_13, %dma_start3A_46] : memref<10000x128xf32, #tpu.memory_space<vmem_shared>> -> memref<125x128xf32, #tpu.memory_space<vmem_shared>>
      tpu.enqueue_dma source(%arg5 : memref<125x128xf32, #tpu.memory_space<vmem>>) target(%dma_start3A_47 : memref<125x128xf32, #tpu.memory_space<vmem_shared>>) target_semaphore(%run_scoped3A : memref<!tpu.dma_semaphore, #tpu.memory_space<semaphore_mem>>)
      %dma_wait3A = arith.constant 0 : i32
      %dma_wait3A_48 = tpu.memref_slice %arg6[%add3A_13, %dma_wait3A] : memref<10000x128xf32, #tpu.memory_space<vmem_shared>> -> memref<125x128xf32, #tpu.memory_space<vmem_shared>>
      %dma_wait3A_49 = arith.constant 0 : i32
      %dma_wait3A_50 = tpu.memref_slice %arg6[%add3A_13, %dma_wait3A_49] : memref<10000x128xf32, #tpu.memory_space<vmem_shared>> -> memref<125x128xf32, #tpu.memory_space<vmem_shared>>
      tpu.wait_dma2 semaphore(%run_scoped3A : memref<!tpu.dma_semaphore, #tpu.memory_space<semaphore_mem>>) src(%arg5 : memref<125x128xf32, #tpu.memory_space<vmem>>) dst(%dma_wait3A_50 : memref<125x128xf32, #tpu.memory_space<vmem_shared>>)
      tpu.yield
    }) : () -> ()
    %add3A_14 = arith.constant 250 : i32
    %add3A_15 = arith.addi %mul3A_9, %add3A_14 : i32
    "tpu.region"() ({
      %run_scoped3A = tpu.sem_alloc : memref<!tpu.dma_semaphore, #tpu.memory_space<semaphore_mem>>
      %dma_start3A = arith.constant 0 : i32
      %dma_start3A_45 = tpu.memref_slice %arg6[%add3A_15, %dma_start3A] : memref<10000x128xf32, #tpu.memory_space<vmem_shared>> -> memref<125x128xf32, #tpu.memory_space<vmem_shared>>
      %dma_start3A_46 = arith.constant 0 : i32
      %dma_start3A_47 = tpu.memref_slice %arg6[%add3A_15, %dma_start3A_46] : memref<10000x128xf32, #tpu.memory_space<vmem_shared>> -> memref<125x128xf32, #tpu.memory_space<vmem_shared>>
      tpu.enqueue_dma source(%arg5 : memref<125x128xf32, #tpu.memory_space<vmem>>) target(%dma_start3A_47 : memref<125x128xf32, #tpu.memory_space<vmem_shared>>) target_semaphore(%run_scoped3A : memref<!tpu.dma_semaphore, #tpu.memory_space<semaphore_mem>>)
      %dma_wait3A = arith.constant 0 : i32
      %dma_wait3A_48 = tpu.memref_slice %arg6[%add3A_15, %dma_wait3A] : memref<10000x128xf32, #tpu.memory_space<vmem_shared>> -> memref<125x128xf32, #tpu.memory_space<vmem_shared>>
      %dma_wait3A_49 = arith.constant 0 : i32
      %dma_wait3A_50 = tpu.memref_slice %arg6[%add3A_15, %dma_wait3A_49] : memref<10000x128xf32, #tpu.memory_space<vmem_shared>> -> memref<125x128xf32, #tpu.memory_space<vmem_shared>>
      tpu.wait_dma2 semaphore(%run_scoped3A : memref<!tpu.dma_semaphore, #tpu.memory_space<semaphore_mem>>) src(%arg5 : memref<125x128xf32, #tpu.memory_space<vmem>>) dst(%dma_wait3A_50 : memref<125x128xf32, #tpu.memory_space<vmem_shared>>)
      tpu.yield
    }) : () -> ()
    %add3A_16 = arith.constant 375 : i32
    %add3A_17 = arith.addi %mul3A_9, %add3A_16 : i32
    "tpu.region"() ({
      %run_scoped3A = tpu.sem_alloc : memref<!tpu.dma_semaphore, #tpu.memory_space<semaphore_mem>>
      %dma_start3A = arith.constant 0 : i32
      %dma_start3A_45 = tpu.memref_slice %arg6[%add3A_17, %dma_start3A] : memref<10000x128xf32, #tpu.memory_space<vmem_shared>> -> memref<125x128xf32, #tpu.memory_space<vmem_shared>>
      %dma_start3A_46 = arith.constant 0 : i32
      %dma_start3A_47 = tpu.memref_slice %arg6[%add3A_17, %dma_start3A_46] : memref<10000x128xf32, #tpu.memory_space<vmem_shared>> -> memref<125x128xf32, #tpu.memory_space<vmem_shared>>
      tpu.enqueue_dma source(%arg5 : memref<125x128xf32, #tpu.memory_space<vmem>>) target(%dma_start3A_47 : memref<125x128xf32, #tpu.memory_space<vmem_shared>>) target_semaphore(%run_scoped3A : memref<!tpu.dma_semaphore, #tpu.memory_space<semaphore_mem>>)
      %dma_wait3A = arith.constant 0 : i32
      %dma_wait3A_48 = tpu.memref_slice %arg6[%add3A_17, %dma_wait3A] : memref<10000x128xf32, #tpu.memory_space<vmem_shared>> -> memref<125x128xf32, #tpu.memory_space<vmem_shared>>
      %dma_wait3A_49 = arith.constant 0 : i32
      %dma_wait3A_50 = tpu.memref_slice %arg6[%add3A_17, %dma_wait3A_49] : memref<10000x128xf32, #tpu.memory_space<vmem_shared>> -> memref<125x128xf32, #tpu.memory_space<vmem_shared>>
      tpu.wait_dma2 semaphore(%run_scoped3A : memref<!tpu.dma_semaphore, #tpu.memory_space<semaphore_mem>>) src(%arg5 : memref<125x128xf32, #tpu.memory_space<vmem>>) dst(%dma_wait3A_50 : memref<125x128xf32, #tpu.memory_space<vmem_shared>>)
      tpu.yield
    }) : () -> ()
    %add3A_18 = arith.constant 500 : i32
    %add3A_19 = arith.addi %mul3A_9, %add3A_18 : i32
    "tpu.region"() ({
      %run_scoped3A = tpu.sem_alloc : memref<!tpu.dma_semaphore, #tpu.memory_space<semaphore_mem>>
      %dma_start3A = arith.constant 0 : i32
      %dma_start3A_45 = tpu.memref_slice %arg6[%add3A_19, %dma_start3A] : memref<10000x128xf32, #tpu.memory_space<vmem_shared>> -> memref<125x128xf32, #tpu.memory_space<vmem_shared>>
      %dma_start3A_46 = arith.constant 0 : i32
      %dma_start3A_47 = tpu.memref_slice %arg6[%add3A_19, %dma_start3A_46] : memref<10000x128xf32, #tpu.memory_space<vmem_shared>> -> memref<125x128xf32, #tpu.memory_space<vmem_shared>>
      tpu.enqueue_dma source(%arg5 : memref<125x128xf32, #tpu.memory_space<vmem>>) target(%dma_start3A_47 : memref<125x128xf32, #tpu.memory_space<vmem_shared>>) target_semaphore(%run_scoped3A : memref<!tpu.dma_semaphore, #tpu.memory_space<semaphore_mem>>)
      %dma_wait3A = arith.constant 0 : i32
      %dma_wait3A_48 = tpu.memref_slice %arg6[%add3A_19, %dma_wait3A] : memref<10000x128xf32, #tpu.memory_space<vmem_shared>> -> memref<125x128xf32, #tpu.memory_space<vmem_shared>>
      %dma_wait3A_49 = arith.constant 0 : i32
      %dma_wait3A_50 = tpu.memref_slice %arg6[%add3A_19, %dma_wait3A_49] : memref<10000x128xf32, #tpu.memory_space<vmem_shared>> -> memref<125x128xf32, #tpu.memory_space<vmem_shared>>
      tpu.wait_dma2 semaphore(%run_scoped3A : memref<!tpu.dma_semaphore, #tpu.memory_space<semaphore_mem>>) src(%arg5 : memref<125x128xf32, #tpu.memory_space<vmem>>) dst(%dma_wait3A_50 : memref<125x128xf32, #tpu.memory_space<vmem_shared>>)
      tpu.yield
    }) : () -> ()
    %broadcast_in_dim3A_20 = arith.constant 1.000000e+00 : f32
    %broadcast_in_dim3A_21 = vector.broadcast %broadcast_in_dim3A_20 : f32 to vector<16xf32>
    %scan3A_22 = arith.constant 0 : i32
    %scan3A_23 = arith.constant 0 : i32
    %scan3A_24 = arith.constant 125 : i32
    %scan3A_25 = arith.addi %scan3A_23, %scan3A_24 : i32
    %scan3A_26 = arith.constant 1 : i32
    %scan3A_27 = scf.for %scan3A_45 = %scan3A_23 to %scan3A_25 step %scan3A_26 iter_args(%scan3A_46 = %scan3A_22) -> (i32)  : i32 {
      %swap3A = arith.index_cast %scan3A_45 : i32 to index
      %swap3A_47 = arith.constant 0 : index
      %swap3A_48 = tpu.vector_load %arg5[%swap3A, %swap3A_47] {strides = array<i32>} : memref<125x128xf32, #tpu.memory_space<vmem>>, vector<1x16xf32>,
      %swap3A_49 = vector.shape_cast %swap3A_48 : vector<1x16xf32> to vector<16xf32>
      %swap3A_50 = vector.shape_cast %broadcast_in_dim3A_21 : vector<16xf32> to vector<1x16xf32>
      tpu.vector_store %arg5[%swap3A, %swap3A_47], %swap3A_50 {strides = array<i32>} : memref<125x128xf32, #tpu.memory_space<vmem>>, vector<1x16xf32>,
      %swap3A_51 = arith.index_cast %scan3A_45 : i32 to index
      %swap3A_52 = arith.constant 16 : index
      %swap3A_53 = tpu.vector_load %arg5[%swap3A_51, %swap3A_52] {strides = array<i32>} : memref<125x128xf32, #tpu.memory_space<vmem>>, vector<1x16xf32>,
      %swap3A_54 = vector.shape_cast %swap3A_53 : vector<1x16xf32> to vector<16xf32>
      %swap3A_55 = vector.shape_cast %broadcast_in_dim3A_21 : vector<16xf32> to vector<1x16xf32>
      tpu.vector_store %arg5[%swap3A_51, %swap3A_52], %swap3A_55 {strides = array<i32>} : memref<125x128xf32, #tpu.memory_space<vmem>>, vector<1x16xf32>,
      %swap3A_56 = arith.index_cast %scan3A_45 : i32 to index
      %swap3A_57 = arith.constant 32 : index
      %swap3A_58 = tpu.vector_load %arg5[%swap3A_56, %swap3A_57] {strides = array<i32>} : memref<125x128xf32, #tpu.memory_space<vmem>>, vector<1x16xf32>,
      %swap3A_59 = vector.shape_cast %swap3A_58 : vector<1x16xf32> to vector<16xf32>
      %swap3A_60 = vector.shape_cast %broadcast_in_dim3A_21 : vector<16xf32> to vector<1x16xf32>
      tpu.vector_store %arg5[%swap3A_56, %swap3A_57], %swap3A_60 {strides = array<i32>} : memref<125x128xf32, #tpu.memory_space<vmem>>, vector<1x16xf32>,
      %swap3A_61 = arith.index_cast %scan3A_45 : i32 to index
      %swap3A_62 = arith.constant 48 : index
      %swap3A_63 = tpu.vector_load %arg5[%swap3A_61, %swap3A_62] {strides = array<i32>} : memref<125x128xf32, #tpu.memory_space<vmem>>, vector<1x16xf32>,
      %swap3A_64 = vector.shape_cast %swap3A_63 : vector<1x16xf32> to vector<16xf32>
      %swap3A_65 = vector.shape_cast %broadcast_in_dim3A_21 : vector<16xf32> to vector<1x16xf32>
      tpu.vector_store %arg5[%swap3A_61, %swap3A_62], %swap3A_65 {strides = array<i32>} : memref<125x128xf32, #tpu.memory_space<vmem>>, vector<1x16xf32>,
      %swap3A_66 = arith.index_cast %scan3A_45 : i32 to index
      %swap3A_67 = arith.constant 64 : index
      %swap3A_68 = tpu.vector_load %arg5[%swap3A_66, %swap3A_67] {strides = array<i32>} : memref<125x128xf32, #tpu.memory_space<vmem>>, vector<1x16xf32>,
      %swap3A_69 = vector.shape_cast %swap3A_68 : vector<1x16xf32> to vector<16xf32>
      %swap3A_70 = vector.shape_cast %broadcast_in_dim3A_21 : vector<16xf32> to vector<1x16xf32>
      tpu.vector_store %arg5[%swap3A_66, %swap3A_67], %swap3A_70 {strides = array<i32>} : memref<125x128xf32, #tpu.memory_space<vmem>>, vector<1x16xf32>,
      %swap3A_71 = arith.index_cast %scan3A_45 : i32 to index
      %swap3A_72 = arith.constant 80 : index
      %swap3A_73 = tpu.vector_load %arg5[%swap3A_71, %swap3A_72] {strides = array<i32>} : memref<125x128xf32, #tpu.memory_space<vmem>>, vector<1x16xf32>,
      %swap3A_74 = vector.shape_cast %swap3A_73 : vector<1x16xf32> to vector<16xf32>
      %swap3A_75 = vector.shape_cast %broadcast_in_dim3A_21 : vector<16xf32> to vector<1x16xf32>
      tpu.vector_store %arg5[%swap3A_71, %swap3A_72], %swap3A_75 {strides = array<i32>} : memref<125x128xf32, #tpu.memory_space<vmem>>, vector<1x16xf32>,
      %swap3A_76 = arith.index_cast %scan3A_45 : i32 to index
      %swap3A_77 = arith.constant 96 : index
      %swap3A_78 = tpu.vector_load %arg5[%swap3A_76, %swap3A_77] {strides = array<i32>} : memref<125x128xf32, #tpu.memory_space<vmem>>, vector<1x16xf32>,
      %swap3A_79 = vector.shape_cast %swap3A_78 : vector<1x16xf32> to vector<16xf32>
      %swap3A_80 = vector.shape_cast %broadcast_in_dim3A_21 : vector<16xf32> to vector<1x16xf32>
      tpu.vector_store %arg5[%swap3A_76, %swap3A_77], %swap3A_80 {strides = array<i32>} : memref<125x128xf32, #tpu.memory_space<vmem>>, vector<1x16xf32>,
      %swap3A_81 = arith.index_cast %scan3A_45 : i32 to index
      %swap3A_82 = arith.constant 112 : index
      %swap3A_83 = tpu.vector_load %arg5[%swap3A_81, %swap3A_82] {strides = array<i32>} : memref<125x128xf32, #tpu.memory_space<vmem>>, vector<1x16xf32>,
      %swap3A_84 = vector.shape_cast %swap3A_83 : vector<1x16xf32> to vector<16xf32>
      %swap3A_85 = vector.shape_cast %broadcast_in_dim3A_21 : vector<16xf32> to vector<1x16xf32>
      tpu.vector_store %arg5[%swap3A_81, %swap3A_82], %swap3A_85 {strides = array<i32>} : memref<125x128xf32, #tpu.memory_space<vmem>>, vector<1x16xf32>,
      %scan3A_86 = arith.constant 0 : i32
      scf.yield %scan3A_86 : i32
    }
    %scan3A_28 = arith.constant 125 : i32
    %barrier3A = arith.constant 0 : index
    tpu.barrier barrier_id(%barrier3A)
    %scan3A_29 = arith.constant 0 : i32
    %scan3A_30 = arith.constant 0 : i32
    %scan3A_31 = arith.constant 80 : i32
    %scan3A_32 = arith.addi %scan3A_30, %scan3A_31 : i32
    %scan3A_33 = arith.constant 1 : i32
    %scan3A_34 = scf.for %scan3A_45 = %scan3A_30 to %scan3A_32 step %scan3A_33 iter_args(%scan3A_46 = %scan3A_29) -> (i32)  : i32 {
      "tpu.region"() ({
        %run_scoped3A = tpu.sem_alloc : memref<!tpu.dma_semaphore, #tpu.memory_space<semaphore_mem>>
        %dma_start3A = arith.constant 0 : i32
        %dma_start3A_48 = tpu.memref_slice %arg4[%scan3A_45, %dma_start3A] : memref<80x125xi32, #tpu.memory_space<vmem>> -> memref<1x125xi32, #tpu.memory_space<vmem>>
        %dma_start3A_49 = tpu.memref_squeeze %dma_start3A_48 : memref<1x125xi32, #tpu.memory_space<vmem>> -> memref<125xi32, #tpu.memory_space<vmem>>
        %dma_start3A_50 = arith.constant 0 : i32
        %dma_start3A_51 = arith.constant 0 : i32
        %dma_start3A_52 = tpu.memref_slice %arg6[%dma_start3A_50, %dma_start3A_51] : memref<10000x128xf32, #tpu.memory_space<vmem_shared>> -> memref<10000x128xf32, #tpu.memory_space<vmem_shared>>
        tpu.enqueue_indirect_dma source(%arg5 : memref<125x128xf32, #tpu.memory_space<vmem>>) target(%dma_start3A_52 : memref<10000x128xf32, #tpu.memory_space<vmem_shared>>) offsets(%dma_start3A_49 : memref<125xi32, #tpu.memory_space<vmem>>) semaphore(%run_scoped3A : memref<!tpu.dma_semaphore, #tpu.memory_space<semaphore_mem>>) {add = true}
        %dma_wait3A = arith.constant 0 : i32
        %dma_wait3A_53 = tpu.memref_slice %arg4[%scan3A_45, %dma_wait3A] : memref<80x125xi32, #tpu.memory_space<vmem>> -> memref<1x125xi32, #tpu.memory_space<vmem>>
        %dma_wait3A_54 = tpu.memref_squeeze %dma_wait3A_53 : memref<1x125xi32, #tpu.memory_space<vmem>> -> memref<125xi32, #tpu.memory_space<vmem>>
        %dma_wait3A_55 = arith.constant 0 : i32
        %dma_wait3A_56 = arith.constant 0 : i32
        %dma_wait3A_57 = tpu.memref_slice %arg6[%dma_wait3A_55, %dma_wait3A_56] : memref<10000x128xf32, #tpu.memory_space<vmem_shared>> -> memref<10000x128xf32, #tpu.memory_space<vmem_shared>>
        tpu.wait_indirect_dma semaphore(%run_scoped3A : memref<!tpu.dma_semaphore, #tpu.memory_space<semaphore_mem>>) src(%arg5 : memref<125x128xf32, #tpu.memory_space<vmem>>) dst(%dma_wait3A_57 : memref<10000x128xf32, #tpu.memory_space<vmem_shared>>)
        tpu.yield
      }) : () -> ()
      %scan3A_47 = arith.constant 0 : i32
      scf.yield %scan3A_47 : i32
    }
    %scan3A_35 = arith.constant 80 : i32
    %barrier3A_36 = arith.constant 0 : index
    tpu.barrier barrier_id(%barrier3A_36)
    %mul3A_37 = arith.constant 640 : i32
    %mul3A_38 = arith.muli %arg1, %mul3A_37 : i32
    %lt3A = arith.constant 15 : i32
    %lt3A_39 = arith.cmpi slt, %arg1, %lt3A : i32
    %convert_element_type3A = arith.extui %lt3A_39 : i1 to i32
    %cond3A = arith.constant 0 : i32
    %cond3A_40 = arith.cmpi ne, %convert_element_type3A, %cond3A : i32
    scf.if %cond3A_40 {
      "tpu.region"() ({
        %run_scoped3A = tpu.sem_alloc : memref<!tpu.dma_semaphore, #tpu.memory_space<semaphore_mem>>
        %dma_start3A = arith.constant 0 : i32
        %dma_start3A_45 = tpu.memref_slice %arg3[%arg0, %mul3A_38, %dma_start3A] : memref<2x10000x128xf32, #tpu.memory_space<hbm>> -> memref<1x640x128xf32, #tpu.memory_space<hbm>>
        %dma_start3A_46 = tpu.memref_squeeze %dma_start3A_45 : memref<1x640x128xf32, #tpu.memory_space<hbm>> -> memref<640x128xf32, #tpu.memory_space<hbm>>
        %dma_start3A_47 = arith.constant 0 : i32
        %dma_start3A_48 = tpu.memref_slice %arg6[%mul3A_38, %dma_start3A_47] : memref<10000x128xf32, #tpu.memory_space<vmem_shared>> -> memref<640x128xf32, #tpu.memory_space<vmem_shared>>
        tpu.enqueue_dma source(%dma_start3A_48 : memref<640x128xf32, #tpu.memory_space<vmem_shared>>) target(%dma_start3A_46 : memref<640x128xf32, #tpu.memory_space<hbm>>) target_semaphore(%run_scoped3A : memref<!tpu.dma_semaphore, #tpu.memory_space<semaphore_mem>>)
        %dma_wait3A = arith.constant 0 : i32
        %dma_wait3A_49 = tpu.memref_slice %arg3[%arg0, %mul3A_38, %dma_wait3A] : memref<2x10000x128xf32, #tpu.memory_space<hbm>> -> memref<1x640x128xf32, #tpu.memory_space<hbm>>
        %dma_wait3A_50 = tpu.memref_squeeze %dma_wait3A_49 : memref<1x640x128xf32, #tpu.memory_space<hbm>> -> memref<640x128xf32, #tpu.memory_space<hbm>>
        %dma_wait3A_51 = arith.constant 0 : i32
        %dma_wait3A_52 = tpu.memref_slice %arg6[%mul3A_38, %dma_wait3A_51] : memref<10000x128xf32, #tpu.memory_space<vmem_shared>> -> memref<640x128xf32, #tpu.memory_space<vmem_shared>>
        tpu.wait_dma2 semaphore(%run_scoped3A : memref<!tpu.dma_semaphore, #tpu.memory_space<semaphore_mem>>) src(%dma_wait3A_52 : memref<640x128xf32, #tpu.memory_space<vmem_shared>>) dst(%dma_wait3A_50 : memref<640x128xf32, #tpu.memory_space<hbm>>)
        tpu.yield
      }) : () -> ()
    } else {
    }
    %eq3A = arith.constant 15 : i32
    %eq3A_41 = arith.cmpi eq, %arg1, %eq3A : i32
    %convert_element_type3A_42 = arith.extui %eq3A_41 : i1 to i32
    %cond3A_43 = arith.constant 0 : i32
    %cond3A_44 = arith.cmpi ne, %convert_element_type3A_42, %cond3A_43 : i32
    scf.if %cond3A_44 {
      "tpu.region"() ({
        %run_scoped3A = tpu.sem_alloc : memref<!tpu.dma_semaphore, #tpu.memory_space<semaphore_mem>>
        %dma_start3A = arith.constant 9600 : i32
        %dma_start3A_45 = arith.constant 0 : i32
        %dma_start3A_46 = tpu.memref_slice %arg3[%arg0, %dma_start3A, %dma_start3A_45] : memref<2x10000x128xf32, #tpu.memory_space<hbm>> -> memref<1x400x128xf32, #tpu.memory_space<hbm>>
        %dma_start3A_47 = tpu.memref_squeeze %dma_start3A_46 : memref<1x400x128xf32, #tpu.memory_space<hbm>> -> memref<400x128xf32, #tpu.memory_space<hbm>>
        %dma_start3A_48 = arith.constant 9600 : i32
        %dma_start3A_49 = arith.constant 0 : i32
        %dma_start3A_50 = tpu.memref_slice %arg6[%dma_start3A_48, %dma_start3A_49] : memref<10000x128xf32, #tpu.memory_space<vmem_shared>> -> memref<400x128xf32, #tpu.memory_space<vmem_shared>>
        tpu.enqueue_dma source(%dma_start3A_50 : memref<400x128xf32, #tpu.memory_space<vmem_shared>>) target(%dma_start3A_47 : memref<400x128xf32, #tpu.memory_space<hbm>>) target_semaphore(%run_scoped3A : memref<!tpu.dma_semaphore, #tpu.memory_space<semaphore_mem>>)
        %dma_wait3A = arith.constant 9600 : i32
        %dma_wait3A_51 = arith.constant 0 : i32
        %dma_wait3A_52 = tpu.memref_slice %arg3[%arg0, %dma_wait3A, %dma_wait3A_51] : memref<2x10000x128xf32, #tpu.memory_space<hbm>> -> memref<1x400x128xf32, #tpu.memory_space<hbm>>
        %dma_wait3A_53 = tpu.memref_squeeze %dma_wait3A_52 : memref<1x400x128xf32, #tpu.memory_space<hbm>> -> memref<400x128xf32, #tpu.memory_space<hbm>>
        %dma_wait3A_54 = arith.constant 9600 : i32
        %dma_wait3A_55 = arith.constant 0 : i32
        %dma_wait3A_56 = tpu.memref_slice %arg6[%dma_wait3A_54, %dma_wait3A_55] : memref<10000x128xf32, #tpu.memory_space<vmem_shared>> -> memref<400x128xf32, #tpu.memory_space<vmem_shared>>
        tpu.wait_dma2 semaphore(%run_scoped3A : memref<!tpu.dma_semaphore, #tpu.memory_space<semaphore_mem>>) src(%dma_wait3A_56 : memref<400x128xf32, #tpu.memory_space<vmem_shared>>) dst(%dma_wait3A_53 : memref<400x128xf32, #tpu.memory_space<hbm>>)
        tpu.yield
      }) : () -> ()
    } else {
    }
    return
  }
}

module attributes {stable_mosaic.version = 14 : i64} {
  func.func @_pre_body(%arg0: memref<10000x128xf32, #tpu.memory_space<vmem>>, %arg1: memref<128x128xf32, #tpu.memory_space<vmem>>, %arg2: memref<10000x128xf32, #tpu.memory_space<vmem>>) attributes {dimension_semantics = [], scalar_prefetch = 0 : i64, scratch_operands = 0 : i64, tpu.core_type = #tpu.core_type<tc>} {
    %get3A = arith.constant 0 : index
    %get3A_0 = arith.constant 0 : index
    %get3A_1 = vector.load %arg0[%get3A, %get3A_0] : memref<10000x128xf32, #tpu.memory_space<vmem>>, vector<10000x128xf32>
    %get3A_2 = arith.constant 0 : index
    %get3A_3 = arith.constant 0 : index
    %get3A_4 = vector.load %arg1[%get3A_2, %get3A_3] : memref<128x128xf32, #tpu.memory_space<vmem>>, vector<128x128xf32>
    %transpose3A = tpu.transpose %get3A_4, [1, 0] : vector<128x128xf32> -> vector<128x128xf32>
    %dot_general3A = arith.constant dense<0.000000e+00> : vector<10000x128xf32>
    %dot_general3A_5 = tpu.matmul %get3A_1, %transpose3A, %dot_general3A {dimension_numbers = #tpu.dot_dimension_numbers<[1], [0], [0], [1], [0, 0, 1, 1], [], []>, precision = #tpu.contract_precision<fp32>, transpose_lhs_hint = false} : vector<10000x128xf32>, vector<128x128xf32>, vector<10000x128xf32> -> vector<10000x128xf32>
    %swap3A = arith.constant 0 : index
    %swap3A_6 = arith.constant 0 : index
    %swap3A_7 = vector.load %arg2[%swap3A, %swap3A_6] : memref<10000x128xf32, #tpu.memory_space<vmem>>, vector<10000x128xf32>
    tpu.vector_store %arg2[%swap3A, %swap3A_6], %dot_general3A_5 {strides = array<i32>} : memref<10000x128xf32, #tpu.memory_space<vmem>>, vector<10000x128xf32>,
    return
  }
}

module attributes {stable_mosaic.version = 14 : i64} {
  func.func @_mid_body(%arg0: i32, %arg1: memref<2x2000x128xf32, #tpu.memory_space<vmem>>, %arg2: memref<2x2000x8xf32, #tpu.memory_space<vmem>>, %arg3: memref<2000x128xf32, #tpu.memory_space<vmem>>, %arg4: memref<128x128xf32, #tpu.memory_space<vmem>>, %arg5: memref<1x128xf32, #tpu.memory_space<vmem>>, %arg6: memref<128x128xf32, #tpu.memory_space<vmem>>, %arg7: memref<2000x128xf32, #tpu.memory_space<vmem>>, %arg8: memref<2000x128xf32, #tpu.memory_space<vmem>>) attributes {dimension_semantics = [#tpu.dimension_semantics<arbitrary>], iteration_bounds = array<i64: 5>, scalar_prefetch = 0 : i64, scratch_operands = 0 : i64, tpu.core_type = #tpu.core_type<tc>, window_params = [{transform_indices = @transform_0, window_bounds = array<i64: 2, 2000, 128>}, {transform_indices = @transform_1, window_bounds = array<i64: 2, 2000, 8>}, {transform_indices = @transform_2, window_bounds = array<i64: 2000, 128>}, {pipeline_mode = #tpu.pipeline_mode<synchronous>, transform_indices = @transform_3, window_bounds = array<i64: 128, 128>}, {pipeline_mode = #tpu.pipeline_mode<synchronous>, transform_indices = @transform_4, window_bounds = array<i64: 1, 128>}, {pipeline_mode = #tpu.pipeline_mode<synchronous>, transform_indices = @transform_5, window_bounds = array<i64: 128, 128>}, {transform_indices = @transform_6, window_bounds = array<i64: 2000, 128>}, {transform_indices = @transform_7, window_bounds = array<i64: 2000, 128>}]} {
    %get3A = arith.constant 0 : index
    %get3A_0 = arith.constant 0 : index
    %get3A_1 = arith.constant 0 : index
    %get3A_2 = vector.load %arg2[%get3A, %get3A_0, %get3A_1] : memref<2x2000x8xf32, #tpu.memory_space<vmem>>, vector<1x2000x1xf32>
    %get3A_3 = vector.shape_cast %get3A_2 : vector<1x2000x1xf32> to vector<2000x1xf32>
    %get3A_4 = arith.constant 1 : index
    %get3A_5 = arith.constant 0 : index
    %get3A_6 = arith.constant 0 : index
    %get3A_7 = vector.load %arg2[%get3A_4, %get3A_5, %get3A_6] : memref<2x2000x8xf32, #tpu.memory_space<vmem>>, vector<1x2000x1xf32>
    %get3A_8 = vector.shape_cast %get3A_7 : vector<1x2000x1xf32> to vector<2000x1xf32>
    %add3A = arith.addf %get3A_3, %get3A_8 : vector<2000x1xf32>
    %max3A = arith.constant 1.000000e+00 : f32
    %max3A_9 = vector.broadcast %max3A : f32 to vector<2000x1xf32>
    %max3A_10 = arith.maximumf %add3A, %max3A_9 : vector<2000x1xf32>
    %div3A = arith.constant 1.000000e+00 : f32
    %div3A_11 = vector.broadcast %div3A : f32 to vector<2000x1xf32>
    %div3A_12 = arith.divf %div3A_11, %max3A_10 : vector<2000x1xf32>
    %get3A_13 = arith.constant 0 : index
    %get3A_14 = arith.constant 0 : index
    %get3A_15 = arith.constant 0 : index
    %get3A_16 = vector.load %arg1[%get3A_13, %get3A_14, %get3A_15] : memref<2x2000x128xf32, #tpu.memory_space<vmem>>, vector<1x2000x128xf32>
    %get3A_17 = vector.shape_cast %get3A_16 : vector<1x2000x128xf32> to vector<2000x128xf32>
    %get3A_18 = arith.constant 1 : index
    %get3A_19 = arith.constant 0 : index
    %get3A_20 = arith.constant 0 : index
    %get3A_21 = vector.load %arg1[%get3A_18, %get3A_19, %get3A_20] : memref<2x2000x128xf32, #tpu.memory_space<vmem>>, vector<1x2000x128xf32>
    %get3A_22 = vector.shape_cast %get3A_21 : vector<1x2000x128xf32> to vector<2000x128xf32>
    %add3A_23 = arith.addf %get3A_17, %get3A_22 : vector<2000x128xf32>
    %mul3A = vector.broadcast %div3A_12 : vector<2000x1xf32> to vector<2000x128xf32>
    %mul3A_24 = arith.mulf %add3A_23, %mul3A : vector<2000x128xf32>
    %get3A_25 = arith.constant 0 : index
    %get3A_26 = arith.constant 0 : index
    %get3A_27 = vector.load %arg3[%get3A_25, %get3A_26] : memref<2000x128xf32, #tpu.memory_space<vmem>>, vector<2000x128xf32>
    %get3A_28 = arith.constant 0 : index
    %get3A_29 = arith.constant 0 : index
    %get3A_30 = vector.load %arg4[%get3A_28, %get3A_29] : memref<128x128xf32, #tpu.memory_space<vmem>>, vector<128x128xf32>
    %transpose3A = tpu.transpose %get3A_30, [1, 0] : vector<128x128xf32> -> vector<128x128xf32>
    %dot_general3A = arith.constant dense<0.000000e+00> : vector<2000x128xf32>
    %dot_general3A_31 = tpu.matmul %get3A_27, %transpose3A, %dot_general3A {dimension_numbers = #tpu.dot_dimension_numbers<[1], [0], [0], [1], [0, 0, 1, 1], [], []>, precision = #tpu.contract_precision<fp32>, transpose_lhs_hint = false} : vector<2000x128xf32>, vector<128x128xf32>, vector<2000x128xf32> -> vector<2000x128xf32>
    %get3A_32 = arith.constant 0 : index
    %get3A_33 = arith.constant 0 : index
    %get3A_34 = vector.load %arg5[%get3A_32, %get3A_33] : memref<1x128xf32, #tpu.memory_space<vmem>>, vector<1x128xf32>
    %add3A_35 = vector.broadcast %get3A_34 : vector<1x128xf32> to vector<2000x128xf32>
    %add3A_36 = arith.addf %mul3A_24, %add3A_35 : vector<2000x128xf32>
    %add3A_37 = arith.addf %add3A_36, %dot_general3A_31 : vector<2000x128xf32>
    %gt3A = arith.constant 0.000000e+00 : f32
    %gt3A_38 = vector.broadcast %gt3A : f32 to vector<2000x128xf32>
    %gt3A_39 = arith.cmpf ogt, %add3A_37, %gt3A_38 : vector<2000x128xf32>
    %min3A = arith.constant 0.000000e+00 : f32
    %min3A_40 = vector.broadcast %min3A : f32 to vector<2000x128xf32>
    %min3A_41 = arith.minimumf %add3A_37, %min3A_40 : vector<2000x128xf32>
    %exp3A = math.exp %min3A_41 : vector<2000x128xf32>
    %sub3A = arith.constant 1.000000e+00 : f32
    %sub3A_42 = vector.broadcast %sub3A : f32 to vector<2000x128xf32>
    %sub3A_43 = arith.subf %exp3A, %sub3A_42 : vector<2000x128xf32>
    %select_n3A = arith.select %gt3A_39, %add3A_37, %sub3A_43 : vector<2000x128xi1>, vector<2000x128xf32>
    %swap3A = arith.constant 0 : index
    %swap3A_44 = arith.constant 0 : index
    %swap3A_45 = vector.load %arg7[%swap3A, %swap3A_44] : memref<2000x128xf32, #tpu.memory_space<vmem>>, vector<2000x128xf32>
    tpu.vector_store %arg7[%swap3A, %swap3A_44], %select_n3A {strides = array<i32>} : memref<2000x128xf32, #tpu.memory_space<vmem>>, vector<2000x128xf32>,
    %get3A_46 = arith.constant 0 : index
    %get3A_47 = arith.constant 0 : index
    %get3A_48 = vector.load %arg6[%get3A_46, %get3A_47] : memref<128x128xf32, #tpu.memory_space<vmem>>, vector<128x128xf32>
    %transpose3A_49 = tpu.transpose %get3A_48, [1, 0] : vector<128x128xf32> -> vector<128x128xf32>
    %dot_general3A_50 = arith.constant dense<0.000000e+00> : vector<2000x128xf32>
    %dot_general3A_51 = tpu.matmul %select_n3A, %transpose3A_49, %dot_general3A_50 {dimension_numbers = #tpu.dot_dimension_numbers<[1], [0], [0], [1], [0, 0, 1, 1], [], []>, precision = #tpu.contract_precision<fp32>, transpose_lhs_hint = false} : vector<2000x128xf32>, vector<128x128xf32>, vector<2000x128xf32> -> vector<2000x128xf32>
    %swap3A_52 = arith.constant 0 : index
    %swap3A_53 = arith.constant 0 : index
    %swap3A_54 = vector.load %arg8[%swap3A_52, %swap3A_53] : memref<2000x128xf32, #tpu.memory_space<vmem>>, vector<2000x128xf32>
    tpu.vector_store %arg8[%swap3A_52, %swap3A_53], %dot_general3A_51 {strides = array<i32>} : memref<2000x128xf32, #tpu.memory_space<vmem>>, vector<2000x128xf32>,
    return
  }
  func.func @transform_0(%arg0: i32) -> (i32, i32, i32) {
    %c0_i32 = arith.constant 0 : i32
    %c0_i32_0 = arith.constant 0 : i32
    %c0_i32_1 = arith.constant 0 : i32
    return %c0_i32, %arg0, %c0_i32_0 : i32, i32, i32
  }
  func.func @transform_1(%arg0: i32) -> (i32, i32, i32) {
    %c0_i32 = arith.constant 0 : i32
    %c0_i32_0 = arith.constant 0 : i32
    %c0_i32_1 = arith.constant 0 : i32
    return %c0_i32, %arg0, %c0_i32_0 : i32, i32, i32
  }
  func.func @transform_2(%arg0: i32) -> (i32, i32) {
    %c0_i32 = arith.constant 0 : i32
    %c0_i32_0 = arith.constant 0 : i32
    return %arg0, %c0_i32 : i32, i32
  }
  func.func @transform_3(%arg0: i32) -> (i32, i32) {
    %c0_i32 = arith.constant 0 : i32
    %c0_i32_0 = arith.constant 0 : i32
    %c0_i32_1 = arith.constant 0 : i32
    return %c0_i32, %c0_i32_0 : i32, i32
  }
  func.func @transform_4(%arg0: i32) -> (i32, i32) {
    %c0_i32 = arith.constant 0 : i32
    %c0_i32_0 = arith.constant 0 : i32
    %c0_i32_1 = arith.constant 0 : i32
    return %c0_i32, %c0_i32_0 : i32, i32
  }
  func.func @transform_5(%arg0: i32) -> (i32, i32) {
    %c0_i32 = arith.constant 0 : i32
    %c0_i32_0 = arith.constant 0 : i32
    %c0_i32_1 = arith.constant 0 : i32
    return %c0_i32, %c0_i32_0 : i32, i32
  }
  func.func @transform_6(%arg0: i32) -> (i32, i32) {
    %c0_i32 = arith.constant 0 : i32
    %c0_i32_0 = arith.constant 0 : i32
    return %arg0, %c0_i32 : i32, i32
  }
  func.func @transform_7(%arg0: i32) -> (i32, i32) {
    %c0_i32 = arith.constant 0 : i32
    %c0_i32_0 = arith.constant 0 : i32
    return %arg0, %c0_i32 : i32, i32
  }
}

module attributes {stable_mosaic.version = 14 : i64} {
  func.func @_fin_body(%arg0: i32, %arg1: memref<2x2000x128xf32, #tpu.memory_space<vmem>>, %arg2: memref<2x2000x8xf32, #tpu.memory_space<vmem>>, %arg3: memref<2000x128xf32, #tpu.memory_space<vmem>>, %arg4: memref<128x128xf32, #tpu.memory_space<vmem>>, %arg5: memref<1x128xf32, #tpu.memory_space<vmem>>, %arg6: memref<64x128xf32, #tpu.memory_space<vmem>>, %arg7: memref<1x64xf32, #tpu.memory_space<vmem>>, %arg8: memref<2000x64xf32, #tpu.memory_space<vmem>>) attributes {dimension_semantics = [#tpu.dimension_semantics<arbitrary>], iteration_bounds = array<i64: 5>, scalar_prefetch = 0 : i64, scratch_operands = 0 : i64, tpu.core_type = #tpu.core_type<tc>, window_params = [{transform_indices = @transform_0, window_bounds = array<i64: 2, 2000, 128>}, {transform_indices = @transform_1, window_bounds = array<i64: 2, 2000, 8>}, {transform_indices = @transform_2, window_bounds = array<i64: 2000, 128>}, {pipeline_mode = #tpu.pipeline_mode<synchronous>, transform_indices = @transform_3, window_bounds = array<i64: 128, 128>}, {pipeline_mode = #tpu.pipeline_mode<synchronous>, transform_indices = @transform_4, window_bounds = array<i64: 1, 128>}, {pipeline_mode = #tpu.pipeline_mode<synchronous>, transform_indices = @transform_5, window_bounds = array<i64: 64, 128>}, {pipeline_mode = #tpu.pipeline_mode<synchronous>, transform_indices = @transform_6, window_bounds = array<i64: 1, 64>}, {transform_indices = @transform_7, window_bounds = array<i64: 2000, 64>}]} {
    %get3A = arith.constant 0 : index
    %get3A_0 = arith.constant 0 : index
    %get3A_1 = arith.constant 0 : index
    %get3A_2 = vector.load %arg2[%get3A, %get3A_0, %get3A_1] : memref<2x2000x8xf32, #tpu.memory_space<vmem>>, vector<1x2000x1xf32>
    %get3A_3 = vector.shape_cast %get3A_2 : vector<1x2000x1xf32> to vector<2000x1xf32>
    %get3A_4 = arith.constant 1 : index
    %get3A_5 = arith.constant 0 : index
    %get3A_6 = arith.constant 0 : index
    %get3A_7 = vector.load %arg2[%get3A_4, %get3A_5, %get3A_6] : memref<2x2000x8xf32, #tpu.memory_space<vmem>>, vector<1x2000x1xf32>
    %get3A_8 = vector.shape_cast %get3A_7 : vector<1x2000x1xf32> to vector<2000x1xf32>
    %add3A = arith.addf %get3A_3, %get3A_8 : vector<2000x1xf32>
    %max3A = arith.constant 1.000000e+00 : f32
    %max3A_9 = vector.broadcast %max3A : f32 to vector<2000x1xf32>
    %max3A_10 = arith.maximumf %add3A, %max3A_9 : vector<2000x1xf32>
    %div3A = arith.constant 1.000000e+00 : f32
    %div3A_11 = vector.broadcast %div3A : f32 to vector<2000x1xf32>
    %div3A_12 = arith.divf %div3A_11, %max3A_10 : vector<2000x1xf32>
    %get3A_13 = arith.constant 0 : index
    %get3A_14 = arith.constant 0 : index
    %get3A_15 = arith.constant 0 : index
    %get3A_16 = vector.load %arg1[%get3A_13, %get3A_14, %get3A_15] : memref<2x2000x128xf32, #tpu.memory_space<vmem>>, vector<1x2000x128xf32>
    %get3A_17 = vector.shape_cast %get3A_16 : vector<1x2000x128xf32> to vector<2000x128xf32>
    %get3A_18 = arith.constant 1 : index
    %get3A_19 = arith.constant 0 : index
    %get3A_20 = arith.constant 0 : index
    %get3A_21 = vector.load %arg1[%get3A_18, %get3A_19, %get3A_20] : memref<2x2000x128xf32, #tpu.memory_space<vmem>>, vector<1x2000x128xf32>
    %get3A_22 = vector.shape_cast %get3A_21 : vector<1x2000x128xf32> to vector<2000x128xf32>
    %add3A_23 = arith.addf %get3A_17, %get3A_22 : vector<2000x128xf32>
    %mul3A = vector.broadcast %div3A_12 : vector<2000x1xf32> to vector<2000x128xf32>
    %mul3A_24 = arith.mulf %add3A_23, %mul3A : vector<2000x128xf32>
    %get3A_25 = arith.constant 0 : index
    %get3A_26 = arith.constant 0 : index
    %get3A_27 = vector.load %arg3[%get3A_25, %get3A_26] : memref<2000x128xf32, #tpu.memory_space<vmem>>, vector<2000x128xf32>
    %get3A_28 = arith.constant 0 : index
    %get3A_29 = arith.constant 0 : index
    %get3A_30 = vector.load %arg4[%get3A_28, %get3A_29] : memref<128x128xf32, #tpu.memory_space<vmem>>, vector<128x128xf32>
    %transpose3A = tpu.transpose %get3A_30, [1, 0] : vector<128x128xf32> -> vector<128x128xf32>
    %dot_general3A = arith.constant dense<0.000000e+00> : vector<2000x128xf32>
    %dot_general3A_31 = tpu.matmul %get3A_27, %transpose3A, %dot_general3A {dimension_numbers = #tpu.dot_dimension_numbers<[1], [0], [0], [1], [0, 0, 1, 1], [], []>, precision = #tpu.contract_precision<fp32>, transpose_lhs_hint = false} : vector<2000x128xf32>, vector<128x128xf32>, vector<2000x128xf32> -> vector<2000x128xf32>
    %get3A_32 = arith.constant 0 : index
    %get3A_33 = arith.constant 0 : index
    %get3A_34 = vector.load %arg5[%get3A_32, %get3A_33] : memref<1x128xf32, #tpu.memory_space<vmem>>, vector<1x128xf32>
    %add3A_35 = vector.broadcast %get3A_34 : vector<1x128xf32> to vector<2000x128xf32>
    %add3A_36 = arith.addf %mul3A_24, %add3A_35 : vector<2000x128xf32>
    %add3A_37 = arith.addf %add3A_36, %dot_general3A_31 : vector<2000x128xf32>
    %gt3A = arith.constant 0.000000e+00 : f32
    %gt3A_38 = vector.broadcast %gt3A : f32 to vector<2000x128xf32>
    %gt3A_39 = arith.cmpf ogt, %add3A_37, %gt3A_38 : vector<2000x128xf32>
    %min3A = arith.constant 0.000000e+00 : f32
    %min3A_40 = vector.broadcast %min3A : f32 to vector<2000x128xf32>
    %min3A_41 = arith.minimumf %add3A_37, %min3A_40 : vector<2000x128xf32>
    %exp3A = math.exp %min3A_41 : vector<2000x128xf32>
    %sub3A = arith.constant 1.000000e+00 : f32
    %sub3A_42 = vector.broadcast %sub3A : f32 to vector<2000x128xf32>
    %sub3A_43 = arith.subf %exp3A, %sub3A_42 : vector<2000x128xf32>
    %select_n3A = arith.select %gt3A_39, %add3A_37, %sub3A_43 : vector<2000x128xi1>, vector<2000x128xf32>
    %get3A_44 = arith.constant 0 : index
    %get3A_45 = arith.constant 0 : index
    %get3A_46 = vector.load %arg6[%get3A_44, %get3A_45] : memref<64x128xf32, #tpu.memory_space<vmem>>, vector<64x128xf32>
    %transpose3A_47 = tpu.transpose %get3A_46, [1, 0] : vector<64x128xf32> -> vector<128x64xf32>
    %dot_general3A_48 = arith.constant dense<0.000000e+00> : vector<2000x64xf32>
    %dot_general3A_49 = tpu.matmul %select_n3A, %transpose3A_47, %dot_general3A_48 {dimension_numbers = #tpu.dot_dimension_numbers<[1], [0], [0], [1], [0, 0, 1, 1], [], []>, precision = #tpu.contract_precision<fp32>, transpose_lhs_hint = false} : vector<2000x128xf32>, vector<128x64xf32>, vector<2000x64xf32> -> vector<2000x64xf32>
    %get3A_50 = arith.constant 0 : index
    %get3A_51 = arith.constant 0 : index
    %get3A_52 = vector.load %arg7[%get3A_50, %get3A_51] : memref<1x64xf32, #tpu.memory_space<vmem>>, vector<1x64xf32>
    %add3A_53 = vector.broadcast %get3A_52 : vector<1x64xf32> to vector<2000x64xf32>
    %add3A_54 = arith.addf %dot_general3A_49, %add3A_53 : vector<2000x64xf32>
    %logistic3A = arith.negf %add3A_54 : vector<2000x64xf32>
    %logistic3A_55 = math.exp %logistic3A : vector<2000x64xf32>
    %logistic3A_56 = arith.constant 1.000000e+00 : f32
    %logistic3A_57 = vector.broadcast %logistic3A_56 : f32 to vector<2000x64xf32>
    %logistic3A_58 = arith.addf %logistic3A_57, %logistic3A_55 : vector<2000x64xf32>
    %logistic3A_59 = arith.divf %logistic3A_57, %logistic3A_58 : vector<2000x64xf32>
    %swap3A = arith.constant 0 : index
    %swap3A_60 = arith.constant 0 : index
    %swap3A_61 = vector.load %arg8[%swap3A, %swap3A_60] : memref<2000x64xf32, #tpu.memory_space<vmem>>, vector<2000x64xf32>
    tpu.vector_store %arg8[%swap3A, %swap3A_60], %logistic3A_59 {strides = array<i32>} : memref<2000x64xf32, #tpu.memory_space<vmem>>, vector<2000x64xf32>,
    return
  }
  func.func @transform_0(%arg0: i32) -> (i32, i32, i32) {
    %c0_i32 = arith.constant 0 : i32
    %c0_i32_0 = arith.constant 0 : i32
    %c0_i32_1 = arith.constant 0 : i32
    return %c0_i32, %arg0, %c0_i32_0 : i32, i32, i32
  }
  func.func @transform_1(%arg0: i32) -> (i32, i32, i32) {
    %c0_i32 = arith.constant 0 : i32
    %c0_i32_0 = arith.constant 0 : i32
    %c0_i32_1 = arith.constant 0 : i32
    return %c0_i32, %arg0, %c0_i32_0 : i32, i32, i32
  }
  func.func @transform_2(%arg0: i32) -> (i32, i32) {
    %c0_i32 = arith.constant 0 : i32
    %c0_i32_0 = arith.constant 0 : i32
    return %arg0, %c0_i32 : i32, i32
  }
  func.func @transform_3(%arg0: i32) -> (i32, i32) {
    %c0_i32 = arith.constant 0 : i32
    %c0_i32_0 = arith.constant 0 : i32
    %c0_i32_1 = arith.constant 0 : i32
    return %c0_i32, %c0_i32_0 : i32, i32
  }
  func.func @transform_4(%arg0: i32) -> (i32, i32) {
    %c0_i32 = arith.constant 0 : i32
    %c0_i32_0 = arith.constant 0 : i32
    %c0_i32_1 = arith.constant 0 : i32
    return %c0_i32, %c0_i32_0 : i32, i32
  }
  func.func @transform_5(%arg0: i32) -> (i32, i32) {
    %c0_i32 = arith.constant 0 : i32
    %c0_i32_0 = arith.constant 0 : i32
    %c0_i32_1 = arith.constant 0 : i32
    return %c0_i32, %c0_i32_0 : i32, i32
  }
  func.func @transform_6(%arg0: i32) -> (i32, i32) {
    %c0_i32 = arith.constant 0 : i32
    %c0_i32_0 = arith.constant 0 : i32
    %c0_i32_1 = arith.constant 0 : i32
    return %c0_i32, %c0_i32_0 : i32, i32
  }
  func.func @transform_7(%arg0: i32) -> (i32, i32) {
    %c0_i32 = arith.constant 0 : i32
    %c0_i32_0 = arith.constant 0 : i32
    return %arg0, %c0_i32 : i32, i32
  }
}

</mosaic_0001>

<sc_bundles>
// kernel: sc_deg.3.cloned.1.call-start
scs
__scs_entry_jumppad:
0x0: {  	(pc) =	sbr.rel $0x88, $3  }
0x1: {  	(tag) =	ssettag $0x0;
	lr =	simm.s32 $0x1  }
0x2: {  	[smem:$0x3F97] =	sst lr;
	_ =	strace $0xD0000000  }
0x3: {  	_ = 	snop  }
0x4: {  	_ = 	snop  }
0x5: {  	_ = 	snop  }
0x6: {  	_ = 	snop  }
0x7: {  	_ = 	snop  }
__scs_overlays_trampoline_lowered:
0x8: {  	[smem:$0x3FA6] =	sst s0  }
0x9: {  	[smem:$0x3FA7] =	sst s1  }
0xa: {  	[smem:$0x3FA8] =	sst s2  }
0xb: {  	[smem:$0x3FA9] =	sst s3  }
0xc: {  	[smem:$0x3FAA] =	sst s4  }
0xd: {  	[smem:$0x3FAB] =	sst s5  }
0xe: {  	[smem:$0x3FAC] =	sst s6  }
0xf: {  	[smem:$0x3FAD] =	sst s7  }
0x10: {  	[smem:$0x3FAE] =	sst s8  }
0x11: {  	[smem:$0x3FAF] =	sst s9;
	s0 =	simm.s32 @!p0 $0x0  }
0x12: {  	s1 =	sld [smem:$0x3F95];
	s0 =	simm.s32 @p0 $0x1  }
0x13: {  	[smem:$0x3FB0] =	sst s0;
	s0 =	simm.s32 @!p1 $0x0  }
0x14: {  	s2 =	sld [smem:$0x3F94];
	s0 =	simm.s32 @p1 $0x1  }
0x15: {  	[smem:$0x3FB1] =	sst s0;
	s0 =	simm.s32 @!p2 $0x0  }
0x16: {  	s3 =	sld [smem:$0x3FDB];
	s0 =	simm.s32 @p2 $0x1  }
0x17: {  	s4 =	simm.s32 $0x1BF5;
	[smem:$0x3FB3] =	sst s0  }
0x18: {  	s0 =	sld [smem:$0x3F96];
	_ =	swait.ge [sflag:s4], $0x0  }
0x19: {  	s7 =	sld [smem:$0x3F97]  }
0x1a: {  	s8 =	sadd.s32 $0xFFFFE003, lr  }
0x1b: {  	s9 =	sadd.s32 $0xFFFFFEF7, lr;
	s5 =	simm.s32 $0xFFFFFFFF;
	p2 =	slt.u32 s8, $0xFFFFF086  }
0x1c: {  	p1 =	slt.u32 s9, $0xF7A;
	s5 =	simm.s32 @!p2 $0x0  }
0x1d: {  	s5 =	simm.s32 @p1 $0x1;
	p0 =	seq.s32 s7, s2  }
0x1e: {  	s7 =	smul.u32 @!p0 $0xF7A, s2;
	p2 =	seq.s32 @!p0 s5, $0x0  }
0x1f: {  	s9 =	smul.u32 $0xF7A, s1;
	s8 =	simm.s32 @!p0 $0x1BF5;
	p2 =	por !p2, p0  }
0x20: {  	[sflag:s8] =	ssyncset.s32 @!p0 $0xFFFFF086;
	s6 =	sadd.s32 @!p0 s3, s7;
	s7 =	simm.s32 @!p0 $0x108  }
0x21: {  	s3 =	sadd.s32 s3, s9;
	s6 =	sadd.s32 @!p0 $0x88, s6;
	s7 =	simm.s32 @p2 $0x1082  }
0x22: {  	[simem:s7], [sflag:s8] =	dma.local @!p0 [hbm:s6], $0xF7A  }
0x23: {  	s9 =	sor.u32 $0xD0000000, s2;
	s6 =	simm.s32 $0x108;
	_ =	swait.ge @!p0 [sflag:s8], $0x0  }
0x24: {  	s3 =	sadd.s32 $0x88, s3;
	s6 =	simm.s32 @!p1 $0x1082;
	[sflag:s4] =	ssyncset.s32 $0xFFFFF086  }
0x25: {  	[simem:s6], [sflag:s4] =	dma.local [hbm:s3], $0xF7A  }
0x26: {  	[smem:$0x3F97] =	sst s1;
	(tag) =	ssettag s2;
	_ =	strace s9  }
0x27: {  	s1 =	sld [smem:$0x3FA7]  }
0x28: {  	s2 =	sld [smem:$0x3FA8]  }
0x29: {  	s4 =	sld [smem:$0x3FAA]  }
0x2a: {  	p0 =	seq.s32 s5, $0x0;
	s5 =	sld [smem:$0x3FAB]  }
0x2b: {  	s6 =	sld [smem:$0x3FAC]  }
0x2c: {  	s7 =	sld [smem:$0x3FAD]  }
0x2d: {  	s3 =	simm.s32 $0x108;
	s8 =	sld [smem:$0x3FAE]  }
0x2e: {  	s3 =	simm.s32 @!p0 $0x1082;
	s9 =	sld [smem:$0x3FAF]  }
0x2f: {  	lr =	sadd.s32 s0, s3;
	s0 =	sld [smem:$0x3FA6]  }
0x30: {  	s3 =	sld [smem:$0x3FA9]  }
0x31: {  	[smem:$0x3FB2] =	sst s10  }
0x32: {  	s10 =	sld [smem:$0x3FB0];
	_ =	sdelay $0x3  }
0x33: {  	p0 =	seq.s32 s10, $0x1;
	s10 =	sld [smem:$0x3FB2];
	_ =	sdelay $0x3  }
0x34: {  	[smem:$0x3FB2] =	sst s10  }
0x35: {  	s10 =	sld [smem:$0x3FB1];
	_ =	sdelay $0x3  }
0x36: {  	p1 =	seq.s32 s10, $0x1;
	s10 =	sld [smem:$0x3FB2];
	_ =	sdelay $0x3  }
0x37: {  	[smem:$0x3FB2] =	sst s10  }
0x38: {  	s10 =	sld [smem:$0x3FB3]  }
0x39: {  	_ = 	snop;
	(pc) =	sbr.ind lr, $3  }
0x3a: {  	_ = 	snop  }
0x3b: {  	_ = 	snop  }
0x3c: {  	p2 =	seq.s32 s10, $0x1;
	s10 =	sld [smem:$0x3FB2]  }
0x3d: {  	_ =	shalt  }
0x3e: {  	_ =	shalt  }
0x3f: {  	_ =	shalt  }
0x40: {  	_ =	shalt  }
0x41: {  	_ =	shalt  }
0x42: {  	_ =	shalt  }
0x43: {  	_ =	shalt  }
0x44: {  	_ =	shalt  }
0x45: {  	_ =	shalt  }
0x46: {  	_ =	shalt  }
0x47: {  	_ =	shalt  }
0x48: {  	_ =	shalt  }
0x49: {  	_ =	shalt  }
0x4a: {  	_ =	shalt  }
0x4b: {  	_ =	shalt  }
0x4c: {  	_ =	shalt  }
0x4d: {  	_ =	shalt  }
0x4e: {  	_ =	shalt  }
0x4f: {  	_ =	shalt  }
0x50: {  	_ =	shalt  }
0x51: {  	_ =	shalt  }
0x52: {  	_ =	shalt  }
0x53: {  	_ =	shalt  }
0x54: {  	_ =	shalt  }
0x55: {  	_ =	shalt  }
0x56: {  	_ =	shalt  }
0x57: {  	_ =	shalt  }
0x58: {  	_ =	shalt  }
0x59: {  	_ =	shalt  }
0x5a: {  	_ =	shalt  }
0x5b: {  	_ =	shalt  }
0x5c: {  	_ =	shalt  }
0x5d: {  	_ =	shalt  }
0x5e: {  	_ =	shalt  }
0x5f: {  	_ =	shalt  }
0x60: {  	_ =	shalt  }
0x61: {  	_ =	shalt  }
0x62: {  	_ =	shalt  }
0x63: {  	_ =	shalt  }
0x64: {  	_ =	shalt  }
0x65: {  	_ =	shalt  }
0x66: {  	_ =	shalt  }
0x67: {  	_ =	shalt  }
0x68: {  	_ =	shalt  }
0x69: {  	_ =	shalt  }
0x6a: {  	_ =	shalt  }
0x6b: {  	_ =	shalt  }
0x6c: {  	_ =	shalt  }
0x6d: {  	_ =	shalt  }
0x6e: {  	_ =	shalt  }
0x6f: {  	_ =	shalt  }
0x70: {  	_ =	shalt  }
0x71: {  	_ =	shalt  }
0x72: {  	_ =	shalt  }
0x73: {  	_ =	shalt  }
0x74: {  	_ =	shalt  }
0x75: {  	_ =	shalt  }
0x76: {  	_ =	shalt  }
0x77: {  	_ =	shalt  }
0x78: {  	_ =	shalt  }
0x79: {  	_ =	shalt  }
0x7a: {  	_ =	shalt  }
0x7b: {  	_ =	shalt  }
0x7c: {  	_ =	shalt  }
0x7d: {  	_ =	shalt  }
0x7e: {  	_ =	shalt  }
0x7f: {  	_ =	shalt  }
0x80: {  	_ =	shalt  }
0x81: {  	_ =	shalt  }
0x82: {  	_ =	shalt  }
0x83: {  	_ =	shalt  }
0x84: {  	_ =	shalt  }
0x85: {  	_ =	shalt  }
0x86: {  	_ =	shalt  }
0x87: {  	_ =	shalt  }
.Lfunc_end0:
.L_simem_size_0:
called_computation_lowered:
.L_overlay_start_0:
0x88: {  	s2 =	sld [smem:$0x3FD9]  }
0x89: {  	s3 =	sld [smem:$0x3FFE];
	_ =	sdelay $0x1  }
0x8a: {  	s1 =	srdreg.scid  }
0x8b: {  	s0 =	sand.u32 $0x1, s1  }
0x8c: {  	s17 =	sshll.u32 s0, $0xA;
	s2 =	sadd.s32 s3, s2  }
0x8d: {  	s2 =	sadd.s32 s2, s17  }
0x8e: {  	[smem:$0x3FBE] =	sst s2  }
0x8f: {  	_ = 	snop  }
0x90: {  	(tm) =	ssettm $0x1  }
0x91: {  	s18 =	sld [smem:$0x3FFB];
	_ =	sdelay $0x3  }
0x92: {  	_ =	strace s18  }
0x93: {  	s2 =	sld [smem:$0x3FFC];
	_ =	sdelay $0x3  }
0x94: {  	_ =	strace s2  }
0x95: {  	s2 =	sld [smem:$0x3FFD];
	_ =	sdelay $0x3  }
0x96: {  	_ =	strace s2  }
0x97: {  	_ =	strace $0x8FFFFFFF  }
0x98: {  	s19 =	sld [smem:$0x3FDB];
	_ =	sdelay $0x1  }
0x99: {  	s20 =	simm.s32 $_scs_section_size  }
0x9a: {  	s4 =	simm.s32 $_size__tile_overlayer_lowered;
	s5 =	simm.s32 $_tile_overlayer_lowered  }
0x9b: {  	s6 =	simm.s32 $0x1BFF;
	s21 =	sshll.u32 s5, $0x1;
	s3 =	sadd.s32 s20, s19  }
0x9c: {  	s22 =	simm.s32 $0x0;
	s4 =	sshll.u32 s4, $0x1;
	s5 =	sadd.s32 s21, s3  }
0x9d: {  	[timem:s22], [sflag:s6] =	dma.local [hbm:s5], s4  }
0x9e: {  	_ =	swait.ge [sflag:s6], s4  }
0x9f: {  	s4 =	ssub.s32 $0x0, s4;
	[sflag:s6] =	ssyncset.done $0x0  }
0xa0: {  	[sflag:s6] =	ssyncadd.s32 s4;
	_ =	sdelay $0x1  }
0xa1: {  	s23 =	simm.s32 $0x1B8B  }
0xa2: {  	_ =	swait.ge [sflag:s23], $0x1  }
0xa3: {  	[sflag:s23] =	ssyncset.done $0x0  }
0xa4: {  	[sflag:s23] =	ssyncadd.s32 $0xFFFFFFFF  }
0xa5: {  	s4 =	sld [smem:$0x0]  }
0xa6: {  	s5 =	sand.u32 $0xFFFFFFFE, s1  }
0xa7: {  	p0 =	sne.s32 s1, s5  }
0xa8: {  	s5 =	sshll.u32 @p0 s5, $0xE  }
0xa9: {  	s5 =	sadd.s32 @p0 $0x11B8D, s5;
	s6 =	sshll.u32 @p0 s4, $0x11  }
0xaa: {  	s5 =	sor.u32 @p0 s6, s5  }
0xab: {  	[sflag:s5] =	ssyncadd.remote.s32 @p0 $0x1;
	_ =	sdelay $0x1  }
0xac: {  	s5 =	simm.s32 @p0 $0x1B8D  }
0xad: {  	_ =	swait.eq @p0 [sflag:s5], $0x1  }
0xae: {  	[sflag:s5] =	ssyncadd.s32 @p0 $0xFFFFFFFF  }
0xaf: {  	s6 =	sshll.u32 @!p0 s1, $0xE  }
0xb0: {  	s6 =	sor.u32 @!p0 $0x4000, s6;
	s5 =	simm.s32 @!p0 $0x1B8D  }
0xb1: {  	s4 =	sshll.u32 @!p0 s4, $0x11;
	s6 =	sadd.s32 @!p0 $0x11B8D, s6;
	_ =	swait.eq @!p0 [sflag:s5], $0x1  }
0xb2: {  	s4 =	sor.u32 @!p0 s4, s6;
	[sflag:s5] =	ssyncadd.s32 @!p0 $0xFFFFFFFF  }
0xb3: {  	s25 =	simm.s32 $0x1B8E;
	s24 =	sld [smem:$0x3FFE];
	[sflag:s4] =	ssyncadd.remote.s32 @!p0 $0x1  }
0xb4: {  	s26 =	simm.s32 $execute0_lowered;
	[smem:$0x3FD2] =	sst s25  }
0xb5: {  	s5 =	sshll.u32 s26, $0x1;
	_ =	strace $0x80000049;
	[dreg:$0x1] =	wrdreg $0xFFFFFFFF  }
0xb6: {  	s28 =	simm.s32 $_size_execute0_lowered;
	s3 =	sadd.s32 s3, s5;
	[dreg:$0x0] =	wrdreg $0x0  }
0xb7: {  	s5 =	sshll.u32 s28, $0x1;
	[dreg:$0x2] =	wrdreg s3  }
0xb8: {  	[dreg:$0x3] =	wrdreg s5  }
0xb9: {  	[dreg:$0x4] =	wrdreg $0xC0  }
0xba: {  	_ =	task [dreg:s22], $0x5FFFF  }
0xbb: {  	[dreg:$0x1] =	wrdreg $0xFFFFFFFF  }
0xbc: {  	[dreg:$0x0] =	wrdreg $0x60  }
0xbd: {  	[dreg:$0x2] =	wrdreg s24  }
0xbe: {  	[dreg:$0x3] =	wrdreg $0x68000  }
0xbf: {  	[dreg:$0x4] =	wrdreg $0x9  }
0xc0: {  	_ =	task.clear_ibuf [dreg:s22], $0x5FFFF;
	_ =	strace $0x90000049  }
0xc1: {  	s29 =	simm.s32 $0x9;
	_ =	strace $0x8000004B  }
0xc2: {  	_ =	swait.ge [sflag:s29], $0x1  }
0xc3: {  	[sflag:s29] =	ssyncadd.s32 $0xFFFFFFFF  }
0xc4: {  	_ =	strace $0x9000004B  }
0xc5: {  	_ =	sfence  }
0xc6: {  	s30 =	sld [smem:$0x0];
	_ =	sdelay $0x2  }
0xc7: {  	s31 =	sshll.u32 s1, $0xD;
	s1 =	sshrl.u32 s1, $0x2  }
0xc8: {  	s4 =	sand.u32 $0x4000, s31;
	s1 =	sadd.s32 s1, s30  }
0xc9: {  	s0 =	sor.u32 s4, s0;
	s1 =	sshll.u32 s1, $0x11  }
0xca: {  	s0 =	sor.u32 s1, s0  }
0xcb: {  	s0 =	sadd.s32 $0x8F2B, s0  }
0xcc: {  	[sflag:s0] =	ssyncadd.remote.s32 $0x1  }
0xcd: {  	_ =	sfence.sel $0xFFFF  }
0xce: {  	[dreg:$0x0] =	wrdreg $0xFFFFFFFF;
	(pc) =	sbr.abs _section_cstart, $3  }
0xcf: {  	[dreg:$0x1] =	wrdreg $0xFFFFFFFF  }
0xd0: {  	_ =	task.clear_ibuf [dreg:s22], $0x2FFFF;
	_ =	strace $0x9FFFFFFF  }
0xd1: {  	(tm) =	ssettm $0x7FFFFFFF  }
tec
execute0_lowered:
.L_overlay_start_1:
0x0: {  	(tag) =	ssettag $0x1  }
0x1: {  	s0 =	srdreg.scid;
	s4 =	rddreg [dreg:$0x0]  }
0x2: {  	s2 =	rddreg [dreg:$0x1];
	s1 =	stileid.u32;
	s3 =	simm.s32 $0x0  }
0x3: {  	s5 =	sand.u32 $0x1, s0;
	s0 =	rddreg [dreg:$0x2];
	s8 =	smul.u32 $0x4E200, s1  }
0x4: {  	s19 =	simm.s32 $0x0;
	[smem:$0x7FF] =	sst s3;
	s13 =	smul.u32 $0x14000, s1  }
0x5: {  	s11 =	sadd.s32 $0x81200, s4;
	s14 =	smul.u32 $0x50000, s1;
	s16 =	sadd.s32 $0x12C000, s2  }
0x6: {  	p0 =	seq.s32 s1, $0xF;
	s6 =	sshll.u32 s5, $0x4;
	_ =	strace $0x8000004A  }
0x7: {  	s7 =	ssub.s32 $0x2, s5;
	s10 =	smul.u32 $0x138800, s5;
	s16 =	sshrl.u32 @p0 s16, $0x3  }
0x8: {  	s17 =	sshll.u32 @!p0 s1, $0x6;
	s6 =	sor.u32 s1, s6;
	s30 =	sshrl.u32 s7, $0x1  }
0x9: {  	s31 =	sshrl.u32 s8, $0x2;
	s14 =	sshrl.u32 s14, $0x2;
	s17 =	sor.u32 @!p0 $0x1C01, s17  }
0xa: {  	s6 =	smul.u32 $0x500, s6;
	s12 =	ssub.s32 s7, s30;
	s5 =	sadd.s32 s31, s2  }
0xb: {  	s13 =	sadd.s32 s13, s10;
	s15 =	sshrl.u32 s10, $0x3;
	s18 =	sadd.s32 s14, s2  }
0xc: {  	s14 =	simm.s32 $0x2800;
	s7 =	sadd.s32 $0x7D00, s5;
	s8 =	sadd.s32 $0xBB80, s5  }
0xd: {  	s9 =	sadd.s32 $0xFA00, s5;
	s13 =	sshrl.u32 s13, $0x3;
	s12 =	smax.u32 s12, $0x1  }
0xe: {  	s18 =	sshrl.u32 @!p0 s18, $0x3;
	s6 =	sadd.s32 s6, s4;
	s10 =	sadd.s32 s11, s13  }
0xf: {  	s11 =	sadd.s32 s11, s15;
	s13 =	simm.s32 $0x1;
	s15 =	simm.s32 $0x7D  }
0x10: {  	v0 =	vimm.f32 $0.0e+00;
	v1 =	vimm.f32 $1.000000000e+00;
	s4 =	sadd.s32 $0x77200, s6;
	s6 =	sadd.s32 $0x3E80, s5;
	s11 =	sadd.s32 $0x25800, s11  }
.LBB2_1:
0x11: {  	[tilespmem:s3], [sflag:$0x1] =	stream.linear.gather [hbm4b:s4+s3], $0x2800, $0x38;
	[tilespmem:$0x1A080] =	vst v63  }
0x12: {  	_ =	swait.ge [sflag:s13], $0x2800  }
0x13: {  	[sflag:s13] =	ssyncset.done $0x0  }
0x14: {  	s20 =	simm.s32 $0x0;
	s21 =	simm.s32 $0x200;
	[sflag:s13] =	ssyncadd.s32 $0xFFFFD800  }
.LBB2_2:
0x15: {  	p1 =	sne.s32 s21, $0xF800;
	[tilespmem:s20+$0x2870] =	vst v0  }
0x16: {  	[tilespmem:s20+$0x2800] =	vst v0  }
0x17: {  	[tilespmem:s20+$0x2810] =	vst v0  }
.Ltmp0:
0x18: {  	[tilespmem:s20+$0x2820] =	vst v0;
	(pc) =	sbr.rel @p1 .LBB2_2-.Ltmp0, $4  }
0x19: {  	[tilespmem:s20+$0x2830] =	vst v0  }
0x1a: {  	[tilespmem:s20+$0x2840] =	vst v0  }
0x1b: {  	[tilespmem:s20+$0x2850] =	vst v0  }
0x1c: {  	[tilespmem:s20+$0x2860] =	vst v0;
	s20 =	sshra.s32 s21, $0x2;
	s21 =	sadd.s32 $0x200, s21  }
0x1d: {  	[tilespmem:s20+$0x2870] =	vst v0  }
0x1e: {  	[tilespmem:s20+$0x2800] =	vst v0  }
0x1f: {  	[tilespmem:s20+$0x2810] =	vst v0  }
0x20: {  	[tilespmem:s20+$0x2820] =	vst v0  }
0x21: {  	[tilespmem:s20+$0x2830] =	vst v0  }
0x22: {  	[tilespmem:s20+$0x2840] =	vst v0  }
0x23: {  	[tilespmem:s20+$0x2850] =	vst v0  }
0x24: {  	[tilespmem:s20+$0x2860] =	vst v0  }
0x25: {  	[spmem:s5] =	stream.linear.scatter [tilespmem:s14], [sflag:$0x1], $0x3E80, $0x38;
	[tilespmem:$0x1A080] =	vst v63  }
0x26: {  	_ =	swait.ge [sflag:s13], $0x3E80  }
0x27: {  	[sflag:s13] =	ssyncset.done $0x0  }
0x28: {  	[sflag:s13] =	ssyncadd.s32 $0xFFFFC180  }
0x29: {  	[spmem:s6] =	stream.linear.scatter [tilespmem:s14], [sflag:$0x1], $0x3E80, $0x38;
	[tilespmem:$0x1A080] =	vst v63  }
0x2a: {  	_ =	swait.ge [sflag:s13], $0x3E80  }
0x2b: {  	[sflag:s13] =	ssyncset.done $0x0  }
0x2c: {  	[sflag:s13] =	ssyncadd.s32 $0xFFFFC180  }
0x2d: {  	[spmem:s7] =	stream.linear.scatter [tilespmem:s14], [sflag:$0x1], $0x3E80, $0x38;
	[tilespmem:$0x1A080] =	vst v63  }
0x2e: {  	_ =	swait.ge [sflag:s13], $0x3E80  }
0x2f: {  	[sflag:s13] =	ssyncset.done $0x0  }
0x30: {  	[sflag:s13] =	ssyncadd.s32 $0xFFFFC180  }
0x31: {  	[spmem:s8] =	stream.linear.scatter [tilespmem:s14], [sflag:$0x1], $0x3E80, $0x38;
	[tilespmem:$0x1A080] =	vst v63  }
0x32: {  	_ =	swait.ge [sflag:s13], $0x3E80  }
0x33: {  	[sflag:s13] =	ssyncset.done $0x0  }
0x34: {  	[sflag:s13] =	ssyncadd.s32 $0xFFFFC180  }
0x35: {  	[spmem:s9] =	stream.linear.scatter [tilespmem:s14], [sflag:$0x1], $0x3E80, $0x38;
	[tilespmem:$0x1A080] =	vst v63  }
0x36: {  	_ =	swait.ge [sflag:s13], $0x3E80  }
0x37: {  	[sflag:s13] =	ssyncset.done $0x0  }
0x38: {  	s20 =	simm.s32 $0x0;
	s21 =	simm.s32 $0x200;
	[sflag:s13] =	ssyncadd.s32 $0xFFFFC180  }
.LBB2_4:
0x39: {  	p1 =	sne.s32 s21, $0xF800;
	[tilespmem:s20+$0x2870] =	vst v1  }
0x3a: {  	[tilespmem:s20+$0x2800] =	vst v1  }
0x3b: {  	[tilespmem:s20+$0x2810] =	vst v1  }
.Ltmp1:
0x3c: {  	[tilespmem:s20+$0x2820] =	vst v1;
	(pc) =	sbr.rel @p1 .LBB2_4-.Ltmp1, $4  }
0x3d: {  	[tilespmem:s20+$0x2830] =	vst v1  }
0x3e: {  	[tilespmem:s20+$0x2840] =	vst v1  }
0x3f: {  	[tilespmem:s20+$0x2850] =	vst v1  }
0x40: {  	[tilespmem:s20+$0x2860] =	vst v1;
	s20 =	sshra.s32 s21, $0x2;
	s21 =	sadd.s32 $0x200, s21  }
0x41: {  	[tilespmem:s20+$0x2870] =	vst v1  }
0x42: {  	[tilespmem:s20+$0x2800] =	vst v1  }
0x43: {  	[tilespmem:s20+$0x2810] =	vst v1  }
0x44: {  	[tilespmem:s20+$0x2820] =	vst v1  }
0x45: {  	[tilespmem:s20+$0x2830] =	vst v1  }
0x46: {  	[tilespmem:s20+$0x2840] =	vst v1  }
0x47: {  	[tilespmem:s20+$0x2850] =	vst v1  }
0x48: {  	[tilespmem:s20+$0x2860] =	vst v1  }
0x49: {  	s31 =	simm.s32 $0x0;
	[bflag:$0x0] =	sbarrier.arrive $0xFFFF  }
0x4a: {  	[spmem:s2] =	stream.indirect.scatter.add.f32 [tilespmem:s14], [sflag:$0x1], $0x80, s31, s15, $0xb8;
	[tilespmem:$0x1A080] =	vst v63  }
0x4b: {  	_ =	swait.ge [sflag:s13], $0x3E80  }
0x4c: {  	s20 =	simm.s32 $0x200;
	[sflag:s13] =	ssyncset.done $0x0  }
.LBB2_6:
0x4d: {  	s21 =	sshra.s32 s20, $0x2;
	[sflag:s13] =	ssyncadd.s32 $0xFFFFC180;
	p1 =	sne.s32 s20, $0x9E00  }
0x4e: {  	[spmem:s2] =	stream.indirect.scatter.add.f32 [tilespmem:s14], [sflag:$0x1], $0x80, s21, s15, $0xb8;
	[tilespmem:$0x1A080] =	vst v63  }
.Ltmp2:
0x4f: {  	_ = 	snop;
	(pc) =	sbr.rel @p1 .LBB2_6-.Ltmp2, $4  }
0x50: {  	_ = 	snop  }
0x51: {  	s20 =	sadd.s32 $0x200, s20  }
0x52: {  	_ =	swait.ge [sflag:s13], $0x3E80  }
0x53: {  	[sflag:s13] =	ssyncset.done $0x0  }
0x54: {  	[sflag:s13] =	ssyncadd.s32 $0xFFFFC180  }
0x55: {  	s20 =	simm.s32 @p0 $0x1FC1;
	[bflag:$0x0] =	sbarrier.arrive $0xFFFF  }
0x56: {  	[hbm:s11], [sflag:s20] =	dma.local @p0 [spmem:s16], $0x1900  }
0x57: {  	s20 =	simm.s32 @p0 $0x1  }
0x58: {  	s19 =	sadd.s32 $0x1, s19;
	_ =	swait.ge @p0 [sflag:s20], $0x1900  }
0x59: {  	p1 =	sne.s32 s19, s12;
	[sflag:s20] =	ssyncset.done @p0 $0x0  }
.Ltmp3:
0x5a: {  	[sflag:s20] =	ssyncadd.s32 @p0 $0xFFFFE700;
	s20 =	simm.s32 @!p0 $0x1;
	(pc) =	sbr.rel @p1 .LBB2_1-.Ltmp3, $4  }
0x5b: {  	[hbm:s10], [sflag:s17] =	dma.local @!p0 [spmem:s18], $0x2800  }
0x5c: {  	_ =	swait.ge @!p0 [sflag:s20], $0x2800  }
0x5d: {  	[sflag:s20] =	ssyncset.done @!p0 $0x0  }
0x5e: {  	[sflag:s20] =	ssyncadd.s32 @!p0 $0xFFFFD800  }
0x5f: {  	_ =	sfence.sel $0x180000  }
0x60: {  	[bflag:$0x0] =	sbarrier.arrive $0xFFFF  }
0x61: {  	p0 =	sne.s32 s1, $0x0;
	_ =	strace $0x9000004A  }
0x62: {  	s0 =	sadd.s32 @!p0 $0x100000, s0;
	[bflag:$0x2] =	sbarrier.arrive $0xFFFF  }
0x63: {  	[sflag:s0] =	ssyncadd.tile.s32 @!p0 $0x1;
	_ =	shalt  }
.Lfunc_end2:
_tile_overlayer_lowered:
.L_overlay_start_2:
0x64: {  	(tag) =	ssettag $0x2  }
0x65: {  	s0 =	rddreg [dreg:$0x0];
	s2 =	stileid.u32  }
0x66: {  	s1 =	rddreg [dreg:$0x1];
	p0 =	sne.s32 s2, $0x0  }
0x67: {  	s3 =	rddreg [dreg:$0x2];
	[bflag:$0x3] =	sbarrier.arrive $0xFFFF;
	s2 =	simm.s32 @!p0 $0x1C01  }
0x68: {  	[timem:s3], [sflag:s2] =	dma.local @!p0 [hbm:s0], s1  }
0x69: {  	s0 =	simm.s32 @!p0 $0x1  }
0x6a: {  	_ =	swait.ge @!p0 [sflag:s0], s1  }
0x6b: {  	s1 =	ssub.s32 @!p0 $0x0, s1;
	[sflag:s0] =	ssyncset.done @!p0 $0x0  }
0x6c: {  	[sflag:s0] =	ssyncadd.s32 @!p0 s1  }
0x6d: {  	[bflag:$0x3] =	sbarrier.arrive $0xFFFF  }
0x6e: {  	_ =	shalt  }

// kernel: sc_seg_sum.4.cloned.1.call-start
scs
__scs_entry_jumppad:
0x0: {  	(pc) =	sbr.rel $0x88, $3  }
0x1: {  	(tag) =	ssettag $0x0;
	lr =	simm.s32 $0x1  }
0x2: {  	[smem:$0x3F97] =	sst lr;
	_ =	strace $0xD0000000  }
0x3: {  	_ = 	snop  }
0x4: {  	_ = 	snop  }
0x5: {  	_ = 	snop  }
0x6: {  	_ = 	snop  }
0x7: {  	_ = 	snop  }
__scs_overlays_trampoline_lowered:
0x8: {  	[smem:$0x3FA6] =	sst s0  }
0x9: {  	[smem:$0x3FA7] =	sst s1  }
0xa: {  	[smem:$0x3FA8] =	sst s2  }
0xb: {  	[smem:$0x3FA9] =	sst s3  }
0xc: {  	[smem:$0x3FAA] =	sst s4  }
0xd: {  	[smem:$0x3FAB] =	sst s5  }
0xe: {  	[smem:$0x3FAC] =	sst s6  }
0xf: {  	[smem:$0x3FAD] =	sst s7  }
0x10: {  	[smem:$0x3FAE] =	sst s8  }
0x11: {  	[smem:$0x3FAF] =	sst s9;
	s0 =	simm.s32 @!p0 $0x0  }
0x12: {  	s1 =	sld [smem:$0x3F95];
	s0 =	simm.s32 @p0 $0x1  }
0x13: {  	[smem:$0x3FB0] =	sst s0;
	s0 =	simm.s32 @!p1 $0x0  }
0x14: {  	s2 =	sld [smem:$0x3F94];
	s0 =	simm.s32 @p1 $0x1  }
0x15: {  	[smem:$0x3FB1] =	sst s0;
	s0 =	simm.s32 @!p2 $0x0  }
0x16: {  	s3 =	sld [smem:$0x3FDB];
	s0 =	simm.s32 @p2 $0x1  }
0x17: {  	s4 =	simm.s32 $0x1BF5;
	[smem:$0x3FB3] =	sst s0  }
0x18: {  	s0 =	sld [smem:$0x3F96];
	_ =	swait.ge [sflag:s4], $0x0  }
0x19: {  	s7 =	sld [smem:$0x3F97]  }
0x1a: {  	s8 =	sadd.s32 $0xFFFFE003, lr  }
0x1b: {  	s9 =	sadd.s32 $0xFFFFFEF7, lr;
	s5 =	simm.s32 $0xFFFFFFFF;
	p2 =	slt.u32 s8, $0xFFFFF086  }
0x1c: {  	p1 =	slt.u32 s9, $0xF7A;
	s5 =	simm.s32 @!p2 $0x0  }
0x1d: {  	s5 =	simm.s32 @p1 $0x1;
	p0 =	seq.s32 s7, s2  }
0x1e: {  	s7 =	smul.u32 @!p0 $0xF7A, s2;
	p2 =	seq.s32 @!p0 s5, $0x0  }
0x1f: {  	s9 =	smul.u32 $0xF7A, s1;
	s8 =	simm.s32 @!p0 $0x1BF5;
	p2 =	por !p2, p0  }
0x20: {  	[sflag:s8] =	ssyncset.s32 @!p0 $0xFFFFF086;
	s6 =	sadd.s32 @!p0 s3, s7;
	s7 =	simm.s32 @!p0 $0x108  }
0x21: {  	s3 =	sadd.s32 s3, s9;
	s6 =	sadd.s32 @!p0 $0x88, s6;
	s7 =	simm.s32 @p2 $0x1082  }
0x22: {  	[simem:s7], [sflag:s8] =	dma.local @!p0 [hbm:s6], $0xF7A  }
0x23: {  	s9 =	sor.u32 $0xD0000000, s2;
	s6 =	simm.s32 $0x108;
	_ =	swait.ge @!p0 [sflag:s8], $0x0  }
0x24: {  	s3 =	sadd.s32 $0x88, s3;
	s6 =	simm.s32 @!p1 $0x1082;
	[sflag:s4] =	ssyncset.s32 $0xFFFFF086  }
0x25: {  	[simem:s6], [sflag:s4] =	dma.local [hbm:s3], $0xF7A  }
0x26: {  	[smem:$0x3F97] =	sst s1;
	(tag) =	ssettag s2;
	_ =	strace s9  }
0x27: {  	s1 =	sld [smem:$0x3FA7]  }
0x28: {  	s2 =	sld [smem:$0x3FA8]  }
0x29: {  	s4 =	sld [smem:$0x3FAA]  }
0x2a: {  	p0 =	seq.s32 s5, $0x0;
	s5 =	sld [smem:$0x3FAB]  }
0x2b: {  	s6 =	sld [smem:$0x3FAC]  }
0x2c: {  	s7 =	sld [smem:$0x3FAD]  }
0x2d: {  	s3 =	simm.s32 $0x108;
	s8 =	sld [smem:$0x3FAE]  }
0x2e: {  	s3 =	simm.s32 @!p0 $0x1082;
	s9 =	sld [smem:$0x3FAF]  }
0x2f: {  	lr =	sadd.s32 s0, s3;
	s0 =	sld [smem:$0x3FA6]  }
0x30: {  	s3 =	sld [smem:$0x3FA9]  }
0x31: {  	[smem:$0x3FB2] =	sst s10  }
0x32: {  	s10 =	sld [smem:$0x3FB0];
	_ =	sdelay $0x3  }
0x33: {  	p0 =	seq.s32 s10, $0x1;
	s10 =	sld [smem:$0x3FB2];
	_ =	sdelay $0x3  }
0x34: {  	[smem:$0x3FB2] =	sst s10  }
0x35: {  	s10 =	sld [smem:$0x3FB1];
	_ =	sdelay $0x3  }
0x36: {  	p1 =	seq.s32 s10, $0x1;
	s10 =	sld [smem:$0x3FB2];
	_ =	sdelay $0x3  }
0x37: {  	[smem:$0x3FB2] =	sst s10  }
0x38: {  	s10 =	sld [smem:$0x3FB3]  }
0x39: {  	_ = 	snop;
	(pc) =	sbr.ind lr, $3  }
0x3a: {  	_ = 	snop  }
0x3b: {  	_ = 	snop  }
0x3c: {  	p2 =	seq.s32 s10, $0x1;
	s10 =	sld [smem:$0x3FB2]  }
0x3d: {  	_ =	shalt  }
0x3e: {  	_ =	shalt  }
0x3f: {  	_ =	shalt  }
0x40: {  	_ =	shalt  }
0x41: {  	_ =	shalt  }
0x42: {  	_ =	shalt  }
0x43: {  	_ =	shalt  }
0x44: {  	_ =	shalt  }
0x45: {  	_ =	shalt  }
0x46: {  	_ =	shalt  }
0x47: {  	_ =	shalt  }
0x48: {  	_ =	shalt  }
0x49: {  	_ =	shalt  }
0x4a: {  	_ =	shalt  }
0x4b: {  	_ =	shalt  }
0x4c: {  	_ =	shalt  }
0x4d: {  	_ =	shalt  }
0x4e: {  	_ =	shalt  }
0x4f: {  	_ =	shalt  }
0x50: {  	_ =	shalt  }
0x51: {  	_ =	shalt  }
0x52: {  	_ =	shalt  }
0x53: {  	_ =	shalt  }
0x54: {  	_ =	shalt  }
0x55: {  	_ =	shalt  }
0x56: {  	_ =	shalt  }
0x57: {  	_ =	shalt  }
0x58: {  	_ =	shalt  }
0x59: {  	_ =	shalt  }
0x5a: {  	_ =	shalt  }
0x5b: {  	_ =	shalt  }
0x5c: {  	_ =	shalt  }
0x5d: {  	_ =	shalt  }
0x5e: {  	_ =	shalt  }
0x5f: {  	_ =	shalt  }
0x60: {  	_ =	shalt  }
0x61: {  	_ =	shalt  }
0x62: {  	_ =	shalt  }
0x63: {  	_ =	shalt  }
0x64: {  	_ =	shalt  }
0x65: {  	_ =	shalt  }
0x66: {  	_ =	shalt  }
0x67: {  	_ =	shalt  }
0x68: {  	_ =	shalt  }
0x69: {  	_ =	shalt  }
0x6a: {  	_ =	shalt  }
0x6b: {  	_ =	shalt  }
0x6c: {  	_ =	shalt  }
0x6d: {  	_ =	shalt  }
0x6e: {  	_ =	shalt  }
0x6f: {  	_ =	shalt  }
0x70: {  	_ =	shalt  }
0x71: {  	_ =	shalt  }
0x72: {  	_ =	shalt  }
0x73: {  	_ =	shalt  }
0x74: {  	_ =	shalt  }
0x75: {  	_ =	shalt  }
0x76: {  	_ =	shalt  }
0x77: {  	_ =	shalt  }
0x78: {  	_ =	shalt  }
0x79: {  	_ =	shalt  }
0x7a: {  	_ =	shalt  }
0x7b: {  	_ =	shalt  }
0x7c: {  	_ =	shalt  }
0x7d: {  	_ =	shalt  }
0x7e: {  	_ =	shalt  }
0x7f: {  	_ =	shalt  }
0x80: {  	_ =	shalt  }
0x81: {  	_ =	shalt  }
0x82: {  	_ =	shalt  }
0x83: {  	_ =	shalt  }
0x84: {  	_ =	shalt  }
0x85: {  	_ =	shalt  }
0x86: {  	_ =	shalt  }
0x87: {  	_ =	shalt  }
.Lfunc_end0:
.L_simem_size_0:
called_computation.1_lowered:
.L_overlay_start_0:
0x88: {  	s2 =	sld [smem:$0x3FD9]  }
0x89: {  	s3 =	sld [smem:$0x3FFE];
	_ =	sdelay $0x1  }
0x8a: {  	s1 =	srdreg.scid  }
0x8b: {  	s0 =	sand.u32 $0x1, s1  }
0x8c: {  	s17 =	sshll.u32 s0, $0xA;
	s2 =	sadd.s32 s3, s2  }
0x8d: {  	s2 =	sadd.s32 s2, s17  }
0x8e: {  	[smem:$0x3FBE] =	sst s2  }
0x8f: {  	_ = 	snop  }
0x90: {  	s2 =	sld [smem:$0x3FD0];
	(tm) =	ssettm $0x1  }
0x91: {  	s18 =	sld [smem:$0x3FFB];
	_ =	sdelay $0x3  }
0x92: {  	_ =	strace s18  }
0x93: {  	s3 =	sld [smem:$0x3FFC];
	_ =	sdelay $0x3  }
0x94: {  	_ =	strace s3  }
0x95: {  	s3 =	sld [smem:$0x3FFD];
	_ =	sdelay $0x3  }
0x96: {  	_ =	strace s3  }
0x97: {  	_ =	strace $0x8FFFFFFF  }
0x98: {  	s19 =	sld [smem:$0x3FDB];
	_ =	sdelay $0x1  }
0x99: {  	s4 =	simm.s32 $_scs_section_size  }
0x9a: {  	s5 =	simm.s32 $_size__tile_overlayer_lowered;
	s6 =	simm.s32 $_tile_overlayer_lowered  }
0x9b: {  	s22 =	simm.s32 $0x1BFF;
	s21 =	sshll.u32 s6, $0x1;
	s3 =	sadd.s32 s4, s19  }
0x9c: {  	s7 =	simm.s32 $0x0;
	s20 =	sshll.u32 s5, $0x1;
	s5 =	sadd.s32 s21, s3  }
0x9d: {  	[timem:s7], [sflag:s22] =	dma.local [hbm:s5], s20  }
0x9e: {  	_ =	swait.ge [sflag:s22], s20  }
0x9f: {  	s4 =	ssub.s32 $0x0, s20;
	[sflag:s22] =	ssyncset.done $0x0  }
0xa0: {  	[sflag:s22] =	ssyncadd.s32 s4;
	_ =	sdelay $0x1  }
0xa1: {  	s23 =	simm.s32 $0x1B8B  }
0xa2: {  	_ =	swait.ge [sflag:s23], $0x1  }
0xa3: {  	[sflag:s23] =	ssyncset.done $0x0  }
0xa4: {  	s25 =	simm.s32 $0x1B8E;
	s24 =	sld [smem:$0x3FFE];
	[sflag:s23] =	ssyncadd.s32 $0xFFFFFFFF  }
0xa5: {  	s26 =	simm.s32 $execute0_lowered;
	[smem:$0x3FD2] =	sst s25  }
0xa6: {  	s5 =	sshll.u32 s26, $0x1;
	_ =	strace $0x80000046;
	[dreg:$0x1] =	wrdreg $0xFFFFFFFF  }
0xa7: {  	s28 =	simm.s32 $_size_execute0_lowered;
	s3 =	sadd.s32 s3, s5;
	[dreg:$0x0] =	wrdreg $0x0  }
0xa8: {  	s5 =	sshll.u32 s28, $0x1;
	[dreg:$0x2] =	wrdreg s3  }
0xa9: {  	[dreg:$0x3] =	wrdreg s5  }
0xaa: {  	[dreg:$0x4] =	wrdreg $0xC0  }
0xab: {  	_ =	task [dreg:s7], $0x5FFFF  }
0xac: {  	[dreg:$0x1] =	wrdreg $0xFFFFFFFF  }
0xad: {  	[dreg:$0x0] =	wrdreg $0x60  }
0xae: {  	[dreg:$0x2] =	wrdreg s24  }
0xaf: {  	[dreg:$0x3] =	wrdreg s2  }
0xb0: {  	[dreg:$0x4] =	wrdreg $0x92000  }
0xb1: {  	[dreg:$0x5] =	wrdreg $0xA  }
0xb2: {  	_ =	task.clear_ibuf [dreg:s7], $0x6FFFF;
	_ =	strace $0x90000046  }
0xb3: {  	s29 =	simm.s32 $0xA;
	_ =	strace $0x80000048  }
0xb4: {  	_ =	swait.ge [sflag:s29], $0x1  }
0xb5: {  	[sflag:s29] =	ssyncadd.s32 $0xFFFFFFFF  }
0xb6: {  	_ =	strace $0x90000048  }
0xb7: {  	_ =	sfence  }
0xb8: {  	s30 =	sld [smem:$0x0];
	_ =	sdelay $0x2  }
0xb9: {  	s31 =	sshll.u32 s1, $0xD;
	s1 =	sshrl.u32 s1, $0x2  }
0xba: {  	s3 =	sand.u32 $0x4000, s31;
	s1 =	sadd.s32 s1, s30  }
0xbb: {  	s0 =	sor.u32 s3, s0;
	s1 =	sshll.u32 s1, $0x11  }
0xbc: {  	s0 =	sor.u32 s1, s0  }
0xbd: {  	s0 =	sadd.s32 $0x8F2B, s0  }
0xbe: {  	[sflag:s0] =	ssyncadd.remote.s32 $0x1  }
0xbf: {  	_ =	sfence.sel $0xFFFF  }
0xc0: {  	[dreg:$0x0] =	wrdreg $0xFFFFFFFF;
	(pc) =	sbr.abs _section_cstart, $3  }
0xc1: {  	[dreg:$0x1] =	wrdreg $0xFFFFFFFF  }
0xc2: {  	_ =	task.clear_ibuf [dreg:s7], $0x2FFFF;
	_ =	strace $0x9FFFFFFF  }
0xc3: {  	(tm) =	ssettm $0x7FFFFFFF  }
tec
execute0_lowered:
.L_overlay_start_1:
0x0: {  	(tag) =	ssettag $0x1  }
0x1: {  	s0 =	rddreg [dreg:$0x0]  }
0x2: {  	s5 =	rddreg [dreg:$0x1]  }
0x3: {  	s1 =	rddreg [dreg:$0x2];
	s2 =	simm.s32 $0x0  }
0x4: {  	s3 =	srdreg.scid;
	s19 =	simm.s32 $0x50;
	s20 =	simm.s32 $0x4000  }
0x5: {  	s21 =	simm.s32 $0x4100;
	s22 =	simm.s32 $0x4080;
	s23 =	simm.s32 $0x6A00  }
0x6: {  	s28 =	simm.s32 $0x1;
	s29 =	simm.s32 $0x2;
	s30 =	simm.s32 $0x0  }
0x7: {  	[smem:$0x7FF] =	sst s2;
	s7 =	sand.u32 $0x1, s3;
	s3 =	stileid.u32  }
0x8: {  	s4 =	sadd.s32 $0x1E00, s0;
	s0 =	sadd.s32 $0x29000, s0;
	s9 =	smul.u32 $0x4E200, s3  }
0x9: {  	_ =	strace $0x80000047;
	s6 =	ssub.s32 $0x2, s7;
	s14 =	smul.u32 $0x138800, s7  }
0xa: {  	s24 =	sshll.u32 s3, $0xB;
	s25 =	sshll.u32 s7, $0xF;
	s13 =	smul.u32 $0x14000, s3  }
0xb: {  	s17 =	smul.u32 $0x50000, s3;
	p0 =	seq.s32 s3, $0xF;
	s8 =	sshrl.u32 s6, $0x1  }
0xc: {  	s5 =	sadd.s32 s5, s24;
	s16 =	ssub.s32 s6, s8;
	s26 =	sshrl.u32 s9, $0x2  }
0xd: {  	s5 =	sadd.s32 s25, s5;
	s15 =	sadd.s32 s13, s14;
	s18 =	sshrl.u32 s14, $0x3  }
0xe: {  	s31 =	sshrl.u32 s17, $0x2;
	s17 =	simm.s32 $0x3;
	s6 =	sadd.s32 s26, s1  }
0xf: {  	s15 =	sshrl.u32 s15, $0x3;
	s25 =	sadd.s32 s31, s1;
	s16 =	smax.u32 s16, $0x1  }
0x10: {  	s26 =	simm.s32 $0x4180;
	s7 =	sadd.s32 $0x2800, s6;
	s8 =	sadd.s32 $0x5000, s6  }
0x11: {  	s9 =	sadd.s32 $0x7800, s6;
	s10 =	sadd.s32 $0xA000, s6;
	s11 =	sadd.s32 $0xC800, s6  }
0x12: {  	s12 =	sadd.s32 $0xF000, s6;
	s14 =	sadd.s32 s0, s15;
	s0 =	sadd.s32 s0, s18  }
0x13: {  	s13 =	sadd.s32 $0x11800, s6;
	s15 =	sadd.s32 $0x25800, s0;
	s0 =	sadd.s32 $0x12C000, s1  }
0x14: {  	v0 =	vimm.f32 $0.0e+00;
	s18 =	simm.s32 $0x4200;
	s25 =	sshrl.u32 @!p0 s25, $0x3;
	s24 =	sshrl.u32 @p0 s0, $0x3  }
.LBB2_1:
0x15: {  	[tilespmem:s2], [sflag:$0x3] =	stream.linear.gather [hbm4b:s5+s2], $0x3E80, $0x38;
	[tilespmem:$0x1CA80] =	vst v63  }
0x16: {  	_ =	swait.ge [sflag:s17], $0x3E80  }
0x17: {  	[sflag:s17] =	ssyncset.done $0x0  }
0x18: {  	s0 =	simm.s32 $0x0;
	s31 =	simm.s32 $0x200;
	[sflag:s17] =	ssyncadd.s32 $0xFFFFC180  }
.LBB2_2:
0x19: {  	p1 =	sne.s32 s31, $0x9E00;
	[tilespmem:s0+$0x4270] =	vst v0  }
0x1a: {  	[tilespmem:s0+$0x4200] =	vst v0  }
0x1b: {  	[tilespmem:s0+$0x4210] =	vst v0  }
.Ltmp0:
0x1c: {  	[tilespmem:s0+$0x4220] =	vst v0;
	(pc) =	sbr.rel @p1 .LBB2_2-.Ltmp0, $4  }
0x1d: {  	[tilespmem:s0+$0x4230] =	vst v0  }
0x1e: {  	[tilespmem:s0+$0x4240] =	vst v0  }
0x1f: {  	[tilespmem:s0+$0x4250] =	vst v0  }
0x20: {  	[tilespmem:s0+$0x4260] =	vst v0;
	s0 =	sshra.s32 s31, $0x2;
	s31 =	sadd.s32 $0x200, s31  }
0x21: {  	[tilespmem:s0+$0x4270] =	vst v0  }
0x22: {  	[tilespmem:s0+$0x4200] =	vst v0  }
0x23: {  	[tilespmem:s0+$0x4210] =	vst v0  }
0x24: {  	[tilespmem:s0+$0x4220] =	vst v0  }
0x25: {  	[tilespmem:s0+$0x4230] =	vst v0  }
0x26: {  	[tilespmem:s0+$0x4240] =	vst v0  }
0x27: {  	[tilespmem:s0+$0x4250] =	vst v0  }
0x28: {  	[tilespmem:s0+$0x4260] =	vst v0  }
0x29: {  	[spmem:s6] =	stream.linear.scatter [tilespmem:s18], [sflag:$0x3], $0x2800, $0x38;
	[tilespmem:$0x1CA80] =	vst v63  }
0x2a: {  	_ =	swait.ge [sflag:s17], $0x2800  }
0x2b: {  	[sflag:s17] =	ssyncset.done $0x0  }
0x2c: {  	[sflag:s17] =	ssyncadd.s32 $0xFFFFD800  }
0x2d: {  	[spmem:s7] =	stream.linear.scatter [tilespmem:s18], [sflag:$0x3], $0x2800, $0x38;
	[tilespmem:$0x1CA80] =	vst v63  }
0x2e: {  	_ =	swait.ge [sflag:s17], $0x2800  }
0x2f: {  	[sflag:s17] =	ssyncset.done $0x0  }
0x30: {  	[sflag:s17] =	ssyncadd.s32 $0xFFFFD800  }
0x31: {  	[spmem:s8] =	stream.linear.scatter [tilespmem:s18], [sflag:$0x3], $0x2800, $0x38;
	[tilespmem:$0x1CA80] =	vst v63  }
0x32: {  	_ =	swait.ge [sflag:s17], $0x2800  }
0x33: {  	[sflag:s17] =	ssyncset.done $0x0  }
0x34: {  	[sflag:s17] =	ssyncadd.s32 $0xFFFFD800  }
0x35: {  	[spmem:s9] =	stream.linear.scatter [tilespmem:s18], [sflag:$0x3], $0x2800, $0x38;
	[tilespmem:$0x1CA80] =	vst v63  }
0x36: {  	_ =	swait.ge [sflag:s17], $0x2800  }
0x37: {  	[sflag:s17] =	ssyncset.done $0x0  }
0x38: {  	[sflag:s17] =	ssyncadd.s32 $0xFFFFD800  }
0x39: {  	[spmem:s10] =	stream.linear.scatter [tilespmem:s18], [sflag:$0x3], $0x2800, $0x38;
	[tilespmem:$0x1CA80] =	vst v63  }
0x3a: {  	_ =	swait.ge [sflag:s17], $0x2800  }
0x3b: {  	[sflag:s17] =	ssyncset.done $0x0  }
0x3c: {  	[sflag:s17] =	ssyncadd.s32 $0xFFFFD800  }
0x3d: {  	[spmem:s11] =	stream.linear.scatter [tilespmem:s18], [sflag:$0x3], $0x2800, $0x38;
	[tilespmem:$0x1CA80] =	vst v63  }
0x3e: {  	_ =	swait.ge [sflag:s17], $0x2800  }
0x3f: {  	[sflag:s17] =	ssyncset.done $0x0  }
0x40: {  	[sflag:s17] =	ssyncadd.s32 $0xFFFFD800  }
0x41: {  	[spmem:s12] =	stream.linear.scatter [tilespmem:s18], [sflag:$0x3], $0x2800, $0x38;
	[tilespmem:$0x1CA80] =	vst v63  }
0x42: {  	_ =	swait.ge [sflag:s17], $0x2800  }
0x43: {  	[sflag:s17] =	ssyncset.done $0x0  }
0x44: {  	[sflag:s17] =	ssyncadd.s32 $0xFFFFD800  }
0x45: {  	[spmem:s13] =	stream.linear.scatter [tilespmem:s18], [sflag:$0x3], $0x2080, $0x38;
	[tilespmem:$0x1CA80] =	vst v63  }
0x46: {  	_ =	swait.ge [sflag:s17], $0x2080  }
0x47: {  	[sflag:s17] =	ssyncset.done $0x0  }
0x48: {  	[sflag:s17] =	ssyncadd.s32 $0xFFFFDF80  }
0x49: {  	[bflag:$0x0] =	sbarrier.arrive $0xFFFF  }
0x4a: {  	v1 =	vld [tilespmem:$0x0];
	_ =	sdelay $0x1  }
0x4b: {  	v2 =	vld [tilespmem:$0x10];
	_ =	sdelay $0x1  }
0x4c: {  	v3 =	vld [tilespmem:$0x20]  }
0x4d: {  	v4 =	vshra.s32 v1, $0xE  }
0x4e: {  	v61 =	vld [tilespmem:$0x30];
	v1 =	vand.u32 $0x3FFF, v1;
	[tilespmem:$0x4000] =	vst v4  }
0x4f: {  	[tilespmem:$0x4100] =	vst v1;
	v1 =	vshra.s32 v2, $0xE  }
0x50: {  	[tilespmem:$0x4010] =	vst v1;
	v1 =	vand.u32 $0x3FFF, v2;
	v2 =	vld [tilespmem:$0x40]  }
0x51: {  	[tilespmem:$0x4110] =	vst v1;
	v1 =	vshra.s32 v3, $0xE  }
0x52: {  	[tilespmem:$0x4020] =	vst v1;
	v1 =	vand.u32 $0x3FFF, v3  }
0x53: {  	[tilespmem:$0x4120] =	vst v1;
	v1 =	vshra.s32 v61, $0xE  }
0x54: {  	[tilespmem:$0x4030] =	vst v1;
	v1 =	vand.u32 $0x3FFF, v61  }
0x55: {  	[tilespmem:$0x4130] =	vst v1;
	v1 =	vshra.s32 v2, $0xE  }
0x56: {  	[tilespmem:$0x4040] =	vst v1;
	v1 =	vand.u32 $0x3FFF, v2  }
0x57: {  	[tilespmem:$0x4140] =	vst v1  }
0x58: {  	[tilespmem:s18], [sflag:$0x3] =	stream.indirect.gather [hbm4b:s4+s19], $0x80, s20, s19, $0xb8;
	[tilespmem:$0x1CA80] =	vst v63  }
0x59: {  	_ =	swait.ge [sflag:s17], $0x2800  }
0x5a: {  	[sflag:s17] =	ssyncset.done $0x0  }
0x5b: {  	[sflag:s17] =	ssyncadd.s32 $0xFFFFD800  }
0x5c: {  	[spmem:s1] =	stream.indirect.scatter.add.f32 [tilespmem:s18], [sflag:$0x1], $0x80, s21, s19, $0xb8;
	[tilespmem:$0x1CA80] =	vst v63  }
0x5d: {  	v1 =	vld [tilespmem:$0x80];
	_ =	sdelay $0x1  }
0x5e: {  	v2 =	vld [tilespmem:$0x90];
	_ =	sdelay $0x1  }
0x5f: {  	v3 =	vld [tilespmem:$0xA0]  }
0x60: {  	v62 =	vshra.s32 v1, $0xE  }
0x61: {  	v63 =	vld [tilespmem:$0xB0];
	v1 =	vand.u32 $0x3FFF, v1;
	[tilespmem:$0x4080] =	vst v62  }
0x62: {  	[tilespmem:$0x4180] =	vst v1;
	v1 =	vshra.s32 v2, $0xE  }
0x63: {  	[tilespmem:$0x4090] =	vst v1;
	v1 =	vand.u32 $0x3FFF, v2;
	v2 =	vld [tilespmem:$0xC0]  }
0x64: {  	[tilespmem:$0x4190] =	vst v1;
	v1 =	vshra.s32 v3, $0xE  }
0x65: {  	[tilespmem:$0x40A0] =	vst v1;
	v1 =	vand.u32 $0x3FFF, v3  }
0x66: {  	[tilespmem:$0x41A0] =	vst v1;
	v1 =	vshra.s32 v63, $0xE  }
0x67: {  	[tilespmem:$0x40B0] =	vst v1;
	v1 =	vand.u32 $0x3FFF, v63  }
0x68: {  	[tilespmem:$0x41B0] =	vst v1;
	v1 =	vshra.s32 v2, $0xE  }
0x69: {  	[tilespmem:$0x40C0] =	vst v1;
	v1 =	vand.u32 $0x3FFF, v2  }
0x6a: {  	[tilespmem:$0x41C0] =	vst v1  }
0x6b: {  	[tilespmem:s23], [sflag:$0x3] =	stream.indirect.gather [hbm4b:s4+s19], $0x80, s22, s19, $0xb8;
	[tilespmem:$0x1CA80] =	vst v63  }
0x6c: {  	_ =	swait.ge [sflag:s17], $0x2800  }
0x6d: {  	[sflag:s17] =	ssyncset.done $0x0  }
0x6e: {  	[sflag:s17] =	ssyncadd.s32 $0xFFFFD800  }
0x6f: {  	[spmem:s1] =	stream.indirect.scatter.add.f32 [tilespmem:s23], [sflag:$0x2], $0x80, s26, s19, $0xb8;
	[tilespmem:$0x1CA80] =	vst v63  }
0x70: {  	_ =	swait.ge [sflag:s28], $0x2800  }
0x71: {  	[sflag:s28] =	ssyncset.done $0x0  }
0x72: {  	s0 =	simm.s32 $0x1C0;
	[sflag:s28] =	ssyncadd.s32 $0xFFFFD800  }
0x73: {  	v1 =	vld [tilespmem:s0+$0xFFFFFF40];
	_ =	sdelay $0x4  }
0x74: {  	v2 =	vshra.s32 v1, $0xE  }
0x75: {  	v1 =	vand.u32 $0x3FFF, v1;
	[tilespmem:$0x4000] =	vst v2  }
0x76: {  	[tilespmem:$0x4100] =	vst v1  }
0x77: {  	v1 =	vld [tilespmem:s0+$0xFFFFFF50];
	_ =	sdelay $0x4  }
0x78: {  	v2 =	vshra.s32 v1, $0xE  }
0x79: {  	v1 =	vand.u32 $0x3FFF, v1;
	[tilespmem:$0x4010] =	vst v2  }
0x7a: {  	[tilespmem:$0x4110] =	vst v1  }
0x7b: {  	v1 =	vld [tilespmem:s0+$0xFFFFFF60];
	_ =	sdelay $0x4  }
0x7c: {  	v2 =	vshra.s32 v1, $0xE  }
0x7d: {  	v1 =	vand.u32 $0x3FFF, v1;
	[tilespmem:$0x4020] =	vst v2  }
0x7e: {  	[tilespmem:$0x4120] =	vst v1  }
0x7f: {  	v1 =	vld [tilespmem:s0+$0xFFFFFF70];
	_ =	sdelay $0x4  }
0x80: {  	v2 =	vshra.s32 v1, $0xE  }
0x81: {  	v1 =	vand.u32 $0x3FFF, v1;
	[tilespmem:$0x4030] =	vst v2  }
0x82: {  	[tilespmem:$0x4130] =	vst v1  }
0x83: {  	v1 =	vld [tilespmem:s0+$0xFFFFFF80];
	_ =	sdelay $0x4  }
0x84: {  	v2 =	vshra.s32 v1, $0xE  }
0x85: {  	v1 =	vand.u32 $0x3FFF, v1;
	[tilespmem:$0x4040] =	vst v2  }
0x86: {  	[tilespmem:$0x4140] =	vst v1  }
0x87: {  	[tilespmem:s18], [sflag:$0x3] =	stream.indirect.gather [hbm4b:s4+s19], $0x80, s20, s19, $0xb8;
	[tilespmem:$0x1CA80] =	vst v63  }
0x88: {  	_ =	swait.ge [sflag:s17], $0x2800  }
0x89: {  	[sflag:s17] =	ssyncset.done $0x0  }
0x8a: {  	[sflag:s17] =	ssyncadd.s32 $0xFFFFD800  }
0x8b: {  	[spmem:s1] =	stream.indirect.scatter.add.f32 [tilespmem:s18], [sflag:$0x1], $0x80, s21, s19, $0xb8;
	[tilespmem:$0x1CA80] =	vst v63  }
0x8c: {  	_ =	swait.ge [sflag:s29], $0x2800  }
0x8d: {  	[sflag:s29] =	ssyncset.done $0x0  }
0x8e: {  	[sflag:s29] =	ssyncadd.s32 $0xFFFFD800  }
0x8f: {  	v1 =	vld [tilespmem:s0+$0xFFFFFFC0];
	_ =	sdelay $0x4  }
0x90: {  	v2 =	vshra.s32 v1, $0xE  }
0x91: {  	v1 =	vand.u32 $0x3FFF, v1;
	[tilespmem:$0x4080] =	vst v2  }
0x92: {  	[tilespmem:$0x4180] =	vst v1  }
0x93: {  	v1 =	vld [tilespmem:s0+$0xFFFFFFD0];
	_ =	sdelay $0x4  }
0x94: {  	v2 =	vshra.s32 v1, $0xE  }
0x95: {  	v1 =	vand.u32 $0x3FFF, v1;
	[tilespmem:$0x4090] =	vst v2  }
0x96: {  	[tilespmem:$0x4190] =	vst v1  }
0x97: {  	v1 =	vld [tilespmem:s0+$0xFFFFFFE0];
	_ =	sdelay $0x4  }
0x98: {  	v2 =	vshra.s32 v1, $0xE  }
0x99: {  	v1 =	vand.u32 $0x3FFF, v1;
	[tilespmem:$0x40A0] =	vst v2  }
0x9a: {  	[tilespmem:$0x41A0] =	vst v1  }
0x9b: {  	v1 =	vld [tilespmem:s0+$0xFFFFFFF0];
	_ =	sdelay $0x4  }
0x9c: {  	v2 =	vshra.s32 v1, $0xE  }
0x9d: {  	v1 =	vand.u32 $0x3FFF, v1;
	[tilespmem:$0x40B0] =	vst v2  }
0x9e: {  	[tilespmem:$0x41B0] =	vst v1  }
0x9f: {  	s31 =	simm.s32 $0xB00;
	v1 =	vld [tilespmem:s0+$0x0]  }
.LBB2_4:
0xa0: {  	_ = 	snop  }
0xa1: {  	p1 =	sne.s32 s31, $0xF700;
	s0 =	smov.u32 s31;
	s31 =	sadd.s32 $0x400, s31  }
0xa2: {  	_ =	sdelay $0x1  }
0xa3: {  	v2 =	vshra.s32 v1, $0xE;
	v1 =	vand.u32 $0x3FFF, v1  }
0xa4: {  	[tilespmem:$0x40C0] =	vst v2  }
0xa5: {  	[tilespmem:$0x41C0] =	vst v1  }
0xa6: {  	[tilespmem:s23], [sflag:$0x3] =	stream.indirect.gather [hbm4b:s4+s19], $0x80, s22, s19, $0xb8;
	[tilespmem:$0x1CA80] =	vst v63  }
0xa7: {  	_ =	swait.ge [sflag:s17], $0x2800  }
0xa8: {  	[sflag:s17] =	ssyncset.done $0x0  }
0xa9: {  	[sflag:s17] =	ssyncadd.s32 $0xFFFFD800  }
0xaa: {  	[spmem:s1] =	stream.indirect.scatter.add.f32 [tilespmem:s23], [sflag:$0x2], $0x80, s26, s19, $0xb8;
	[tilespmem:$0x1CA80] =	vst v63  }
0xab: {  	_ =	swait.ge [sflag:s28], $0x2800  }
0xac: {  	[sflag:s28] =	ssyncset.done $0x0  }
0xad: {  	s0 =	sshra.s32 s0, $0x2;
	[sflag:s28] =	ssyncadd.s32 $0xFFFFD800  }
0xae: {  	v1 =	vld [tilespmem:s0+$0xFFFFFF40];
	_ =	sdelay $0x4  }
0xaf: {  	v2 =	vshra.s32 v1, $0xE;
	v1 =	vand.u32 $0x3FFF, v1  }
0xb0: {  	[tilespmem:$0x4000] =	vst v2  }
0xb1: {  	[tilespmem:$0x4100] =	vst v1  }
0xb2: {  	v1 =	vld [tilespmem:s0+$0xFFFFFF50];
	_ =	sdelay $0x4  }
0xb3: {  	v2 =	vshra.s32 v1, $0xE;
	v1 =	vand.u32 $0x3FFF, v1  }
0xb4: {  	[tilespmem:$0x4010] =	vst v2  }
0xb5: {  	[tilespmem:$0x4110] =	vst v1  }
0xb6: {  	v1 =	vld [tilespmem:s0+$0xFFFFFF60];
	_ =	sdelay $0x4  }
0xb7: {  	v2 =	vshra.s32 v1, $0xE;
	v1 =	vand.u32 $0x3FFF, v1  }
0xb8: {  	[tilespmem:$0x4020] =	vst v2  }
0xb9: {  	[tilespmem:$0x4120] =	vst v1  }
0xba: {  	v1 =	vld [tilespmem:s0+$0xFFFFFF70];
	_ =	sdelay $0x4  }
0xbb: {  	v2 =	vshra.s32 v1, $0xE;
	v1 =	vand.u32 $0x3FFF, v1  }
0xbc: {  	[tilespmem:$0x4030] =	vst v2  }
0xbd: {  	[tilespmem:$0x4130] =	vst v1  }
0xbe: {  	v1 =	vld [tilespmem:s0+$0xFFFFFF80];
	_ =	sdelay $0x4  }
0xbf: {  	v2 =	vshra.s32 v1, $0xE;
	v1 =	vand.u32 $0x3FFF, v1  }
0xc0: {  	[tilespmem:$0x4040] =	vst v2  }
0xc1: {  	[tilespmem:$0x4140] =	vst v1  }
0xc2: {  	[tilespmem:s18], [sflag:$0x3] =	stream.indirect.gather [hbm4b:s4+s19], $0x80, s20, s19, $0xb8;
	[tilespmem:$0x1CA80] =	vst v63  }
0xc3: {  	_ =	swait.ge [sflag:s17], $0x2800  }
0xc4: {  	[sflag:s17] =	ssyncset.done $0x0  }
0xc5: {  	[sflag:s17] =	ssyncadd.s32 $0xFFFFD800  }
0xc6: {  	[spmem:s1] =	stream.indirect.scatter.add.f32 [tilespmem:s18], [sflag:$0x1], $0x80, s21, s19, $0xb8;
	[tilespmem:$0x1CA80] =	vst v63  }
0xc7: {  	_ =	swait.ge [sflag:s29], $0x2800  }
0xc8: {  	[sflag:s29] =	ssyncset.done $0x0  }
0xc9: {  	[sflag:s29] =	ssyncadd.s32 $0xFFFFD800  }
0xca: {  	v1 =	vld [tilespmem:s0+$0xFFFFFFC0];
	_ =	sdelay $0x4  }
0xcb: {  	v2 =	vshra.s32 v1, $0xE;
	v1 =	vand.u32 $0x3FFF, v1  }
0xcc: {  	[tilespmem:$0x4080] =	vst v2  }
0xcd: {  	[tilespmem:$0x4180] =	vst v1  }
0xce: {  	v1 =	vld [tilespmem:s0+$0xFFFFFFD0];
	_ =	sdelay $0x4  }
0xcf: {  	v2 =	vshra.s32 v1, $0xE;
	v1 =	vand.u32 $0x3FFF, v1  }
0xd0: {  	[tilespmem:$0x4090] =	vst v2  }
0xd1: {  	[tilespmem:$0x4190] =	vst v1  }
0xd2: {  	v1 =	vld [tilespmem:s0+$0xFFFFFFE0];
	_ =	sdelay $0x4  }
0xd3: {  	v2 =	vshra.s32 v1, $0xE;
	v1 =	vand.u32 $0x3FFF, v1  }
0xd4: {  	[tilespmem:$0x40A0] =	vst v2  }
0xd5: {  	[tilespmem:$0x41A0] =	vst v1  }
0xd6: {  	v1 =	vld [tilespmem:s0+$0xFFFFFFF0];
	_ =	sdelay $0x3  }
.Ltmp1:
0xd7: {  	(pc) =	sbr.rel @p1 .LBB2_4-.Ltmp1, $4  }
0xd8: {  	v2 =	vshra.s32 v1, $0xE;
	v1 =	vand.u32 $0x3FFF, v1  }
0xd9: {  	[tilespmem:$0x40B0] =	vst v2  }
0xda: {  	[tilespmem:$0x41B0] =	vst v1  }
0xdb: {  	v1 =	vld [tilespmem:s0+$0x0]  }
0xdc: {  	_ =	sdelay $0x3  }
0xdd: {  	v2 =	vshra.s32 v1, $0xE  }
0xde: {  	v1 =	vand.u32 $0x3FFF, v1;
	[tilespmem:$0x40C0] =	vst v2  }
0xdf: {  	[tilespmem:$0x41C0] =	vst v1  }
0xe0: {  	[tilespmem:s23], [sflag:$0x3] =	stream.indirect.gather [hbm4b:s4+s19], $0x80, s22, s19, $0xb8;
	[tilespmem:$0x1CA80] =	vst v63  }
0xe1: {  	_ =	swait.ge [sflag:s17], $0x2800  }
0xe2: {  	[sflag:s17] =	ssyncset.done $0x0  }
0xe3: {  	[sflag:s17] =	ssyncadd.s32 $0xFFFFD800  }
0xe4: {  	[spmem:s1] =	stream.indirect.scatter.add.f32 [tilespmem:s23], [sflag:$0x2], $0x80, s26, s19, $0xb8;
	[tilespmem:$0x1CA80] =	vst v63  }
0xe5: {  	_ =	swait.ge [sflag:s28], $0x2800  }
0xe6: {  	[sflag:s28] =	ssyncset.done $0x0  }
0xe7: {  	[sflag:s28] =	ssyncadd.s32 $0xFFFFD800  }
0xe8: {  	v1 =	vld [tilespmem:$0x3E00];
	_ =	sdelay $0x1  }
0xe9: {  	v2 =	vld [tilespmem:$0x3E10];
	_ =	sdelay $0x1  }
0xea: {  	v3 =	vld [tilespmem:$0x3E20]  }
0xeb: {  	v4 =	vshra.s32 v1, $0xE  }
0xec: {  	v63 =	vld [tilespmem:$0x3E30];
	v1 =	vand.u32 $0x3FFF, v1;
	[tilespmem:$0x4000] =	vst v4  }
0xed: {  	[tilespmem:$0x4100] =	vst v1;
	v1 =	vshra.s32 v2, $0xE  }
0xee: {  	[tilespmem:$0x4010] =	vst v1;
	v1 =	vand.u32 $0x3FFF, v2;
	v2 =	vld [tilespmem:$0x3E40]  }
0xef: {  	[tilespmem:$0x4110] =	vst v1;
	v1 =	vshra.s32 v3, $0xE  }
0xf0: {  	[tilespmem:$0x4020] =	vst v1;
	v1 =	vand.u32 $0x3FFF, v3  }
0xf1: {  	[tilespmem:$0x4120] =	vst v1;
	v1 =	vshra.s32 v63, $0xE  }
0xf2: {  	[tilespmem:$0x4030] =	vst v1;
	v1 =	vand.u32 $0x3FFF, v63  }
0xf3: {  	[tilespmem:$0x4130] =	vst v1;
	v1 =	vshra.s32 v2, $0xE  }
0xf4: {  	[tilespmem:$0x4040] =	vst v1;
	v1 =	vand.u32 $0x3FFF, v2  }
0xf5: {  	[tilespmem:$0x4140] =	vst v1  }
0xf6: {  	[tilespmem:s18], [sflag:$0x3] =	stream.indirect.gather [hbm4b:s4+s19], $0x80, s20, s19, $0xb8;
	[tilespmem:$0x1CA80] =	vst v63  }
0xf7: {  	_ =	swait.ge [sflag:s17], $0x2800  }
0xf8: {  	[sflag:s17] =	ssyncset.done $0x0  }
0xf9: {  	[sflag:s17] =	ssyncadd.s32 $0xFFFFD800  }
0xfa: {  	[spmem:s1] =	stream.indirect.scatter.add.f32 [tilespmem:s18], [sflag:$0x1], $0x80, s21, s19, $0xb8;
	[tilespmem:$0x1CA80] =	vst v63  }
0xfb: {  	_ =	swait.ge [sflag:s28], $0x2800  }
0xfc: {  	[sflag:s28] =	ssyncset.done $0x0  }
0xfd: {  	[sflag:s28] =	ssyncadd.s32 $0xFFFFD800  }
0xfe: {  	_ =	swait.ge [sflag:s29], $0x2800  }
0xff: {  	[sflag:s29] =	ssyncset.done $0x0  }
0x100: {  	[sflag:s29] =	ssyncadd.s32 $0xFFFFD800  }
0x101: {  	s0 =	simm.s32 @p0 $0x1FC3;
	[bflag:$0x0] =	sbarrier.arrive $0xFFFF  }
0x102: {  	[hbm:s15], [sflag:s0] =	dma.local @p0 [spmem:s24], $0x1900  }
0x103: {  	s0 =	simm.s32 @p0 $0x3  }
0x104: {  	_ =	swait.ge @p0 [sflag:s0], $0x1900  }
0x105: {  	s31 =	sshll.u32 @!p0 s3, $0x6;
	s30 =	sadd.s32 $0x1, s30;
	[sflag:s0] =	ssyncset.done @p0 $0x0  }
0x106: {  	p1 =	sne.s32 s30, s16;
	[sflag:s0] =	ssyncadd.s32 @p0 $0xFFFFE700;
	s0 =	sor.u32 @!p0 $0x1C03, s31  }
0x107: {  	[hbm:s14], [sflag:s0] =	dma.local @!p0 [spmem:s25], $0x2800  }
.Ltmp2:
0x108: {  	_ = 	snop;
	(pc) =	sbr.rel @p1 .LBB2_1-.Ltmp2, $4  }
0x109: {  	s0 =	simm.s32 @!p0 $0x3  }
0x10a: {  	_ =	swait.ge @!p0 [sflag:s0], $0x2800  }
0x10b: {  	[sflag:s0] =	ssyncset.done @!p0 $0x0  }
0x10c: {  	[sflag:s0] =	ssyncadd.s32 @!p0 $0xFFFFD800  }
0x10d: {  	_ =	sfence.sel $0x180000  }
0x10e: {  	[bflag:$0x0] =	sbarrier.arrive $0xFFFF  }
0x10f: {  	_ =	strace $0x90000047  }
0x110: {  	[bflag:$0x2] =	sbarrier.arrive $0xFFFF  }
0x111: {  	p0 =	sne.s32 s3, $0x0;
	s0 =	rddreg [dreg:$0x3]  }
0x112: {  	s0 =	sadd.s32 @!p0 $0x100000, s0  }
0x113: {  	[sflag:s0] =	ssyncadd.tile.s32 @!p0 $0x1;
	_ =	shalt  }
.Lfunc_end2:
_tile_overlayer_lowered:
.L_overlay_start_2:
0x114: {  	(tag) =	ssettag $0x2  }
0x115: {  	s0 =	rddreg [dreg:$0x0];
	s2 =	stileid.u32  }
0x116: {  	s1 =	rddreg [dreg:$0x1];
	p0 =	sne.s32 s2, $0x0  }
0x117: {  	s3 =	rddreg [dreg:$0x2];
	[bflag:$0x3] =	sbarrier.arrive $0xFFFF;
	s2 =	simm.s32 @!p0 $0x1C03  }
0x118: {  	[timem:s3], [sflag:s2] =	dma.local @!p0 [hbm:s0], s1  }
0x119: {  	s0 =	simm.s32 @!p0 $0x3  }
0x11a: {  	_ =	swait.ge @!p0 [sflag:s0], s1  }
0x11b: {  	s1 =	ssub.s32 @!p0 $0x0, s1;
	[sflag:s0] =	ssyncset.done @!p0 $0x0  }
0x11c: {  	[sflag:s0] =	ssyncadd.s32 @!p0 s1  }
0x11d: {  	[bflag:$0x3] =	sbarrier.arrive $0xFFFF  }
0x11e: {  	_ =	shalt  }

// kernel: sc_seg_sum.7.cloned.1.call-start
scs
__scs_entry_jumppad:
0x0: {  	(pc) =	sbr.rel $0x88, $3  }
0x1: {  	(tag) =	ssettag $0x0;
	lr =	simm.s32 $0x1  }
0x2: {  	[smem:$0x3F97] =	sst lr;
	_ =	strace $0xD0000000  }
0x3: {  	_ = 	snop  }
0x4: {  	_ = 	snop  }
0x5: {  	_ = 	snop  }
0x6: {  	_ = 	snop  }
0x7: {  	_ = 	snop  }
__scs_overlays_trampoline_lowered:
0x8: {  	[smem:$0x3FA6] =	sst s0  }
0x9: {  	[smem:$0x3FA7] =	sst s1  }
0xa: {  	[smem:$0x3FA8] =	sst s2  }
0xb: {  	[smem:$0x3FA9] =	sst s3  }
0xc: {  	[smem:$0x3FAA] =	sst s4  }
0xd: {  	[smem:$0x3FAB] =	sst s5  }
0xe: {  	[smem:$0x3FAC] =	sst s6  }
0xf: {  	[smem:$0x3FAD] =	sst s7  }
0x10: {  	[smem:$0x3FAE] =	sst s8  }
0x11: {  	[smem:$0x3FAF] =	sst s9;
	s0 =	simm.s32 @!p0 $0x0  }
0x12: {  	s1 =	sld [smem:$0x3F95];
	s0 =	simm.s32 @p0 $0x1  }
0x13: {  	[smem:$0x3FB0] =	sst s0;
	s0 =	simm.s32 @!p1 $0x0  }
0x14: {  	s2 =	sld [smem:$0x3F94];
	s0 =	simm.s32 @p1 $0x1  }
0x15: {  	[smem:$0x3FB1] =	sst s0;
	s0 =	simm.s32 @!p2 $0x0  }
0x16: {  	s3 =	sld [smem:$0x3FDB];
	s0 =	simm.s32 @p2 $0x1  }
0x17: {  	s4 =	simm.s32 $0x1BF5;
	[smem:$0x3FB3] =	sst s0  }
0x18: {  	s0 =	sld [smem:$0x3F96];
	_ =	swait.ge [sflag:s4], $0x0  }
0x19: {  	s7 =	sld [smem:$0x3F97]  }
0x1a: {  	s8 =	sadd.s32 $0xFFFFE003, lr  }
0x1b: {  	s9 =	sadd.s32 $0xFFFFFEF7, lr;
	s5 =	simm.s32 $0xFFFFFFFF;
	p2 =	slt.u32 s8, $0xFFFFF086  }
0x1c: {  	p1 =	slt.u32 s9, $0xF7A;
	s5 =	simm.s32 @!p2 $0x0  }
0x1d: {  	s5 =	simm.s32 @p1 $0x1;
	p0 =	seq.s32 s7, s2  }
0x1e: {  	s7 =	smul.u32 @!p0 $0xF7A, s2;
	p2 =	seq.s32 @!p0 s5, $0x0  }
0x1f: {  	s9 =	smul.u32 $0xF7A, s1;
	s8 =	simm.s32 @!p0 $0x1BF5;
	p2 =	por !p2, p0  }
0x20: {  	[sflag:s8] =	ssyncset.s32 @!p0 $0xFFFFF086;
	s6 =	sadd.s32 @!p0 s3, s7;
	s7 =	simm.s32 @!p0 $0x108  }
0x21: {  	s3 =	sadd.s32 s3, s9;
	s6 =	sadd.s32 @!p0 $0x88, s6;
	s7 =	simm.s32 @p2 $0x1082  }
0x22: {  	[simem:s7], [sflag:s8] =	dma.local @!p0 [hbm:s6], $0xF7A  }
0x23: {  	s9 =	sor.u32 $0xD0000000, s2;
	s6 =	simm.s32 $0x108;
	_ =	swait.ge @!p0 [sflag:s8], $0x0  }
0x24: {  	s3 =	sadd.s32 $0x88, s3;
	s6 =	simm.s32 @!p1 $0x1082;
	[sflag:s4] =	ssyncset.s32 $0xFFFFF086  }
0x25: {  	[simem:s6], [sflag:s4] =	dma.local [hbm:s3], $0xF7A  }
0x26: {  	[smem:$0x3F97] =	sst s1;
	(tag) =	ssettag s2;
	_ =	strace s9  }
0x27: {  	s1 =	sld [smem:$0x3FA7]  }
0x28: {  	s2 =	sld [smem:$0x3FA8]  }
0x29: {  	s4 =	sld [smem:$0x3FAA]  }
0x2a: {  	p0 =	seq.s32 s5, $0x0;
	s5 =	sld [smem:$0x3FAB]  }
0x2b: {  	s6 =	sld [smem:$0x3FAC]  }
0x2c: {  	s7 =	sld [smem:$0x3FAD]  }
0x2d: {  	s3 =	simm.s32 $0x108;
	s8 =	sld [smem:$0x3FAE]  }
0x2e: {  	s3 =	simm.s32 @!p0 $0x1082;
	s9 =	sld [smem:$0x3FAF]  }
0x2f: {  	lr =	sadd.s32 s0, s3;
	s0 =	sld [smem:$0x3FA6]  }
0x30: {  	s3 =	sld [smem:$0x3FA9]  }
0x31: {  	[smem:$0x3FB2] =	sst s10  }
0x32: {  	s10 =	sld [smem:$0x3FB0];
	_ =	sdelay $0x3  }
0x33: {  	p0 =	seq.s32 s10, $0x1;
	s10 =	sld [smem:$0x3FB2];
	_ =	sdelay $0x3  }
0x34: {  	[smem:$0x3FB2] =	sst s10  }
0x35: {  	s10 =	sld [smem:$0x3FB1];
	_ =	sdelay $0x3  }
0x36: {  	p1 =	seq.s32 s10, $0x1;
	s10 =	sld [smem:$0x3FB2];
	_ =	sdelay $0x3  }
0x37: {  	[smem:$0x3FB2] =	sst s10  }
0x38: {  	s10 =	sld [smem:$0x3FB3]  }
0x39: {  	_ = 	snop;
	(pc) =	sbr.ind lr, $3  }
0x3a: {  	_ = 	snop  }
0x3b: {  	_ = 	snop  }
0x3c: {  	p2 =	seq.s32 s10, $0x1;
	s10 =	sld [smem:$0x3FB2]  }
0x3d: {  	_ =	shalt  }
0x3e: {  	_ =	shalt  }
0x3f: {  	_ =	shalt  }
0x40: {  	_ =	shalt  }
0x41: {  	_ =	shalt  }
0x42: {  	_ =	shalt  }
0x43: {  	_ =	shalt  }
0x44: {  	_ =	shalt  }
0x45: {  	_ =	shalt  }
0x46: {  	_ =	shalt  }
0x47: {  	_ =	shalt  }
0x48: {  	_ =	shalt  }
0x49: {  	_ =	shalt  }
0x4a: {  	_ =	shalt  }
0x4b: {  	_ =	shalt  }
0x4c: {  	_ =	shalt  }
0x4d: {  	_ =	shalt  }
0x4e: {  	_ =	shalt  }
0x4f: {  	_ =	shalt  }
0x50: {  	_ =	shalt  }
0x51: {  	_ =	shalt  }
0x52: {  	_ =	shalt  }
0x53: {  	_ =	shalt  }
0x54: {  	_ =	shalt  }
0x55: {  	_ =	shalt  }
0x56: {  	_ =	shalt  }
0x57: {  	_ =	shalt  }
0x58: {  	_ =	shalt  }
0x59: {  	_ =	shalt  }
0x5a: {  	_ =	shalt  }
0x5b: {  	_ =	shalt  }
0x5c: {  	_ =	shalt  }
0x5d: {  	_ =	shalt  }
0x5e: {  	_ =	shalt  }
0x5f: {  	_ =	shalt  }
0x60: {  	_ =	shalt  }
0x61: {  	_ =	shalt  }
0x62: {  	_ =	shalt  }
0x63: {  	_ =	shalt  }
0x64: {  	_ =	shalt  }
0x65: {  	_ =	shalt  }
0x66: {  	_ =	shalt  }
0x67: {  	_ =	shalt  }
0x68: {  	_ =	shalt  }
0x69: {  	_ =	shalt  }
0x6a: {  	_ =	shalt  }
0x6b: {  	_ =	shalt  }
0x6c: {  	_ =	shalt  }
0x6d: {  	_ =	shalt  }
0x6e: {  	_ =	shalt  }
0x6f: {  	_ =	shalt  }
0x70: {  	_ =	shalt  }
0x71: {  	_ =	shalt  }
0x72: {  	_ =	shalt  }
0x73: {  	_ =	shalt  }
0x74: {  	_ =	shalt  }
0x75: {  	_ =	shalt  }
0x76: {  	_ =	shalt  }
0x77: {  	_ =	shalt  }
0x78: {  	_ =	shalt  }
0x79: {  	_ =	shalt  }
0x7a: {  	_ =	shalt  }
0x7b: {  	_ =	shalt  }
0x7c: {  	_ =	shalt  }
0x7d: {  	_ =	shalt  }
0x7e: {  	_ =	shalt  }
0x7f: {  	_ =	shalt  }
0x80: {  	_ =	shalt  }
0x81: {  	_ =	shalt  }
0x82: {  	_ =	shalt  }
0x83: {  	_ =	shalt  }
0x84: {  	_ =	shalt  }
0x85: {  	_ =	shalt  }
0x86: {  	_ =	shalt  }
0x87: {  	_ =	shalt  }
.Lfunc_end0:
.L_simem_size_0:
called_computation.2_lowered:
.L_overlay_start_0:
0x88: {  	s2 =	sld [smem:$0x3FD9]  }
0x89: {  	s3 =	sld [smem:$0x3FFE];
	_ =	sdelay $0x1  }
0x8a: {  	s1 =	srdreg.scid  }
0x8b: {  	s0 =	sand.u32 $0x1, s1  }
0x8c: {  	s17 =	sshll.u32 s0, $0xA;
	s2 =	sadd.s32 s3, s2  }
0x8d: {  	s2 =	sadd.s32 s2, s17  }
0x8e: {  	[smem:$0x3FBE] =	sst s2  }
0x8f: {  	_ = 	snop  }
0x90: {  	s2 =	sld [smem:$0x3FD0];
	(tm) =	ssettm $0x1  }
0x91: {  	s18 =	sld [smem:$0x3FFB];
	_ =	sdelay $0x3  }
0x92: {  	_ =	strace s18  }
0x93: {  	s3 =	sld [smem:$0x3FFC];
	_ =	sdelay $0x3  }
0x94: {  	_ =	strace s3  }
0x95: {  	s3 =	sld [smem:$0x3FFD];
	_ =	sdelay $0x3  }
0x96: {  	_ =	strace s3  }
0x97: {  	_ =	strace $0x8FFFFFFF  }
0x98: {  	s19 =	sld [smem:$0x3FDB];
	_ =	sdelay $0x1  }
0x99: {  	s4 =	simm.s32 $_scs_section_size  }
0x9a: {  	s5 =	simm.s32 $_size__tile_overlayer_lowered;
	s6 =	simm.s32 $_tile_overlayer_lowered  }
0x9b: {  	s22 =	simm.s32 $0x1BFF;
	s21 =	sshll.u32 s6, $0x1;
	s3 =	sadd.s32 s4, s19  }
0x9c: {  	s7 =	simm.s32 $0x0;
	s20 =	sshll.u32 s5, $0x1;
	s5 =	sadd.s32 s21, s3  }
0x9d: {  	[timem:s7], [sflag:s22] =	dma.local [hbm:s5], s20  }
0x9e: {  	_ =	swait.ge [sflag:s22], s20  }
0x9f: {  	s4 =	ssub.s32 $0x0, s20;
	[sflag:s22] =	ssyncset.done $0x0  }
0xa0: {  	[sflag:s22] =	ssyncadd.s32 s4;
	_ =	sdelay $0x1  }
0xa1: {  	s23 =	simm.s32 $0x1B8B  }
0xa2: {  	_ =	swait.ge [sflag:s23], $0x1  }
0xa3: {  	[sflag:s23] =	ssyncset.done $0x0  }
0xa4: {  	s25 =	simm.s32 $0x1B8E;
	s24 =	sld [smem:$0x3FFE];
	[sflag:s23] =	ssyncadd.s32 $0xFFFFFFFF  }
0xa5: {  	s26 =	simm.s32 $execute0_lowered;
	[smem:$0x3FD2] =	sst s25  }
0xa6: {  	s5 =	sshll.u32 s26, $0x1;
	_ =	strace $0x8000004C;
	[dreg:$0x1] =	wrdreg $0xFFFFFFFF  }
0xa7: {  	s28 =	simm.s32 $_size_execute0_lowered;
	s3 =	sadd.s32 s3, s5;
	[dreg:$0x0] =	wrdreg $0x0  }
0xa8: {  	s5 =	sshll.u32 s28, $0x1;
	[dreg:$0x2] =	wrdreg s3  }
0xa9: {  	[dreg:$0x3] =	wrdreg s5  }
0xaa: {  	[dreg:$0x4] =	wrdreg $0xC0  }
0xab: {  	_ =	task [dreg:s7], $0x5FFFF  }
0xac: {  	[dreg:$0x1] =	wrdreg $0xFFFFFFFF  }
0xad: {  	[dreg:$0x0] =	wrdreg $0x60  }
0xae: {  	[dreg:$0x2] =	wrdreg s24  }
0xaf: {  	[dreg:$0x3] =	wrdreg s2  }
0xb0: {  	[dreg:$0x4] =	wrdreg $0x92000  }
0xb1: {  	[dreg:$0x5] =	wrdreg $0x9  }
0xb2: {  	_ =	task.clear_ibuf [dreg:s7], $0x6FFFF;
	_ =	strace $0x9000004C  }
0xb3: {  	s29 =	simm.s32 $0x9;
	_ =	strace $0x8000004E  }
0xb4: {  	_ =	swait.ge [sflag:s29], $0x1  }
0xb5: {  	[sflag:s29] =	ssyncadd.s32 $0xFFFFFFFF  }
0xb6: {  	_ =	strace $0x9000004E  }
0xb7: {  	_ =	sfence  }
0xb8: {  	s30 =	sld [smem:$0x0];
	_ =	sdelay $0x2  }
0xb9: {  	s31 =	sshll.u32 s1, $0xD;
	s1 =	sshrl.u32 s1, $0x2  }
0xba: {  	s3 =	sand.u32 $0x4000, s31;
	s1 =	sadd.s32 s1, s30  }
0xbb: {  	s0 =	sor.u32 s3, s0;
	s1 =	sshll.u32 s1, $0x11  }
0xbc: {  	s0 =	sor.u32 s1, s0  }
0xbd: {  	s0 =	sadd.s32 $0x8F2B, s0  }
0xbe: {  	[sflag:s0] =	ssyncadd.remote.s32 $0x1  }
0xbf: {  	_ =	sfence.sel $0xFFFF  }
0xc0: {  	[dreg:$0x0] =	wrdreg $0xFFFFFFFF;
	(pc) =	sbr.abs _section_cstart, $3  }
0xc1: {  	[dreg:$0x1] =	wrdreg $0xFFFFFFFF  }
0xc2: {  	_ =	task.clear_ibuf [dreg:s7], $0x2FFFF;
	_ =	strace $0x9FFFFFFF  }
0xc3: {  	(tm) =	ssettm $0x7FFFFFFF  }
tec
execute0_lowered:
.L_overlay_start_1:
0x0: {  	(tag) =	ssettag $0x1  }
0x1: {  	s0 =	rddreg [dreg:$0x0]  }
0x2: {  	s5 =	rddreg [dreg:$0x1]  }
0x3: {  	s1 =	rddreg [dreg:$0x2];
	s2 =	simm.s32 $0x0  }
0x4: {  	s3 =	srdreg.scid;
	s19 =	simm.s32 $0x50;
	s20 =	simm.s32 $0x4000  }
0x5: {  	s21 =	simm.s32 $0x4100;
	s22 =	simm.s32 $0x4080;
	s23 =	simm.s32 $0x6A00  }
0x6: {  	s28 =	simm.s32 $0x1;
	s29 =	simm.s32 $0x2;
	s30 =	simm.s32 $0x0  }
0x7: {  	[smem:$0x7FF] =	sst s2;
	s7 =	sand.u32 $0x1, s3;
	s3 =	stileid.u32  }
0x8: {  	s4 =	sadd.s32 $0x1E00, s0;
	s0 =	sadd.s32 $0x29000, s0;
	s9 =	smul.u32 $0x4E200, s3  }
0x9: {  	_ =	strace $0x8000004D;
	s6 =	ssub.s32 $0x2, s7;
	s14 =	smul.u32 $0x138800, s7  }
0xa: {  	s24 =	sshll.u32 s3, $0xB;
	s25 =	sshll.u32 s7, $0xF;
	s13 =	smul.u32 $0x14000, s3  }
0xb: {  	s17 =	smul.u32 $0x50000, s3;
	p0 =	seq.s32 s3, $0xF;
	s8 =	sshrl.u32 s6, $0x1  }
0xc: {  	s5 =	sadd.s32 s5, s24;
	s16 =	ssub.s32 s6, s8;
	s26 =	sshrl.u32 s9, $0x2  }
0xd: {  	s5 =	sadd.s32 s25, s5;
	s15 =	sadd.s32 s13, s14;
	s18 =	sshrl.u32 s14, $0x3  }
0xe: {  	s31 =	sshrl.u32 s17, $0x2;
	s17 =	simm.s32 $0x3;
	s6 =	sadd.s32 s26, s1  }
0xf: {  	s15 =	sshrl.u32 s15, $0x3;
	s25 =	sadd.s32 s31, s1;
	s16 =	smax.u32 s16, $0x1  }
0x10: {  	s26 =	simm.s32 $0x4180;
	s7 =	sadd.s32 $0x2800, s6;
	s8 =	sadd.s32 $0x5000, s6  }
0x11: {  	s9 =	sadd.s32 $0x7800, s6;
	s10 =	sadd.s32 $0xA000, s6;
	s11 =	sadd.s32 $0xC800, s6  }
0x12: {  	s12 =	sadd.s32 $0xF000, s6;
	s14 =	sadd.s32 s0, s15;
	s0 =	sadd.s32 s0, s18  }
0x13: {  	s13 =	sadd.s32 $0x11800, s6;
	s15 =	sadd.s32 $0x25800, s0;
	s0 =	sadd.s32 $0x12C000, s1  }
0x14: {  	v0 =	vimm.f32 $0.0e+00;
	s18 =	simm.s32 $0x4200;
	s25 =	sshrl.u32 @!p0 s25, $0x3;
	s24 =	sshrl.u32 @p0 s0, $0x3  }
.LBB2_1:
0x15: {  	[tilespmem:s2], [sflag:$0x3] =	stream.linear.gather [hbm4b:s5+s2], $0x3E80, $0x38;
	[tilespmem:$0x1CA80] =	vst v63  }
0x16: {  	_ =	swait.ge [sflag:s17], $0x3E80  }
0x17: {  	[sflag:s17] =	ssyncset.done $0x0  }
0x18: {  	s0 =	simm.s32 $0x0;
	s31 =	simm.s32 $0x200;
	[sflag:s17] =	ssyncadd.s32 $0xFFFFC180  }
.LBB2_2:
0x19: {  	p1 =	sne.s32 s31, $0x9E00;
	[tilespmem:s0+$0x4270] =	vst v0  }
0x1a: {  	[tilespmem:s0+$0x4200] =	vst v0  }
0x1b: {  	[tilespmem:s0+$0x4210] =	vst v0  }
.Ltmp0:
0x1c: {  	[tilespmem:s0+$0x4220] =	vst v0;
	(pc) =	sbr.rel @p1 .LBB2_2-.Ltmp0, $4  }
0x1d: {  	[tilespmem:s0+$0x4230] =	vst v0  }
0x1e: {  	[tilespmem:s0+$0x4240] =	vst v0  }
0x1f: {  	[tilespmem:s0+$0x4250] =	vst v0  }
0x20: {  	[tilespmem:s0+$0x4260] =	vst v0;
	s0 =	sshra.s32 s31, $0x2;
	s31 =	sadd.s32 $0x200, s31  }
0x21: {  	[tilespmem:s0+$0x4270] =	vst v0  }
0x22: {  	[tilespmem:s0+$0x4200] =	vst v0  }
0x23: {  	[tilespmem:s0+$0x4210] =	vst v0  }
0x24: {  	[tilespmem:s0+$0x4220] =	vst v0  }
0x25: {  	[tilespmem:s0+$0x4230] =	vst v0  }
0x26: {  	[tilespmem:s0+$0x4240] =	vst v0  }
0x27: {  	[tilespmem:s0+$0x4250] =	vst v0  }
0x28: {  	[tilespmem:s0+$0x4260] =	vst v0  }
0x29: {  	[spmem:s6] =	stream.linear.scatter [tilespmem:s18], [sflag:$0x3], $0x2800, $0x38;
	[tilespmem:$0x1CA80] =	vst v63  }
0x2a: {  	_ =	swait.ge [sflag:s17], $0x2800  }
0x2b: {  	[sflag:s17] =	ssyncset.done $0x0  }
0x2c: {  	[sflag:s17] =	ssyncadd.s32 $0xFFFFD800  }
0x2d: {  	[spmem:s7] =	stream.linear.scatter [tilespmem:s18], [sflag:$0x3], $0x2800, $0x38;
	[tilespmem:$0x1CA80] =	vst v63  }
0x2e: {  	_ =	swait.ge [sflag:s17], $0x2800  }
0x2f: {  	[sflag:s17] =	ssyncset.done $0x0  }
0x30: {  	[sflag:s17] =	ssyncadd.s32 $0xFFFFD800  }
0x31: {  	[spmem:s8] =	stream.linear.scatter [tilespmem:s18], [sflag:$0x3], $0x2800, $0x38;
	[tilespmem:$0x1CA80] =	vst v63  }
0x32: {  	_ =	swait.ge [sflag:s17], $0x2800  }
0x33: {  	[sflag:s17] =	ssyncset.done $0x0  }
0x34: {  	[sflag:s17] =	ssyncadd.s32 $0xFFFFD800  }
0x35: {  	[spmem:s9] =	stream.linear.scatter [tilespmem:s18], [sflag:$0x3], $0x2800, $0x38;
	[tilespmem:$0x1CA80] =	vst v63  }
0x36: {  	_ =	swait.ge [sflag:s17], $0x2800  }
0x37: {  	[sflag:s17] =	ssyncset.done $0x0  }
0x38: {  	[sflag:s17] =	ssyncadd.s32 $0xFFFFD800  }
0x39: {  	[spmem:s10] =	stream.linear.scatter [tilespmem:s18], [sflag:$0x3], $0x2800, $0x38;
	[tilespmem:$0x1CA80] =	vst v63  }
0x3a: {  	_ =	swait.ge [sflag:s17], $0x2800  }
0x3b: {  	[sflag:s17] =	ssyncset.done $0x0  }
0x3c: {  	[sflag:s17] =	ssyncadd.s32 $0xFFFFD800  }
0x3d: {  	[spmem:s11] =	stream.linear.scatter [tilespmem:s18], [sflag:$0x3], $0x2800, $0x38;
	[tilespmem:$0x1CA80] =	vst v63  }
0x3e: {  	_ =	swait.ge [sflag:s17], $0x2800  }
0x3f: {  	[sflag:s17] =	ssyncset.done $0x0  }
0x40: {  	[sflag:s17] =	ssyncadd.s32 $0xFFFFD800  }
0x41: {  	[spmem:s12] =	stream.linear.scatter [tilespmem:s18], [sflag:$0x3], $0x2800, $0x38;
	[tilespmem:$0x1CA80] =	vst v63  }
0x42: {  	_ =	swait.ge [sflag:s17], $0x2800  }
0x43: {  	[sflag:s17] =	ssyncset.done $0x0  }
0x44: {  	[sflag:s17] =	ssyncadd.s32 $0xFFFFD800  }
0x45: {  	[spmem:s13] =	stream.linear.scatter [tilespmem:s18], [sflag:$0x3], $0x2080, $0x38;
	[tilespmem:$0x1CA80] =	vst v63  }
0x46: {  	_ =	swait.ge [sflag:s17], $0x2080  }
0x47: {  	[sflag:s17] =	ssyncset.done $0x0  }
0x48: {  	[sflag:s17] =	ssyncadd.s32 $0xFFFFDF80  }
0x49: {  	[bflag:$0x0] =	sbarrier.arrive $0xFFFF  }
0x4a: {  	v1 =	vld [tilespmem:$0x0];
	_ =	sdelay $0x1  }
0x4b: {  	v2 =	vld [tilespmem:$0x10];
	_ =	sdelay $0x1  }
0x4c: {  	v3 =	vld [tilespmem:$0x20]  }
0x4d: {  	v4 =	vshra.s32 v1, $0xE  }
0x4e: {  	v61 =	vld [tilespmem:$0x30];
	v1 =	vand.u32 $0x3FFF, v1;
	[tilespmem:$0x4000] =	vst v4  }
0x4f: {  	[tilespmem:$0x4100] =	vst v1;
	v1 =	vshra.s32 v2, $0xE  }
0x50: {  	[tilespmem:$0x4010] =	vst v1;
	v1 =	vand.u32 $0x3FFF, v2;
	v2 =	vld [tilespmem:$0x40]  }
0x51: {  	[tilespmem:$0x4110] =	vst v1;
	v1 =	vshra.s32 v3, $0xE  }
0x52: {  	[tilespmem:$0x4020] =	vst v1;
	v1 =	vand.u32 $0x3FFF, v3  }
0x53: {  	[tilespmem:$0x4120] =	vst v1;
	v1 =	vshra.s32 v61, $0xE  }
0x54: {  	[tilespmem:$0x4030] =	vst v1;
	v1 =	vand.u32 $0x3FFF, v61  }
0x55: {  	[tilespmem:$0x4130] =	vst v1;
	v1 =	vshra.s32 v2, $0xE  }
0x56: {  	[tilespmem:$0x4040] =	vst v1;
	v1 =	vand.u32 $0x3FFF, v2  }
0x57: {  	[tilespmem:$0x4140] =	vst v1  }
0x58: {  	[tilespmem:s18], [sflag:$0x3] =	stream.indirect.gather [hbm4b:s4+s19], $0x80, s20, s19, $0xb8;
	[tilespmem:$0x1CA80] =	vst v63  }
0x59: {  	_ =	swait.ge [sflag:s17], $0x2800  }
0x5a: {  	[sflag:s17] =	ssyncset.done $0x0  }
0x5b: {  	[sflag:s17] =	ssyncadd.s32 $0xFFFFD800  }
0x5c: {  	[spmem:s1] =	stream.indirect.scatter.add.f32 [tilespmem:s18], [sflag:$0x1], $0x80, s21, s19, $0xb8;
	[tilespmem:$0x1CA80] =	vst v63  }
0x5d: {  	v1 =	vld [tilespmem:$0x80];
	_ =	sdelay $0x1  }
0x5e: {  	v2 =	vld [tilespmem:$0x90];
	_ =	sdelay $0x1  }
0x5f: {  	v3 =	vld [tilespmem:$0xA0]  }
0x60: {  	v62 =	vshra.s32 v1, $0xE  }
0x61: {  	v63 =	vld [tilespmem:$0xB0];
	v1 =	vand.u32 $0x3FFF, v1;
	[tilespmem:$0x4080] =	vst v62  }
0x62: {  	[tilespmem:$0x4180] =	vst v1;
	v1 =	vshra.s32 v2, $0xE  }
0x63: {  	[tilespmem:$0x4090] =	vst v1;
	v1 =	vand.u32 $0x3FFF, v2;
	v2 =	vld [tilespmem:$0xC0]  }
0x64: {  	[tilespmem:$0x4190] =	vst v1;
	v1 =	vshra.s32 v3, $0xE  }
0x65: {  	[tilespmem:$0x40A0] =	vst v1;
	v1 =	vand.u32 $0x3FFF, v3  }
0x66: {  	[tilespmem:$0x41A0] =	vst v1;
	v1 =	vshra.s32 v63, $0xE  }
0x67: {  	[tilespmem:$0x40B0] =	vst v1;
	v1 =	vand.u32 $0x3FFF, v63  }
0x68: {  	[tilespmem:$0x41B0] =	vst v1;
	v1 =	vshra.s32 v2, $0xE  }
0x69: {  	[tilespmem:$0x40C0] =	vst v1;
	v1 =	vand.u32 $0x3FFF, v2  }
0x6a: {  	[tilespmem:$0x41C0] =	vst v1  }
0x6b: {  	[tilespmem:s23], [sflag:$0x3] =	stream.indirect.gather [hbm4b:s4+s19], $0x80, s22, s19, $0xb8;
	[tilespmem:$0x1CA80] =	vst v63  }
0x6c: {  	_ =	swait.ge [sflag:s17], $0x2800  }
0x6d: {  	[sflag:s17] =	ssyncset.done $0x0  }
0x6e: {  	[sflag:s17] =	ssyncadd.s32 $0xFFFFD800  }
0x6f: {  	[spmem:s1] =	stream.indirect.scatter.add.f32 [tilespmem:s23], [sflag:$0x2], $0x80, s26, s19, $0xb8;
	[tilespmem:$0x1CA80] =	vst v63  }
0x70: {  	_ =	swait.ge [sflag:s28], $0x2800  }
0x71: {  	[sflag:s28] =	ssyncset.done $0x0  }
0x72: {  	s0 =	simm.s32 $0x1C0;
	[sflag:s28] =	ssyncadd.s32 $0xFFFFD800  }
0x73: {  	v1 =	vld [tilespmem:s0+$0xFFFFFF40];
	_ =	sdelay $0x4  }
0x74: {  	v2 =	vshra.s32 v1, $0xE  }
0x75: {  	v1 =	vand.u32 $0x3FFF, v1;
	[tilespmem:$0x4000] =	vst v2  }
0x76: {  	[tilespmem:$0x4100] =	vst v1  }
0x77: {  	v1 =	vld [tilespmem:s0+$0xFFFFFF50];
	_ =	sdelay $0x4  }
0x78: {  	v2 =	vshra.s32 v1, $0xE  }
0x79: {  	v1 =	vand.u32 $0x3FFF, v1;
	[tilespmem:$0x4010] =	vst v2  }
0x7a: {  	[tilespmem:$0x4110] =	vst v1  }
0x7b: {  	v1 =	vld [tilespmem:s0+$0xFFFFFF60];
	_ =	sdelay $0x4  }
0x7c: {  	v2 =	vshra.s32 v1, $0xE  }
0x7d: {  	v1 =	vand.u32 $0x3FFF, v1;
	[tilespmem:$0x4020] =	vst v2  }
0x7e: {  	[tilespmem:$0x4120] =	vst v1  }
0x7f: {  	v1 =	vld [tilespmem:s0+$0xFFFFFF70];
	_ =	sdelay $0x4  }
0x80: {  	v2 =	vshra.s32 v1, $0xE  }
0x81: {  	v1 =	vand.u32 $0x3FFF, v1;
	[tilespmem:$0x4030] =	vst v2  }
0x82: {  	[tilespmem:$0x4130] =	vst v1  }
0x83: {  	v1 =	vld [tilespmem:s0+$0xFFFFFF80];
	_ =	sdelay $0x4  }
0x84: {  	v2 =	vshra.s32 v1, $0xE  }
0x85: {  	v1 =	vand.u32 $0x3FFF, v1;
	[tilespmem:$0x4040] =	vst v2  }
0x86: {  	[tilespmem:$0x4140] =	vst v1  }
0x87: {  	[tilespmem:s18], [sflag:$0x3] =	stream.indirect.gather [hbm4b:s4+s19], $0x80, s20, s19, $0xb8;
	[tilespmem:$0x1CA80] =	vst v63  }
0x88: {  	_ =	swait.ge [sflag:s17], $0x2800  }
0x89: {  	[sflag:s17] =	ssyncset.done $0x0  }
0x8a: {  	[sflag:s17] =	ssyncadd.s32 $0xFFFFD800  }
0x8b: {  	[spmem:s1] =	stream.indirect.scatter.add.f32 [tilespmem:s18], [sflag:$0x1], $0x80, s21, s19, $0xb8;
	[tilespmem:$0x1CA80] =	vst v63  }
0x8c: {  	_ =	swait.ge [sflag:s29], $0x2800  }
0x8d: {  	[sflag:s29] =	ssyncset.done $0x0  }
0x8e: {  	[sflag:s29] =	ssyncadd.s32 $0xFFFFD800  }
0x8f: {  	v1 =	vld [tilespmem:s0+$0xFFFFFFC0];
	_ =	sdelay $0x4  }
0x90: {  	v2 =	vshra.s32 v1, $0xE  }
0x91: {  	v1 =	vand.u32 $0x3FFF, v1;
	[tilespmem:$0x4080] =	vst v2  }
0x92: {  	[tilespmem:$0x4180] =	vst v1  }
0x93: {  	v1 =	vld [tilespmem:s0+$0xFFFFFFD0];
	_ =	sdelay $0x4  }
0x94: {  	v2 =	vshra.s32 v1, $0xE  }
0x95: {  	v1 =	vand.u32 $0x3FFF, v1;
	[tilespmem:$0x4090] =	vst v2  }
0x96: {  	[tilespmem:$0x4190] =	vst v1  }
0x97: {  	v1 =	vld [tilespmem:s0+$0xFFFFFFE0];
	_ =	sdelay $0x4  }
0x98: {  	v2 =	vshra.s32 v1, $0xE  }
0x99: {  	v1 =	vand.u32 $0x3FFF, v1;
	[tilespmem:$0x40A0] =	vst v2  }
0x9a: {  	[tilespmem:$0x41A0] =	vst v1  }
0x9b: {  	v1 =	vld [tilespmem:s0+$0xFFFFFFF0];
	_ =	sdelay $0x4  }
0x9c: {  	v2 =	vshra.s32 v1, $0xE  }
0x9d: {  	v1 =	vand.u32 $0x3FFF, v1;
	[tilespmem:$0x40B0] =	vst v2  }
0x9e: {  	[tilespmem:$0x41B0] =	vst v1  }
0x9f: {  	s31 =	simm.s32 $0xB00;
	v1 =	vld [tilespmem:s0+$0x0]  }
.LBB2_4:
0xa0: {  	_ = 	snop  }
0xa1: {  	p1 =	sne.s32 s31, $0xF700;
	s0 =	smov.u32 s31;
	s31 =	sadd.s32 $0x400, s31  }
0xa2: {  	_ =	sdelay $0x1  }
0xa3: {  	v2 =	vshra.s32 v1, $0xE;
	v1 =	vand.u32 $0x3FFF, v1  }
0xa4: {  	[tilespmem:$0x40C0] =	vst v2  }
0xa5: {  	[tilespmem:$0x41C0] =	vst v1  }
0xa6: {  	[tilespmem:s23], [sflag:$0x3] =	stream.indirect.gather [hbm4b:s4+s19], $0x80, s22, s19, $0xb8;
	[tilespmem:$0x1CA80] =	vst v63  }
0xa7: {  	_ =	swait.ge [sflag:s17], $0x2800  }
0xa8: {  	[sflag:s17] =	ssyncset.done $0x0  }
0xa9: {  	[sflag:s17] =	ssyncadd.s32 $0xFFFFD800  }
0xaa: {  	[spmem:s1] =	stream.indirect.scatter.add.f32 [tilespmem:s23], [sflag:$0x2], $0x80, s26, s19, $0xb8;
	[tilespmem:$0x1CA80] =	vst v63  }
0xab: {  	_ =	swait.ge [sflag:s28], $0x2800  }
0xac: {  	[sflag:s28] =	ssyncset.done $0x0  }
0xad: {  	s0 =	sshra.s32 s0, $0x2;
	[sflag:s28] =	ssyncadd.s32 $0xFFFFD800  }
0xae: {  	v1 =	vld [tilespmem:s0+$0xFFFFFF40];
	_ =	sdelay $0x4  }
0xaf: {  	v2 =	vshra.s32 v1, $0xE;
	v1 =	vand.u32 $0x3FFF, v1  }
0xb0: {  	[tilespmem:$0x4000] =	vst v2  }
0xb1: {  	[tilespmem:$0x4100] =	vst v1  }
0xb2: {  	v1 =	vld [tilespmem:s0+$0xFFFFFF50];
	_ =	sdelay $0x4  }
0xb3: {  	v2 =	vshra.s32 v1, $0xE;
	v1 =	vand.u32 $0x3FFF, v1  }
0xb4: {  	[tilespmem:$0x4010] =	vst v2  }
0xb5: {  	[tilespmem:$0x4110] =	vst v1  }
0xb6: {  	v1 =	vld [tilespmem:s0+$0xFFFFFF60];
	_ =	sdelay $0x4  }
0xb7: {  	v2 =	vshra.s32 v1, $0xE;
	v1 =	vand.u32 $0x3FFF, v1  }
0xb8: {  	[tilespmem:$0x4020] =	vst v2  }
0xb9: {  	[tilespmem:$0x4120] =	vst v1  }
0xba: {  	v1 =	vld [tilespmem:s0+$0xFFFFFF70];
	_ =	sdelay $0x4  }
0xbb: {  	v2 =	vshra.s32 v1, $0xE;
	v1 =	vand.u32 $0x3FFF, v1  }
0xbc: {  	[tilespmem:$0x4030] =	vst v2  }
0xbd: {  	[tilespmem:$0x4130] =	vst v1  }
0xbe: {  	v1 =	vld [tilespmem:s0+$0xFFFFFF80];
	_ =	sdelay $0x4  }
0xbf: {  	v2 =	vshra.s32 v1, $0xE;
	v1 =	vand.u32 $0x3FFF, v1  }
0xc0: {  	[tilespmem:$0x4040] =	vst v2  }
0xc1: {  	[tilespmem:$0x4140] =	vst v1  }
0xc2: {  	[tilespmem:s18], [sflag:$0x3] =	stream.indirect.gather [hbm4b:s4+s19], $0x80, s20, s19, $0xb8;
	[tilespmem:$0x1CA80] =	vst v63  }
0xc3: {  	_ =	swait.ge [sflag:s17], $0x2800  }
0xc4: {  	[sflag:s17] =	ssyncset.done $0x0  }
0xc5: {  	[sflag:s17] =	ssyncadd.s32 $0xFFFFD800  }
0xc6: {  	[spmem:s1] =	stream.indirect.scatter.add.f32 [tilespmem:s18], [sflag:$0x1], $0x80, s21, s19, $0xb8;
	[tilespmem:$0x1CA80] =	vst v63  }
0xc7: {  	_ =	swait.ge [sflag:s29], $0x2800  }
0xc8: {  	[sflag:s29] =	ssyncset.done $0x0  }
0xc9: {  	[sflag:s29] =	ssyncadd.s32 $0xFFFFD800  }
0xca: {  	v1 =	vld [tilespmem:s0+$0xFFFFFFC0];
	_ =	sdelay $0x4  }
0xcb: {  	v2 =	vshra.s32 v1, $0xE;
	v1 =	vand.u32 $0x3FFF, v1  }
0xcc: {  	[tilespmem:$0x4080] =	vst v2  }
0xcd: {  	[tilespmem:$0x4180] =	vst v1  }
0xce: {  	v1 =	vld [tilespmem:s0+$0xFFFFFFD0];
	_ =	sdelay $0x4  }
0xcf: {  	v2 =	vshra.s32 v1, $0xE;
	v1 =	vand.u32 $0x3FFF, v1  }
0xd0: {  	[tilespmem:$0x4090] =	vst v2  }
0xd1: {  	[tilespmem:$0x4190] =	vst v1  }
0xd2: {  	v1 =	vld [tilespmem:s0+$0xFFFFFFE0];
	_ =	sdelay $0x4  }
0xd3: {  	v2 =	vshra.s32 v1, $0xE;
	v1 =	vand.u32 $0x3FFF, v1  }
0xd4: {  	[tilespmem:$0x40A0] =	vst v2  }
0xd5: {  	[tilespmem:$0x41A0] =	vst v1  }
0xd6: {  	v1 =	vld [tilespmem:s0+$0xFFFFFFF0];
	_ =	sdelay $0x3  }
.Ltmp1:
0xd7: {  	(pc) =	sbr.rel @p1 .LBB2_4-.Ltmp1, $4  }
0xd8: {  	v2 =	vshra.s32 v1, $0xE;
	v1 =	vand.u32 $0x3FFF, v1  }
0xd9: {  	[tilespmem:$0x40B0] =	vst v2  }
0xda: {  	[tilespmem:$0x41B0] =	vst v1  }
0xdb: {  	v1 =	vld [tilespmem:s0+$0x0]  }
0xdc: {  	_ =	sdelay $0x3  }
0xdd: {  	v2 =	vshra.s32 v1, $0xE  }
0xde: {  	v1 =	vand.u32 $0x3FFF, v1;
	[tilespmem:$0x40C0] =	vst v2  }
0xdf: {  	[tilespmem:$0x41C0] =	vst v1  }
0xe0: {  	[tilespmem:s23], [sflag:$0x3] =	stream.indirect.gather [hbm4b:s4+s19], $0x80, s22, s19, $0xb8;
	[tilespmem:$0x1CA80] =	vst v63  }
0xe1: {  	_ =	swait.ge [sflag:s17], $0x2800  }
0xe2: {  	[sflag:s17] =	ssyncset.done $0x0  }
0xe3: {  	[sflag:s17] =	ssyncadd.s32 $0xFFFFD800  }
0xe4: {  	[spmem:s1] =	stream.indirect.scatter.add.f32 [tilespmem:s23], [sflag:$0x2], $0x80, s26, s19, $0xb8;
	[tilespmem:$0x1CA80] =	vst v63  }
0xe5: {  	_ =	swait.ge [sflag:s28], $0x2800  }
0xe6: {  	[sflag:s28] =	ssyncset.done $0x0  }
0xe7: {  	[sflag:s28] =	ssyncadd.s32 $0xFFFFD800  }
0xe8: {  	v1 =	vld [tilespmem:$0x3E00];
	_ =	sdelay $0x1  }
0xe9: {  	v2 =	vld [tilespmem:$0x3E10];
	_ =	sdelay $0x1  }
0xea: {  	v3 =	vld [tilespmem:$0x3E20]  }
0xeb: {  	v4 =	vshra.s32 v1, $0xE  }
0xec: {  	v63 =	vld [tilespmem:$0x3E30];
	v1 =	vand.u32 $0x3FFF, v1;
	[tilespmem:$0x4000] =	vst v4  }
0xed: {  	[tilespmem:$0x4100] =	vst v1;
	v1 =	vshra.s32 v2, $0xE  }
0xee: {  	[tilespmem:$0x4010] =	vst v1;
	v1 =	vand.u32 $0x3FFF, v2;
	v2 =	vld [tilespmem:$0x3E40]  }
0xef: {  	[tilespmem:$0x4110] =	vst v1;
	v1 =	vshra.s32 v3, $0xE  }
0xf0: {  	[tilespmem:$0x4020] =	vst v1;
	v1 =	vand.u32 $0x3FFF, v3  }
0xf1: {  	[tilespmem:$0x4120] =	vst v1;
	v1 =	vshra.s32 v63, $0xE  }
0xf2: {  	[tilespmem:$0x4030] =	vst v1;
	v1 =	vand.u32 $0x3FFF, v63  }
0xf3: {  	[tilespmem:$0x4130] =	vst v1;
	v1 =	vshra.s32 v2, $0xE  }
0xf4: {  	[tilespmem:$0x4040] =	vst v1;
	v1 =	vand.u32 $0x3FFF, v2  }
0xf5: {  	[tilespmem:$0x4140] =	vst v1  }
0xf6: {  	[tilespmem:s18], [sflag:$0x3] =	stream.indirect.gather [hbm4b:s4+s19], $0x80, s20, s19, $0xb8;
	[tilespmem:$0x1CA80] =	vst v63  }
0xf7: {  	_ =	swait.ge [sflag:s17], $0x2800  }
0xf8: {  	[sflag:s17] =	ssyncset.done $0x0  }
0xf9: {  	[sflag:s17] =	ssyncadd.s32 $0xFFFFD800  }
0xfa: {  	[spmem:s1] =	stream.indirect.scatter.add.f32 [tilespmem:s18], [sflag:$0x1], $0x80, s21, s19, $0xb8;
	[tilespmem:$0x1CA80] =	vst v63  }
0xfb: {  	_ =	swait.ge [sflag:s28], $0x2800  }
0xfc: {  	[sflag:s28] =	ssyncset.done $0x0  }
0xfd: {  	[sflag:s28] =	ssyncadd.s32 $0xFFFFD800  }
0xfe: {  	_ =	swait.ge [sflag:s29], $0x2800  }
0xff: {  	[sflag:s29] =	ssyncset.done $0x0  }
0x100: {  	[sflag:s29] =	ssyncadd.s32 $0xFFFFD800  }
0x101: {  	s0 =	simm.s32 @p0 $0x1FC3;
	[bflag:$0x0] =	sbarrier.arrive $0xFFFF  }
0x102: {  	[hbm:s15], [sflag:s0] =	dma.local @p0 [spmem:s24], $0x1900  }
0x103: {  	s0 =	simm.s32 @p0 $0x3  }
0x104: {  	_ =	swait.ge @p0 [sflag:s0], $0x1900  }
0x105: {  	s31 =	sshll.u32 @!p0 s3, $0x6;
	s30 =	sadd.s32 $0x1, s30;
	[sflag:s0] =	ssyncset.done @p0 $0x0  }
0x106: {  	p1 =	sne.s32 s30, s16;
	[sflag:s0] =	ssyncadd.s32 @p0 $0xFFFFE700;
	s0 =	sor.u32 @!p0 $0x1C03, s31  }
0x107: {  	[hbm:s14], [sflag:s0] =	dma.local @!p0 [spmem:s25], $0x2800  }
.Ltmp2:
0x108: {  	_ = 	snop;
	(pc) =	sbr.rel @p1 .LBB2_1-.Ltmp2, $4  }
0x109: {  	s0 =	simm.s32 @!p0 $0x3  }
0x10a: {  	_ =	swait.ge @!p0 [sflag:s0], $0x2800  }
0x10b: {  	[sflag:s0] =	ssyncset.done @!p0 $0x0  }
0x10c: {  	[sflag:s0] =	ssyncadd.s32 @!p0 $0xFFFFD800  }
0x10d: {  	_ =	sfence.sel $0x180000  }
0x10e: {  	[bflag:$0x0] =	sbarrier.arrive $0xFFFF  }
0x10f: {  	_ =	strace $0x9000004D  }
0x110: {  	[bflag:$0x2] =	sbarrier.arrive $0xFFFF  }
0x111: {  	p0 =	sne.s32 s3, $0x0;
	s0 =	rddreg [dreg:$0x3]  }
0x112: {  	s0 =	sadd.s32 @!p0 $0x100000, s0  }
0x113: {  	[sflag:s0] =	ssyncadd.tile.s32 @!p0 $0x1;
	_ =	shalt  }
.Lfunc_end2:
_tile_overlayer_lowered:
.L_overlay_start_2:
0x114: {  	(tag) =	ssettag $0x2  }
0x115: {  	s0 =	rddreg [dreg:$0x0];
	s2 =	stileid.u32  }
0x116: {  	s1 =	rddreg [dreg:$0x1];
	p0 =	sne.s32 s2, $0x0  }
0x117: {  	s3 =	rddreg [dreg:$0x2];
	[bflag:$0x3] =	sbarrier.arrive $0xFFFF;
	s2 =	simm.s32 @!p0 $0x1C03  }
0x118: {  	[timem:s3], [sflag:s2] =	dma.local @!p0 [hbm:s0], s1  }
0x119: {  	s0 =	simm.s32 @!p0 $0x3  }
0x11a: {  	_ =	swait.ge @!p0 [sflag:s0], s1  }
0x11b: {  	s1 =	ssub.s32 @!p0 $0x0, s1;
	[sflag:s0] =	ssyncset.done @!p0 $0x0  }
0x11c: {  	[sflag:s0] =	ssyncadd.s32 @!p0 s1  }
0x11d: {  	[bflag:$0x3] =	sbarrier.arrive $0xFFFF  }
0x11e: {  	_ =	shalt  }

</sc_bundles>
